<compile_context>
chip_gen: v7x
topology: tpu7x:2x2x1
jax: 0.10.2.dev20260603
libtpu: 0.0.44.dev20260713+nightly
codegen_flags: <defaults>
</compile_context>

<pallas_src>
import functools
import math

import jax
import jax.numpy as jnp
from jax import lax
from jax.experimental import pallas as pl
from jax.experimental.pallas import tpu as pltpu
from jax.experimental.pallas import tpu_sc as plsc

EPS = 1e-5
B = 8
N1 = 4096
S1, K1, R1 = 512, 32, 0.2
S2, K2, R2 = 128, 64, 0.4
DPAD = 16



def _fps_body(npoint, n, x_ref, y_ref, z_ref, cx_ref, cy_ref, cz_ref):
    x = x_ref[...]
    y = y_ref[...]
    z = z_ref[...]
    iota = lax.broadcasted_iota(jnp.int32, (B, n), 1)
    siota = lax.broadcasted_iota(jnp.int32, (B, npoint), 1)

    def body(i, carry):
        dist, far, cxa, cya, cza = carry
        sel = iota == far
        cx = jnp.sum(jnp.where(sel, x, 0.0), axis=1, keepdims=True)
        cy = jnp.sum(jnp.where(sel, y, 0.0), axis=1, keepdims=True)
        cz = jnp.sum(jnp.where(sel, z, 0.0), axis=1, keepdims=True)
        slot = siota == i
        cxa = jnp.where(slot, cx, cxa)
        cya = jnp.where(slot, cy, cya)
        cza = jnp.where(slot, cz, cza)
        d = (x - cx) ** 2 + (y - cy) ** 2 + (z - cz) ** 2
        dist = jnp.minimum(dist, d)
        m = jnp.max(dist, axis=1, keepdims=True)
        far = jnp.min(jnp.where(dist == m, iota, n), axis=1, keepdims=True)
        return dist, far, cxa, cya, cza

    dist0 = jnp.full((B, n), 1e10, jnp.float32)
    far0 = jnp.zeros((B, 1), jnp.int32)
    acc0 = jnp.zeros((B, npoint), jnp.float32)
    _, _, cxa, cya, cza = lax.fori_loop(
        0, npoint, body, (dist0, far0, acc0, acc0, acc0))
    cx_ref[...] = cxa
    cy_ref[...] = cya
    cz_ref[...] = cza


def _fps(x, y, z, npoint):
    n = x.shape[1]
    out = jax.ShapeDtypeStruct((B, npoint), jnp.float32)
    return pl.pallas_call(
        functools.partial(_fps_body, npoint, n),
        out_shape=(out, out, out),
    )(x, y, z)



def _bq_body(n, sc, k, r2, x_ref, y_ref, z_ref, cx_ref, cy_ref, cz_ref,
             idx_ref):
    b = pl.program_id(0)
    x = x_ref[0]
    y = y_ref[0]
    z = z_ref[0]
    cx = cx_ref[0]
    cy = cy_ref[0]
    cz = cz_ref[0]
    sq_x = x * x + y * y + z * z
    sq_c = cx * cx + cy * cy + cz * cz
    cmat = jnp.concatenate([cx, cy, cz], axis=1)
    xmat = jnp.concatenate([x, y, z], axis=0)
    dot = jnp.dot(cmat, xmat, preferred_element_type=jnp.float32)
    d = (sq_c + sq_x) - 2.0 * dot
    iota = lax.broadcasted_iota(jnp.int32, (sc, n), 1)
    validn = jnp.where(d <= r2, iota, n)
    first = jnp.min(validn, axis=1, keepdims=True)
    cols = [first]
    prev = first
    for _ in range(1, k):
        nxt = jnp.min(jnp.where(validn > prev, validn, n), axis=1,
                      keepdims=True)
        cols.append(jnp.where(nxt == n, first, nxt))
        prev = nxt
    out = jnp.concatenate(cols, axis=1) + b * n
    idx_ref[0] = out


def _ball_query(x, y, z, cx, cy, cz, nsample, radius, sc=128):
    n = x.shape[1]
    s = cx.shape[1]
    grid = (B, s // sc)
    x3 = x.reshape(B, 1, n)
    c3 = lambda a: a.reshape(B, s, 1)
    cspec = pl.BlockSpec((1, sc, 1), lambda i, j: (i, j, 0))
    xspec = pl.BlockSpec((1, 1, n), lambda i, j: (i, 0, 0))
    return pl.pallas_call(
        functools.partial(_bq_body, n, sc, nsample, radius * radius),
        grid=grid,
        in_specs=[xspec, xspec, xspec, cspec, cspec, cspec],
        out_specs=pl.BlockSpec((1, sc, nsample), lambda i, j: (i, j, 0)),
        out_shape=jax.ShapeDtypeStruct((B, s, nsample), jnp.int32),
    )(x3, y.reshape(B, 1, n), z.reshape(B, 1, n), c3(cx), c3(cy), c3(cz))



_NW = 32
_CH = 128


def _sc_gather(tables, idx, burst):
    m = idx.shape[0]
    per = m // _NW
    nq = per // _CH // burst
    ntab = len(tables)
    mesh = plsc.VectorSubcoreMesh(core_axis_name="c", subcore_axis_name="s")
    out_types = tuple(jax.ShapeDtypeStruct((m, t.shape[1]), jnp.float32)
                      for t in tables)
    scratch = ([pltpu.VMEM((per,), jnp.int32)]
               + [pltpu.VMEM((burst * _CH, t.shape[1]), jnp.float32)
                  for t in tables]
               + [pltpu.SemaphoreType.DMA])

    @functools.partial(
        pl.kernel, mesh=mesh,
        compiler_params=pltpu.CompilerParams(use_tc_tiling_on_sc=False),
        out_type=out_types if ntab > 1 else out_types[0],
        scratch_types=scratch,
    )
    def k(*refs):
        tabs = refs[:ntab]
        idx_hbm = refs[ntab]
        outs = refs[ntab + 1:2 * ntab + 1]
        idx_v = refs[2 * ntab + 1]
        rows = refs[2 * ntab + 2:3 * ntab + 2]
        sem = refs[-1]
        wid = lax.axis_index("s") * 2 + lax.axis_index("c")
        base = pl.multiple_of(wid * per, 8)
        pltpu.sync_copy(idx_hbm.at[pl.ds(base, per)], idx_v)

        def body(q, carry):
            offs = [pl.multiple_of((q * burst + bi) * _CH, 8)
                    for bi in range(burst)]
            for t in range(ntab):
                for bi in range(burst):
                    pltpu.async_copy(
                        tabs[t].at[idx_v.at[pl.ds(offs[bi], _CH)]],
                        rows[t].at[pl.ds(bi * _CH, _CH)], sem)
            for t in range(ntab):
                for bi in range(burst):
                    pltpu.make_async_copy(
                        tabs[t].at[pl.ds(0, _CH)],
                        rows[t].at[pl.ds(bi * _CH, _CH)], sem).wait()
            for t in range(ntab):
                for bi in range(burst):
                    pltpu.sync_copy(
                        rows[t].at[pl.ds(bi * _CH, _CH)],
                        outs[t].at[pl.ds(pl.multiple_of(base + offs[bi], 8),
                                         _CH)])
            return carry

        lax.fori_loop(0, nq, body, 0)

    return k(*tables, idx)



def _affine_relu(h, g, _unused, be):
    return jax.nn.relu(g * (h / jnp.sqrt(jnp.float32(1.0 + EPS))) + be)


def _mlp1_body(gc, k, g_ref, c_ref, w1_ref, w2_ref, w3_ref,
               b1_ref, g1_ref, e1_ref, b2_ref, g2_ref, e2_ref,
               b3_ref, g3_ref, e3_ref, out_ref):
    g = g_ref[...]
    c = c_ref[...]
    ce = jnp.broadcast_to(c[:, None, :], (gc, k, DPAD)).reshape(gc * k, DPAD)
    h = jnp.dot(g - ce, w1_ref[...], preferred_element_type=jnp.float32)
    h = _affine_relu(h + b1_ref[...], g1_ref[...], None, e1_ref[...])
    h = jnp.dot(h, w2_ref[...], preferred_element_type=jnp.float32)
    h = _affine_relu(h + b2_ref[...], g2_ref[...], None, e2_ref[...])
    h = jnp.dot(h, w3_ref[...], preferred_element_type=jnp.float32)
    h = _affine_relu(h + b3_ref[...], g3_ref[...], None, e3_ref[...])
    c3 = h.shape[1]
    out_ref[...] = jnp.max(h.reshape(gc, k, c3), axis=1)


def _sa_mlp1(g, c, wts, k, gc):
    (w1, w2, w3, b1, g1, e1, b2, g2, e2, b3, g3, e3) = wts
    s = c.shape[0]
    grid = (s // gc,)
    cout = w3.shape[1]
    wspec = lambda a: pl.BlockSpec(a.shape, lambda i: (0,) * a.ndim)
    return pl.pallas_call(
        functools.partial(_mlp1_body, gc, k),
        grid=grid,
        in_specs=[
            pl.BlockSpec((gc * k, DPAD), lambda i: (i, 0)),
            pl.BlockSpec((gc, DPAD), lambda i: (i, 0)),
            wspec(w1), wspec(w2), wspec(w3),
            wspec(b1), wspec(g1), wspec(e1),
            wspec(b2), wspec(g2), wspec(e2),
            wspec(b3), wspec(g3), wspec(e3),
        ],
        out_specs=pl.BlockSpec((gc, cout), lambda i: (i, 0)),
        out_shape=jax.ShapeDtypeStruct((s, cout), jnp.float32),
    )(g, c, w1, w2, w3, b1, g1, e1, b2, g2, e2, b3, g3, e3)


def _mlp2_body(gc, k, gx_ref, gf_ref, c_ref, w1a_ref, w1b_ref, w2_ref, w3_ref,
               b1_ref, g1_ref, e1_ref, b2_ref, g2_ref, e2_ref,
               b3_ref, g3_ref, e3_ref, out_ref):
    c = c_ref[...]
    ce = jnp.broadcast_to(c[:, None, :], (gc, k, DPAD)).reshape(gc * k, DPAD)
    inp = jnp.concatenate([gx_ref[...] - ce, gf_ref[...]], axis=1)
    w1 = jnp.concatenate([w1a_ref[...], w1b_ref[...]], axis=0)
    h = jnp.dot(inp, w1, preferred_element_type=jnp.float32)
    h = _affine_relu(h + b1_ref[...], g1_ref[...], None, e1_ref[...])
    h = jnp.dot(h, w2_ref[...], preferred_element_type=jnp.float32)
    h = _affine_relu(h + b2_ref[...], g2_ref[...], None, e2_ref[...])
    h = jnp.dot(h, w3_ref[...], preferred_element_type=jnp.float32)
    h = _affine_relu(h + b3_ref[...], g3_ref[...], None, e3_ref[...])
    c3 = h.shape[1]
    out_ref[...] = jnp.max(h.reshape(gc, k, c3), axis=1)


def _sa_mlp2(gx, gf, c, wts, k, gc):
    (w1a, w1b, w2, w3, b1, g1, e1, b2, g2, e2, b3, g3, e3) = wts
    s = c.shape[0]
    din = gf.shape[1]
    grid = (s // gc,)
    cout = w3.shape[1]
    wspec = lambda a: pl.BlockSpec(a.shape, lambda i: (0,) * a.ndim)
    return pl.pallas_call(
        functools.partial(_mlp2_body, gc, k),
        grid=grid,
        in_specs=[
            pl.BlockSpec((gc * k, DPAD), lambda i: (i, 0)),
            pl.BlockSpec((gc * k, din), lambda i: (i, 0)),
            pl.BlockSpec((gc, DPAD), lambda i: (i, 0)),
            wspec(w1a), wspec(w1b), wspec(w2), wspec(w3),
            wspec(b1), wspec(g1), wspec(e1),
            wspec(b2), wspec(g2), wspec(e2),
            wspec(b3), wspec(g3), wspec(e3),
        ],
        out_specs=pl.BlockSpec((gc, cout), lambda i: (i, 0)),
        out_shape=jax.ShapeDtypeStruct((s, cout), jnp.float32),
    )(gx, gf, c, w1a, w1b, w2, w3, b1, g1, e1, b2, g2, e2, b3, g3, e3)



def _head_body(xyz_ref, feat_ref, w1a_ref, w1b_ref, w2_ref, w3_ref,
               b1_ref, g1_ref, e1_ref, b2_ref, g2_ref, e2_ref,
               b3_ref, g3_ref, e3_ref,
               fc1_ref, fb1_ref, n1g_ref, n1b_ref,
               fc2_ref, fb2_ref, n2g_ref, n2b_ref,
               rw_ref, rb_ref, sw_ref, sb_ref, rot_ref, shf_ref):
    inp = jnp.concatenate([xyz_ref[...], feat_ref[...]], axis=1)
    w1 = jnp.concatenate([w1a_ref[...], w1b_ref[...]], axis=0)
    h = jnp.dot(inp, w1, preferred_element_type=jnp.float32)
    h = _affine_relu(h + b1_ref[...], g1_ref[...], None, e1_ref[...])
    h = jnp.dot(h, w2_ref[...], preferred_element_type=jnp.float32)
    h = _affine_relu(h + b2_ref[...], g2_ref[...], None, e2_ref[...])
    h = jnp.dot(h, w3_ref[...], preferred_element_type=jnp.float32)
    h = _affine_relu(h + b3_ref[...], g3_ref[...], None, e3_ref[...])
    c3 = h.shape[1]
    p = jnp.max(h.reshape(B, S2, c3), axis=1)
    f = jnp.dot(p, fc1_ref[...], preferred_element_type=jnp.float32)
    f = _affine_relu(f + fb1_ref[...], n1g_ref[...], None, n1b_ref[...])
    f = jnp.dot(f, fc2_ref[...], preferred_element_type=jnp.float32)
    f = _affine_relu(f + fb2_ref[...], n2g_ref[...], None, n2b_ref[...])
    rot_ref[...] = (jnp.dot(f, rw_ref[...], preferred_element_type=jnp.float32)
                    + rb_ref[...])
    shf_ref[...] = (jnp.dot(f, sw_ref[...], preferred_element_type=jnp.float32)
                    + sb_ref[...])


def _head(xyz, feat, args):
    out = jax.ShapeDtypeStruct((B, 1), jnp.float32)
    return pl.pallas_call(
        _head_body,
        out_shape=(out, out),
    )(xyz, feat, *args)



def _row(v):
    return v.reshape(1, -1)


def _pad16(a):
    return jnp.pad(a, ((0, 0), (0, DPAD - a.shape[1])))


def kernel(points, params):
    x0 = points[:, :, 0]
    y0 = points[:, :, 1]
    z0 = points[:, :, 2]

    cx1, cy1, cz1 = _fps(x0, y0, z0, S1)
    idx1 = _ball_query(x0, y0, z0, cx1, cy1, cz1, K1, R1)
    table1 = _pad16(points.reshape(B * N1, 3))
    c1 = _pad16(jnp.stack([cx1, cy1, cz1], axis=-1).reshape(B * S1, 3))
    g1 = _sc_gather([table1], idx1.reshape(-1), 4)

    w = params
    sa1 = (_pad16(w['sa1_w'][0]).T, w['sa1_w'][1].T, w['sa1_w'][2].T,
           _row(w['sa1_b'][0]), _row(w['sa1_g'][0]), _row(w['sa1_be'][0]),
           _row(w['sa1_b'][1]), _row(w['sa1_g'][1]), _row(w['sa1_be'][1]),
           _row(w['sa1_b'][2]), _row(w['sa1_g'][2]), _row(w['sa1_be'][2]))
    l1 = _sa_mlp1(g1, c1, sa1, K1, 64)

    cx2, cy2, cz2 = _fps(cx1, cy1, cz1, S2)
    idx2 = _ball_query(cx1, cy1, cz1, cx2, cy2, cz2, K2, R2)
    c2 = _pad16(jnp.stack([cx2, cy2, cz2], axis=-1).reshape(B * S2, 3))
    idx2f = idx2.reshape(-1)
    g2x, g2f = _sc_gather([c1, l1], idx2f, 2)

    sa2 = (_pad16(w['sa2_w'][0][:, :3]).T, w['sa2_w'][0][:, 3:].T,
           w['sa2_w'][1].T, w['sa2_w'][2].T,
           _row(w['sa2_b'][0]), _row(w['sa2_g'][0]), _row(w['sa2_be'][0]),
           _row(w['sa2_b'][1]), _row(w['sa2_g'][1]), _row(w['sa2_be'][1]),
           _row(w['sa2_b'][2]), _row(w['sa2_g'][2]), _row(w['sa2_be'][2]))
    l2 = _sa_mlp2(g2x, g2f, c2, sa2, K2, 32)

    head_args = (
        _pad16(w['sa3_w'][0][:, :3]).T, w['sa3_w'][0][:, 3:].T,
        w['sa3_w'][1].T, w['sa3_w'][2].T,
        _row(w['sa3_b'][0]), _row(w['sa3_g'][0]), _row(w['sa3_be'][0]),
        _row(w['sa3_b'][1]), _row(w['sa3_g'][1]), _row(w['sa3_be'][1]),
        _row(w['sa3_b'][2]), _row(w['sa3_g'][2]), _row(w['sa3_be'][2]),
        w['fc1_w'].T, _row(w['fc1_b']), _row(w['bn1_g']), _row(w['bn1_b']),
        w['fc2_w'].T, _row(w['fc2_b']), _row(w['bn2_g']), _row(w['bn2_b']),
        w['rot_w'].T, _row(w['rot_b']), w['shift_w'].T, _row(w['shift_b']),
    )
    rot, shift = _head(c2, l2, head_args)
    return rot, shift

# --- scband reference (transcript-rebuilt; emitter-appended) ---
"""Pipeline reference for scband-point-cloud-norm-all-8907762172608 (READ-ONLY COPY).

The authoritative reference and input builder live on the scoring server;
editing this copy changes nothing except your own understanding.
"""

import jax, jax.numpy as jnp
import numpy as np

EPS = 1e-5

def square_distance(src, dst):
    return (jnp.sum(src ** 2, -1)[:, :, None]
            + jnp.sum(dst ** 2, -1)[:, None, :]
            - 2.0 * jnp.einsum('bnc,bmc->bnm', src, dst))

def index_points(points, idx):
    B = points.shape[0]
    batch = jnp.arange(B).reshape((B,) + (1,) * (idx.ndim - 1))
    return points[batch, idx]

def farthest_point_sample(xyz, npoint):
    B, N, _ = xyz.shape
    def body(i, state):
        centroids, distance, farthest = state
        centroids = centroids.at[:, i].set(farthest)
        centroid = index_points(xyz, farthest[:, None])  # [B,1,3]
        dist = jnp.sum((xyz - centroid) ** 2, -1)
        distance = jnp.minimum(distance, dist)
        farthest = jnp.argmax(distance, axis=-1).astype(jnp.int32)
        return centroids, distance, farthest
    centroids = jnp.zeros((B, npoint), dtype=jnp.int32)
    distance = jnp.full((B, N), 1e10, dtype=xyz.dtype)
    farthest = jnp.zeros((B,), dtype=jnp.int32)
    centroids, _, _ = jax.lax.fori_loop(0, npoint, body, (centroids, distance, farthest))
    return centroids

def query_ball_point(radius, nsample, xyz, new_xyz):
    B, N, _ = xyz.shape
    S = new_xyz.shape[1]
    sqrdists = square_distance(new_xyz, xyz)
    group_idx = jnp.broadcast_to(jnp.arange(N, dtype=jnp.int32), (B, S, N))
    group_idx = jnp.where(sqrdists > radius ** 2, N, group_idx)
    group_idx = jnp.sort(group_idx, axis=-1)[:, :, :nsample]
    group_first = jnp.broadcast_to(group_idx[:, :, 0:1], group_idx.shape)
    group_idx = jnp.where(group_idx == N, group_first, group_idx)
    return group_idx

def sample_and_group(npoint, radius, nsample, xyz, points):
    fps_idx = farthest_point_sample(jax.lax.stop_gradient(xyz), npoint)
    new_xyz = index_points(xyz, fps_idx)
    idx = query_ball_point(radius, nsample, jax.lax.stop_gradient(xyz), jax.lax.stop_gradient(new_xyz))
    grouped_xyz = index_points(xyz, idx)
    grouped_xyz_norm = grouped_xyz - new_xyz[:, :, None, :]
    if points is not None:
        grouped_points = index_points(points, idx)
        new_points = jnp.concatenate([grouped_xyz_norm, grouped_points], axis=-1)
    else:
        new_points = grouped_xyz_norm
    return new_xyz, new_points

def sa_layer(xyz, points, npoint, radius, nsample, ws, bs, gs, bes, group_all):
    xyz_t = jnp.transpose(xyz, (0, 2, 1))
    pts_t = jnp.transpose(points, (0, 2, 1)) if points is not None else None
    if group_all:
        B, N, C = xyz_t.shape
        new_xyz = jnp.zeros((B, 1, C), dtype=xyz_t.dtype)
        grouped = xyz_t[:, None, :, :]
        if pts_t is not None:
            grouped = jnp.concatenate([grouped, pts_t[:, None, :, :]], axis=-1)
        new_points = grouped
    else:
        new_xyz, new_points = sample_and_group(npoint, radius, nsample, xyz_t, pts_t)
    x = jnp.transpose(new_points, (0, 3, 2, 1))  # [B, C+D, nsample, npoint]
    for W, b, g, be in zip(ws, bs, gs, bes):
        x = jnp.einsum('oc,bcsn->bosn', W, x) + b[None, :, None, None]
        x = g[None, :, None, None] * (x / jnp.sqrt(1.0 + EPS)) + be[None, :, None, None]
        x = jax.nn.relu(x)
    x = jnp.max(x, axis=2)
    return jnp.transpose(new_xyz, (0, 2, 1)), x

def bn1d(x, g, b):
    return g[None, :] * (x / jnp.sqrt(1.0 + EPS)) + b[None, :]

def forward(points, params):
    B = points.shape[0]
    xyz = jnp.transpose(points[:, :, :3], (0, 2, 1))
    l1_xyz, l1_points = sa_layer(xyz, None, 512, 0.2, 32,
                                 params['sa1_w'], params['sa1_b'], params['sa1_g'], params['sa1_be'], False)
    l2_xyz, l2_points = sa_layer(l1_xyz, l1_points, 128, 0.4, 64,
                                 params['sa2_w'], params['sa2_b'], params['sa2_g'], params['sa2_be'], False)
    l3_xyz, l3_points = sa_layer(l2_xyz, l2_points, None, None, None,
                                 params['sa3_w'], params['sa3_b'], params['sa3_g'], params['sa3_be'], True)
    x = l3_points.reshape(B, -1)
    x = jax.nn.relu(bn1d(x @ params['fc1_w'].T + params['fc1_b'], params['bn1_g'], params['bn1_b']))
    x = jax.nn.relu(bn1d(x @ params['fc2_w'].T + params['fc2_b'], params['bn2_g'], params['bn2_b']))
    rotation = x @ params['rot_w'].T + params['rot_b']
    shift = x @ params['shift_w'].T + params['shift_b']
    return rotation, shift

def _mk_sa(kbase, in_c, mlp):
    ws, bs, gs, bes = [], [], [], []
    last = in_c
    for j, oc in enumerate(mlp):
        ws.append(jax.random.normal(jax.random.fold_in(kbase, j), (oc, last), dtype=jnp.float32) * 0.05)
        bs.append(jnp.zeros((oc,), dtype=jnp.float32))
        gs.append(jnp.ones((oc,), dtype=jnp.float32))
        bes.append(jnp.zeros((oc,), dtype=jnp.float32))
        last = oc
    return ws, bs, gs, bes

def setup_inputs(seed: int = 0):
    key = jax.random.key(seed)
    ks = jax.random.split(key, 8)
    B, N = 8, 4096
    points = jax.random.normal(ks[0], (B, N, 3), dtype=jnp.float32)
    sa1 = _mk_sa(ks[1], 3, [64, 64, 128])
    sa2 = _mk_sa(ks[2], 128 + 3, [128, 128, 256])
    sa3 = _mk_sa(ks[3], 256 + 3, [256, 512, 1024])
    params = {
        'sa1_w': sa1[0], 'sa1_b': sa1[1], 'sa1_g': sa1[2], 'sa1_be': sa1[3],
        'sa2_w': sa2[0], 'sa2_b': sa2[1], 'sa2_g': sa2[2], 'sa2_be': sa2[3],
        'sa3_w': sa3[0], 'sa3_b': sa3[1], 'sa3_g': sa3[2], 'sa3_be': sa3[3],
        'fc1_w': jax.random.normal(ks[4], (512, 1024), dtype=jnp.float32) * 0.01,
        'fc1_b': jnp.zeros((512,), jnp.float32),
        'bn1_g': jnp.ones((512,), jnp.float32), 'bn1_b': jnp.zeros((512,), jnp.float32),
        'fc2_w': jax.random.normal(ks[5], (256, 512), dtype=jnp.float32) * 0.01,
        'fc2_b': jnp.zeros((256,), jnp.float32),
        'bn2_g': jnp.ones((256,), jnp.float32), 'bn2_b': jnp.zeros((256,), jnp.float32),
        'rot_w': jax.random.normal(ks[6], (1, 256), dtype=jnp.float32) * 0.01,
        'rot_b': jnp.zeros((1,), jnp.float32),
        'shift_w': jax.random.normal(ks[7], (1, 256), dtype=jnp.float32) * 0.01,
        'shift_b': jnp.zeros((1,), jnp.float32),
    }
    return {'points': points, 'params': params}

def reference(points, params):
    return forward(points, params)

if __name__ == "__main__":
    import jax
    _d = setup_inputs()
    print(jax.jit(kernel)(*tuple(_d.values())))

</pallas_src>

<mosaic_0001>
#map = affine_map<(d0, d1) -> (0, 0)>
#map1 = affine_map<(d0, d1) -> (0)>
module attributes {stable_mosaic.version = 14 : i64} {
  func.func @k(%arg0: i32, %arg1: i32, %arg2: memref<4096x16xf32, #tpu.memory_space<hbm>>, %arg3: memref<4096x128xf32, #tpu.memory_space<hbm>>, %arg4: memref<65536xi32, #tpu.memory_space<hbm>>, %arg5: memref<65536x16xf32, #tpu.memory_space<hbm>>, %arg6: memref<65536x128xf32, #tpu.memory_space<hbm>>, %arg7: memref<2048xi32, #tpu.memory_space<vmem>>, %arg8: memref<256x16xf32, #tpu.memory_space<vmem>>, %arg9: memref<256x128xf32, #tpu.memory_space<vmem>>, %arg10: memref<!tpu.dma_semaphore, #tpu.memory_space<semaphore_mem>>) attributes {dimension_semantics = [#tpu.dimension_semantics<core_parallel>, #tpu.dimension_semantics<subcore_parallel>], iteration_bounds = array<i64: 2, 16>, scalar_prefetch = 0 : i64, scratch_operands = 4 : i64, tpu.core_type = #tpu.core_type<sc_vector_subcore>, window_params = [{transform_indices = #map}, {transform_indices = #map}, {transform_indices = #map1}, {transform_indices = #map}, {transform_indices = #map}]} {
    %mul3A = arith.constant 2 : i32
    %mul3A_0 = arith.muli %arg1, %mul3A : i32
    %add3A = arith.addi %mul3A_0, %arg0 : i32
    %mul3A_1 = arith.constant 2048 : i32
    %mul3A_2 = arith.muli %add3A, %mul3A_1 : i32
    %multiple_of3A = tpu.assume_multiple %mul3A_2, 8 : i32
    "tpu.region"() ({
      %run_scoped3A = tpu.sem_alloc : memref<!tpu.dma_semaphore, #tpu.memory_space<semaphore_mem>>
      %dma_start3A = tpu.memref_slice %arg4[%multiple_of3A] : memref<65536xi32, #tpu.memory_space<hbm>> -> memref<2048xi32, #tpu.memory_space<hbm>>
      %dma_start3A_8 = tpu.memref_slice %arg4[%multiple_of3A] : memref<65536xi32, #tpu.memory_space<hbm>> -> memref<2048xi32, #tpu.memory_space<hbm>>
      tpu.enqueue_dma source(%dma_start3A_8 : memref<2048xi32, #tpu.memory_space<hbm>>) target(%arg7 : memref<2048xi32, #tpu.memory_space<vmem>>) target_semaphore(%run_scoped3A : memref<!tpu.dma_semaphore, #tpu.memory_space<semaphore_mem>>)
      %dma_wait3A = tpu.memref_slice %arg4[%multiple_of3A] : memref<65536xi32, #tpu.memory_space<hbm>> -> memref<2048xi32, #tpu.memory_space<hbm>>
      %dma_wait3A_9 = tpu.memref_slice %arg4[%multiple_of3A] : memref<65536xi32, #tpu.memory_space<hbm>> -> memref<2048xi32, #tpu.memory_space<hbm>>
      tpu.wait_dma2 semaphore(%run_scoped3A : memref<!tpu.dma_semaphore, #tpu.memory_space<semaphore_mem>>) src(%dma_wait3A_9 : memref<2048xi32, #tpu.memory_space<hbm>>) dst(%arg7 : memref<2048xi32, #tpu.memory_space<vmem>>)
      tpu.yield
    }) : () -> ()
    %scan3A = arith.constant 0 : i32
    %scan3A_3 = arith.constant 0 : i32
    %scan3A_4 = arith.constant 8 : i32
    %scan3A_5 = arith.addi %scan3A_3, %scan3A_4 : i32
    %scan3A_6 = arith.constant 1 : i32
    scf.for %scan3A_8 = %scan3A_3 to %scan3A_5 step %scan3A_6  : i32 {
      %mul3A_9 = arith.constant 2 : i32
      %mul3A_10 = arith.muli %scan3A_8, %mul3A_9 : i32
      %add3A_11 = arith.constant 0 : i32
      %add3A_12 = arith.addi %mul3A_10, %add3A_11 : i32
      %mul3A_13 = arith.constant 128 : i32
      %mul3A_14 = arith.muli %add3A_12, %mul3A_13 : i32
      %multiple_of3A_15 = tpu.assume_multiple %mul3A_14, 8 : i32
      %mul3A_16 = arith.constant 2 : i32
      %mul3A_17 = arith.muli %scan3A_8, %mul3A_16 : i32
      %add3A_18 = arith.constant 1 : i32
      %add3A_19 = arith.addi %mul3A_17, %add3A_18 : i32
      %mul3A_20 = arith.constant 128 : i32
      %mul3A_21 = arith.muli %add3A_19, %mul3A_20 : i32
      %multiple_of3A_22 = tpu.assume_multiple %mul3A_21, 8 : i32
      %dma_start3A = arith.constant 0 : i32
      %dma_start3A_23 = arith.constant 0 : i32
      %dma_start3A_24 = tpu.memref_slice %arg8[%dma_start3A, %dma_start3A_23] : memref<256x16xf32, #tpu.memory_space<vmem>> -> memref<128x16xf32, #tpu.memory_space<vmem>>
      %dma_start3A_25 = tpu.memref_slice %arg7[%multiple_of3A_15] : memref<2048xi32, #tpu.memory_space<vmem>> -> memref<128xi32, #tpu.memory_space<vmem>>
      %dma_start3A_26 = arith.constant 0 : i32
      %dma_start3A_27 = arith.constant 0 : i32
      %dma_start3A_28 = tpu.memref_slice %arg2[%dma_start3A_26, %dma_start3A_27] : memref<4096x16xf32, #tpu.memory_space<hbm>> -> memref<4096x16xf32, #tpu.memory_space<hbm>>
      tpu.enqueue_indirect_dma source(%dma_start3A_28 : memref<4096x16xf32, #tpu.memory_space<hbm>>) target(%dma_start3A_24 : memref<128x16xf32, #tpu.memory_space<vmem>>) offsets(%dma_start3A_25 : memref<128xi32, #tpu.memory_space<vmem>>) semaphore(%arg10 : memref<!tpu.dma_semaphore, #tpu.memory_space<semaphore_mem>>)
      %dma_start3A_29 = arith.constant 128 : i32
      %dma_start3A_30 = arith.constant 0 : i32
      %dma_start3A_31 = tpu.memref_slice %arg8[%dma_start3A_29, %dma_start3A_30] : memref<256x16xf32, #tpu.memory_space<vmem>> -> memref<128x16xf32, #tpu.memory_space<vmem>>
      %dma_start3A_32 = tpu.memref_slice %arg7[%multiple_of3A_22] : memref<2048xi32, #tpu.memory_space<vmem>> -> memref<128xi32, #tpu.memory_space<vmem>>
      %dma_start3A_33 = arith.constant 0 : i32
      %dma_start3A_34 = arith.constant 0 : i32
      %dma_start3A_35 = tpu.memref_slice %arg2[%dma_start3A_33, %dma_start3A_34] : memref<4096x16xf32, #tpu.memory_space<hbm>> -> memref<4096x16xf32, #tpu.memory_space<hbm>>
      tpu.enqueue_indirect_dma source(%dma_start3A_35 : memref<4096x16xf32, #tpu.memory_space<hbm>>) target(%dma_start3A_31 : memref<128x16xf32, #tpu.memory_space<vmem>>) offsets(%dma_start3A_32 : memref<128xi32, #tpu.memory_space<vmem>>) semaphore(%arg10 : memref<!tpu.dma_semaphore, #tpu.memory_space<semaphore_mem>>)
      %dma_start3A_36 = arith.constant 0 : i32
      %dma_start3A_37 = arith.constant 0 : i32
      %dma_start3A_38 = tpu.memref_slice %arg9[%dma_start3A_36, %dma_start3A_37] : memref<256x128xf32, #tpu.memory_space<vmem>> -> memref<128x128xf32, #tpu.memory_space<vmem>>
      %dma_start3A_39 = tpu.memref_slice %arg7[%multiple_of3A_15] : memref<2048xi32, #tpu.memory_space<vmem>> -> memref<128xi32, #tpu.memory_space<vmem>>
      %dma_start3A_40 = arith.constant 0 : i32
      %dma_start3A_41 = arith.constant 0 : i32
      %dma_start3A_42 = tpu.memref_slice %arg3[%dma_start3A_40, %dma_start3A_41] : memref<4096x128xf32, #tpu.memory_space<hbm>> -> memref<4096x128xf32, #tpu.memory_space<hbm>>
      tpu.enqueue_indirect_dma source(%dma_start3A_42 : memref<4096x128xf32, #tpu.memory_space<hbm>>) target(%dma_start3A_38 : memref<128x128xf32, #tpu.memory_space<vmem>>) offsets(%dma_start3A_39 : memref<128xi32, #tpu.memory_space<vmem>>) semaphore(%arg10 : memref<!tpu.dma_semaphore, #tpu.memory_space<semaphore_mem>>)
      %dma_start3A_43 = arith.constant 128 : i32
      %dma_start3A_44 = arith.constant 0 : i32
      %dma_start3A_45 = tpu.memref_slice %arg9[%dma_start3A_43, %dma_start3A_44] : memref<256x128xf32, #tpu.memory_space<vmem>> -> memref<128x128xf32, #tpu.memory_space<vmem>>
      %dma_start3A_46 = tpu.memref_slice %arg7[%multiple_of3A_22] : memref<2048xi32, #tpu.memory_space<vmem>> -> memref<128xi32, #tpu.memory_space<vmem>>
      %dma_start3A_47 = arith.constant 0 : i32
      %dma_start3A_48 = arith.constant 0 : i32
      %dma_start3A_49 = tpu.memref_slice %arg3[%dma_start3A_47, %dma_start3A_48] : memref<4096x128xf32, #tpu.memory_space<hbm>> -> memref<4096x128xf32, #tpu.memory_space<hbm>>
      tpu.enqueue_indirect_dma source(%dma_start3A_49 : memref<4096x128xf32, #tpu.memory_space<hbm>>) target(%dma_start3A_45 : memref<128x128xf32, #tpu.memory_space<vmem>>) offsets(%dma_start3A_46 : memref<128xi32, #tpu.memory_space<vmem>>) semaphore(%arg10 : memref<!tpu.dma_semaphore, #tpu.memory_space<semaphore_mem>>)
      %dma_wait3A = arith.constant 0 : i32
      %dma_wait3A_50 = arith.constant 0 : i32
      %dma_wait3A_51 = tpu.memref_slice %arg8[%dma_wait3A, %dma_wait3A_50] : memref<256x16xf32, #tpu.memory_space<vmem>> -> memref<128x16xf32, #tpu.memory_space<vmem>>
      %dma_wait3A_52 = arith.constant 0 : i32
      %dma_wait3A_53 = arith.constant 0 : i32
      %dma_wait3A_54 = tpu.memref_slice %arg2[%dma_wait3A_52, %dma_wait3A_53] : memref<4096x16xf32, #tpu.memory_space<hbm>> -> memref<128x16xf32, #tpu.memory_space<hbm>>
      %dma_wait3A_55 = arith.constant 0 : i32
      %dma_wait3A_56 = arith.constant 0 : i32
      %dma_wait3A_57 = tpu.memref_slice %arg8[%dma_wait3A_55, %dma_wait3A_56] : memref<256x16xf32, #tpu.memory_space<vmem>> -> memref<128x16xf32, #tpu.memory_space<vmem>>
      %dma_wait3A_58 = arith.constant 0 : i32
      %dma_wait3A_59 = arith.constant 0 : i32
      %dma_wait3A_60 = tpu.memref_slice %arg2[%dma_wait3A_58, %dma_wait3A_59] : memref<4096x16xf32, #tpu.memory_space<hbm>> -> memref<128x16xf32, #tpu.memory_space<hbm>>
      tpu.wait_dma2 semaphore(%arg10 : memref<!tpu.dma_semaphore, #tpu.memory_space<semaphore_mem>>) src(%dma_wait3A_60 : memref<128x16xf32, #tpu.memory_space<hbm>>) dst(%dma_wait3A_57 : memref<128x16xf32, #tpu.memory_space<vmem>>)
      %dma_wait3A_61 = arith.constant 128 : i32
      %dma_wait3A_62 = arith.constant 0 : i32
      %dma_wait3A_63 = tpu.memref_slice %arg8[%dma_wait3A_61, %dma_wait3A_62] : memref<256x16xf32, #tpu.memory_space<vmem>> -> memref<128x16xf32, #tpu.memory_space<vmem>>
      %dma_wait3A_64 = arith.constant 0 : i32
      %dma_wait3A_65 = arith.constant 0 : i32
      %dma_wait3A_66 = tpu.memref_slice %arg2[%dma_wait3A_64, %dma_wait3A_65] : memref<4096x16xf32, #tpu.memory_space<hbm>> -> memref<128x16xf32, #tpu.memory_space<hbm>>
      %dma_wait3A_67 = arith.constant 128 : i32
      %dma_wait3A_68 = arith.constant 0 : i32
      %dma_wait3A_69 = tpu.memref_slice %arg8[%dma_wait3A_67, %dma_wait3A_68] : memref<256x16xf32, #tpu.memory_space<vmem>> -> memref<128x16xf32, #tpu.memory_space<vmem>>
      %dma_wait3A_70 = arith.constant 0 : i32
      %dma_wait3A_71 = arith.constant 0 : i32
      %dma_wait3A_72 = tpu.memref_slice %arg2[%dma_wait3A_70, %dma_wait3A_71] : memref<4096x16xf32, #tpu.memory_space<hbm>> -> memref<128x16xf32, #tpu.memory_space<hbm>>
      tpu.wait_dma2 semaphore(%arg10 : memref<!tpu.dma_semaphore, #tpu.memory_space<semaphore_mem>>) src(%dma_wait3A_72 : memref<128x16xf32, #tpu.memory_space<hbm>>) dst(%dma_wait3A_69 : memref<128x16xf32, #tpu.memory_space<vmem>>)
      %dma_wait3A_73 = arith.constant 0 : i32
      %dma_wait3A_74 = arith.constant 0 : i32
      %dma_wait3A_75 = tpu.memref_slice %arg9[%dma_wait3A_73, %dma_wait3A_74] : memref<256x128xf32, #tpu.memory_space<vmem>> -> memref<128x128xf32, #tpu.memory_space<vmem>>
      %dma_wait3A_76 = arith.constant 0 : i32
      %dma_wait3A_77 = arith.constant 0 : i32
      %dma_wait3A_78 = tpu.memref_slice %arg3[%dma_wait3A_76, %dma_wait3A_77] : memref<4096x128xf32, #tpu.memory_space<hbm>> -> memref<128x128xf32, #tpu.memory_space<hbm>>
      %dma_wait3A_79 = arith.constant 0 : i32
      %dma_wait3A_80 = arith.constant 0 : i32
      %dma_wait3A_81 = tpu.memref_slice %arg9[%dma_wait3A_79, %dma_wait3A_80] : memref<256x128xf32, #tpu.memory_space<vmem>> -> memref<128x128xf32, #tpu.memory_space<vmem>>
      %dma_wait3A_82 = arith.constant 0 : i32
      %dma_wait3A_83 = arith.constant 0 : i32
      %dma_wait3A_84 = tpu.memref_slice %arg3[%dma_wait3A_82, %dma_wait3A_83] : memref<4096x128xf32, #tpu.memory_space<hbm>> -> memref<128x128xf32, #tpu.memory_space<hbm>>
      tpu.wait_dma2 semaphore(%arg10 : memref<!tpu.dma_semaphore, #tpu.memory_space<semaphore_mem>>) src(%dma_wait3A_84 : memref<128x128xf32, #tpu.memory_space<hbm>>) dst(%dma_wait3A_81 : memref<128x128xf32, #tpu.memory_space<vmem>>)
      %dma_wait3A_85 = arith.constant 128 : i32
      %dma_wait3A_86 = arith.constant 0 : i32
      %dma_wait3A_87 = tpu.memref_slice %arg9[%dma_wait3A_85, %dma_wait3A_86] : memref<256x128xf32, #tpu.memory_space<vmem>> -> memref<128x128xf32, #tpu.memory_space<vmem>>
      %dma_wait3A_88 = arith.constant 0 : i32
      %dma_wait3A_89 = arith.constant 0 : i32
      %dma_wait3A_90 = tpu.memref_slice %arg3[%dma_wait3A_88, %dma_wait3A_89] : memref<4096x128xf32, #tpu.memory_space<hbm>> -> memref<128x128xf32, #tpu.memory_space<hbm>>
      %dma_wait3A_91 = arith.constant 128 : i32
      %dma_wait3A_92 = arith.constant 0 : i32
      %dma_wait3A_93 = tpu.memref_slice %arg9[%dma_wait3A_91, %dma_wait3A_92] : memref<256x128xf32, #tpu.memory_space<vmem>> -> memref<128x128xf32, #tpu.memory_space<vmem>>
      %dma_wait3A_94 = arith.constant 0 : i32
      %dma_wait3A_95 = arith.constant 0 : i32
      %dma_wait3A_96 = tpu.memref_slice %arg3[%dma_wait3A_94, %dma_wait3A_95] : memref<4096x128xf32, #tpu.memory_space<hbm>> -> memref<128x128xf32, #tpu.memory_space<hbm>>
      tpu.wait_dma2 semaphore(%arg10 : memref<!tpu.dma_semaphore, #tpu.memory_space<semaphore_mem>>) src(%dma_wait3A_96 : memref<128x128xf32, #tpu.memory_space<hbm>>) dst(%dma_wait3A_93 : memref<128x128xf32, #tpu.memory_space<vmem>>)
      %add3A_97 = arith.addi %multiple_of3A, %multiple_of3A_15 : i32
      %multiple_of3A_98 = tpu.assume_multiple %add3A_97, 8 : i32
      "tpu.region"() ({
        %run_scoped3A = tpu.sem_alloc : memref<!tpu.dma_semaphore, #tpu.memory_space<semaphore_mem>>
        %dma_start3A_105 = arith.constant 0 : i32
        %dma_start3A_106 = arith.constant 0 : i32
        %dma_start3A_107 = tpu.memref_slice %arg8[%dma_start3A_105, %dma_start3A_106] : memref<256x16xf32, #tpu.memory_space<vmem>> -> memref<128x16xf32, #tpu.memory_space<vmem>>
        %dma_start3A_108 = arith.constant 0 : i32
        %dma_start3A_109 = tpu.memref_slice %arg5[%multiple_of3A_98, %dma_start3A_108] : memref<65536x16xf32, #tpu.memory_space<hbm>> -> memref<128x16xf32, #tpu.memory_space<hbm>>
        %dma_start3A_110 = arith.constant 0 : i32
        %dma_start3A_111 = tpu.memref_slice %arg5[%multiple_of3A_98, %dma_start3A_110] : memref<65536x16xf32, #tpu.memory_space<hbm>> -> memref<128x16xf32, #tpu.memory_space<hbm>>
        %dma_start3A_112 = arith.constant 0 : i32
        %dma_start3A_113 = arith.constant 0 : i32
        %dma_start3A_114 = tpu.memref_slice %arg8[%dma_start3A_112, %dma_start3A_113] : memref<256x16xf32, #tpu.memory_space<vmem>> -> memref<128x16xf32, #tpu.memory_space<vmem>>
        tpu.enqueue_dma source(%dma_start3A_114 : memref<128x16xf32, #tpu.memory_space<vmem>>) target(%dma_start3A_111 : memref<128x16xf32, #tpu.memory_space<hbm>>) target_semaphore(%run_scoped3A : memref<!tpu.dma_semaphore, #tpu.memory_space<semaphore_mem>>)
        %dma_wait3A_115 = arith.constant 0 : i32
        %dma_wait3A_116 = arith.constant 0 : i32
        %dma_wait3A_117 = tpu.memref_slice %arg8[%dma_wait3A_115, %dma_wait3A_116] : memref<256x16xf32, #tpu.memory_space<vmem>> -> memref<128x16xf32, #tpu.memory_space<vmem>>
        %dma_wait3A_118 = arith.constant 0 : i32
        %dma_wait3A_119 = tpu.memref_slice %arg5[%multiple_of3A_98, %dma_wait3A_118] : memref<65536x16xf32, #tpu.memory_space<hbm>> -> memref<128x16xf32, #tpu.memory_space<hbm>>
        %dma_wait3A_120 = arith.constant 0 : i32
        %dma_wait3A_121 = tpu.memref_slice %arg5[%multiple_of3A_98, %dma_wait3A_120] : memref<65536x16xf32, #tpu.memory_space<hbm>> -> memref<128x16xf32, #tpu.memory_space<hbm>>
        %dma_wait3A_122 = arith.constant 0 : i32
        %dma_wait3A_123 = arith.constant 0 : i32
        %dma_wait3A_124 = tpu.memref_slice %arg8[%dma_wait3A_122, %dma_wait3A_123] : memref<256x16xf32, #tpu.memory_space<vmem>> -> memref<128x16xf32, #tpu.memory_space<vmem>>
        tpu.wait_dma2 semaphore(%run_scoped3A : memref<!tpu.dma_semaphore, #tpu.memory_space<semaphore_mem>>) src(%dma_wait3A_124 : memref<128x16xf32, #tpu.memory_space<vmem>>) dst(%dma_wait3A_121 : memref<128x16xf32, #tpu.memory_space<hbm>>)
        tpu.yield
      }) : () -> ()
      %add3A_99 = arith.addi %multiple_of3A, %multiple_of3A_22 : i32
      %multiple_of3A_100 = tpu.assume_multiple %add3A_99, 8 : i32
      "tpu.region"() ({
        %run_scoped3A = tpu.sem_alloc : memref<!tpu.dma_semaphore, #tpu.memory_space<semaphore_mem>>
        %dma_start3A_105 = arith.constant 128 : i32
        %dma_start3A_106 = arith.constant 0 : i32
        %dma_start3A_107 = tpu.memref_slice %arg8[%dma_start3A_105, %dma_start3A_106] : memref<256x16xf32, #tpu.memory_space<vmem>> -> memref<128x16xf32, #tpu.memory_space<vmem>>
        %dma_start3A_108 = arith.constant 0 : i32
        %dma_start3A_109 = tpu.memref_slice %arg5[%multiple_of3A_100, %dma_start3A_108] : memref<65536x16xf32, #tpu.memory_space<hbm>> -> memref<128x16xf32, #tpu.memory_space<hbm>>
        %dma_start3A_110 = arith.constant 0 : i32
        %dma_start3A_111 = tpu.memref_slice %arg5[%multiple_of3A_100, %dma_start3A_110] : memref<65536x16xf32, #tpu.memory_space<hbm>> -> memref<128x16xf32, #tpu.memory_space<hbm>>
        %dma_start3A_112 = arith.constant 128 : i32
        %dma_start3A_113 = arith.constant 0 : i32
        %dma_start3A_114 = tpu.memref_slice %arg8[%dma_start3A_112, %dma_start3A_113] : memref<256x16xf32, #tpu.memory_space<vmem>> -> memref<128x16xf32, #tpu.memory_space<vmem>>
        tpu.enqueue_dma source(%dma_start3A_114 : memref<128x16xf32, #tpu.memory_space<vmem>>) target(%dma_start3A_111 : memref<128x16xf32, #tpu.memory_space<hbm>>) target_semaphore(%run_scoped3A : memref<!tpu.dma_semaphore, #tpu.memory_space<semaphore_mem>>)
        %dma_wait3A_115 = arith.constant 128 : i32
        %dma_wait3A_116 = arith.constant 0 : i32
        %dma_wait3A_117 = tpu.memref_slice %arg8[%dma_wait3A_115, %dma_wait3A_116] : memref<256x16xf32, #tpu.memory_space<vmem>> -> memref<128x16xf32, #tpu.memory_space<vmem>>
        %dma_wait3A_118 = arith.constant 0 : i32
        %dma_wait3A_119 = tpu.memref_slice %arg5[%multiple_of3A_100, %dma_wait3A_118] : memref<65536x16xf32, #tpu.memory_space<hbm>> -> memref<128x16xf32, #tpu.memory_space<hbm>>
        %dma_wait3A_120 = arith.constant 0 : i32
        %dma_wait3A_121 = tpu.memref_slice %arg5[%multiple_of3A_100, %dma_wait3A_120] : memref<65536x16xf32, #tpu.memory_space<hbm>> -> memref<128x16xf32, #tpu.memory_space<hbm>>
        %dma_wait3A_122 = arith.constant 128 : i32
        %dma_wait3A_123 = arith.constant 0 : i32
        %dma_wait3A_124 = tpu.memref_slice %arg8[%dma_wait3A_122, %dma_wait3A_123] : memref<256x16xf32, #tpu.memory_space<vmem>> -> memref<128x16xf32, #tpu.memory_space<vmem>>
        tpu.wait_dma2 semaphore(%run_scoped3A : memref<!tpu.dma_semaphore, #tpu.memory_space<semaphore_mem>>) src(%dma_wait3A_124 : memref<128x16xf32, #tpu.memory_space<vmem>>) dst(%dma_wait3A_121 : memref<128x16xf32, #tpu.memory_space<hbm>>)
        tpu.yield
      }) : () -> ()
      %add3A_101 = arith.addi %multiple_of3A, %multiple_of3A_15 : i32
      %multiple_of3A_102 = tpu.assume_multiple %add3A_101, 8 : i32
      "tpu.region"() ({
        %run_scoped3A = tpu.sem_alloc : memref<!tpu.dma_semaphore, #tpu.memory_space<semaphore_mem>>
        %dma_start3A_105 = arith.constant 0 : i32
        %dma_start3A_106 = arith.constant 0 : i32
        %dma_start3A_107 = tpu.memref_slice %arg9[%dma_start3A_105, %dma_start3A_106] : memref<256x128xf32, #tpu.memory_space<vmem>> -> memref<128x128xf32, #tpu.memory_space<vmem>>
        %dma_start3A_108 = arith.constant 0 : i32
        %dma_start3A_109 = tpu.memref_slice %arg6[%multiple_of3A_102, %dma_start3A_108] : memref<65536x128xf32, #tpu.memory_space<hbm>> -> memref<128x128xf32, #tpu.memory_space<hbm>>
        %dma_start3A_110 = arith.constant 0 : i32
        %dma_start3A_111 = tpu.memref_slice %arg6[%multiple_of3A_102, %dma_start3A_110] : memref<65536x128xf32, #tpu.memory_space<hbm>> -> memref<128x128xf32, #tpu.memory_space<hbm>>
        %dma_start3A_112 = arith.constant 0 : i32
        %dma_start3A_113 = arith.constant 0 : i32
        %dma_start3A_114 = tpu.memref_slice %arg9[%dma_start3A_112, %dma_start3A_113] : memref<256x128xf32, #tpu.memory_space<vmem>> -> memref<128x128xf32, #tpu.memory_space<vmem>>
        tpu.enqueue_dma source(%dma_start3A_114 : memref<128x128xf32, #tpu.memory_space<vmem>>) target(%dma_start3A_111 : memref<128x128xf32, #tpu.memory_space<hbm>>) target_semaphore(%run_scoped3A : memref<!tpu.dma_semaphore, #tpu.memory_space<semaphore_mem>>)
        %dma_wait3A_115 = arith.constant 0 : i32
        %dma_wait3A_116 = arith.constant 0 : i32
        %dma_wait3A_117 = tpu.memref_slice %arg9[%dma_wait3A_115, %dma_wait3A_116] : memref<256x128xf32, #tpu.memory_space<vmem>> -> memref<128x128xf32, #tpu.memory_space<vmem>>
        %dma_wait3A_118 = arith.constant 0 : i32
        %dma_wait3A_119 = tpu.memref_slice %arg6[%multiple_of3A_102, %dma_wait3A_118] : memref<65536x128xf32, #tpu.memory_space<hbm>> -> memref<128x128xf32, #tpu.memory_space<hbm>>
        %dma_wait3A_120 = arith.constant 0 : i32
        %dma_wait3A_121 = tpu.memref_slice %arg6[%multiple_of3A_102, %dma_wait3A_120] : memref<65536x128xf32, #tpu.memory_space<hbm>> -> memref<128x128xf32, #tpu.memory_space<hbm>>
        %dma_wait3A_122 = arith.constant 0 : i32
        %dma_wait3A_123 = arith.constant 0 : i32
        %dma_wait3A_124 = tpu.memref_slice %arg9[%dma_wait3A_122, %dma_wait3A_123] : memref<256x128xf32, #tpu.memory_space<vmem>> -> memref<128x128xf32, #tpu.memory_space<vmem>>
        tpu.wait_dma2 semaphore(%run_scoped3A : memref<!tpu.dma_semaphore, #tpu.memory_space<semaphore_mem>>) src(%dma_wait3A_124 : memref<128x128xf32, #tpu.memory_space<vmem>>) dst(%dma_wait3A_121 : memref<128x128xf32, #tpu.memory_space<hbm>>)
        tpu.yield
      }) : () -> ()
      %add3A_103 = arith.addi %multiple_of3A, %multiple_of3A_22 : i32
      %multiple_of3A_104 = tpu.assume_multiple %add3A_103, 8 : i32
      "tpu.region"() ({
        %run_scoped3A = tpu.sem_alloc : memref<!tpu.dma_semaphore, #tpu.memory_space<semaphore_mem>>
        %dma_start3A_105 = arith.constant 128 : i32
        %dma_start3A_106 = arith.constant 0 : i32
        %dma_start3A_107 = tpu.memref_slice %arg9[%dma_start3A_105, %dma_start3A_106] : memref<256x128xf32, #tpu.memory_space<vmem>> -> memref<128x128xf32, #tpu.memory_space<vmem>>
        %dma_start3A_108 = arith.constant 0 : i32
        %dma_start3A_109 = tpu.memref_slice %arg6[%multiple_of3A_104, %dma_start3A_108] : memref<65536x128xf32, #tpu.memory_space<hbm>> -> memref<128x128xf32, #tpu.memory_space<hbm>>
        %dma_start3A_110 = arith.constant 0 : i32
        %dma_start3A_111 = tpu.memref_slice %arg6[%multiple_of3A_104, %dma_start3A_110] : memref<65536x128xf32, #tpu.memory_space<hbm>> -> memref<128x128xf32, #tpu.memory_space<hbm>>
        %dma_start3A_112 = arith.constant 128 : i32
        %dma_start3A_113 = arith.constant 0 : i32
        %dma_start3A_114 = tpu.memref_slice %arg9[%dma_start3A_112, %dma_start3A_113] : memref<256x128xf32, #tpu.memory_space<vmem>> -> memref<128x128xf32, #tpu.memory_space<vmem>>
        tpu.enqueue_dma source(%dma_start3A_114 : memref<128x128xf32, #tpu.memory_space<vmem>>) target(%dma_start3A_111 : memref<128x128xf32, #tpu.memory_space<hbm>>) target_semaphore(%run_scoped3A : memref<!tpu.dma_semaphore, #tpu.memory_space<semaphore_mem>>)
        %dma_wait3A_115 = arith.constant 128 : i32
        %dma_wait3A_116 = arith.constant 0 : i32
        %dma_wait3A_117 = tpu.memref_slice %arg9[%dma_wait3A_115, %dma_wait3A_116] : memref<256x128xf32, #tpu.memory_space<vmem>> -> memref<128x128xf32, #tpu.memory_space<vmem>>
        %dma_wait3A_118 = arith.constant 0 : i32
        %dma_wait3A_119 = tpu.memref_slice %arg6[%multiple_of3A_104, %dma_wait3A_118] : memref<65536x128xf32, #tpu.memory_space<hbm>> -> memref<128x128xf32, #tpu.memory_space<hbm>>
        %dma_wait3A_120 = arith.constant 0 : i32
        %dma_wait3A_121 = tpu.memref_slice %arg6[%multiple_of3A_104, %dma_wait3A_120] : memref<65536x128xf32, #tpu.memory_space<hbm>> -> memref<128x128xf32, #tpu.memory_space<hbm>>
        %dma_wait3A_122 = arith.constant 128 : i32
        %dma_wait3A_123 = arith.constant 0 : i32
        %dma_wait3A_124 = tpu.memref_slice %arg9[%dma_wait3A_122, %dma_wait3A_123] : memref<256x128xf32, #tpu.memory_space<vmem>> -> memref<128x128xf32, #tpu.memory_space<vmem>>
        tpu.wait_dma2 semaphore(%run_scoped3A : memref<!tpu.dma_semaphore, #tpu.memory_space<semaphore_mem>>) src(%dma_wait3A_124 : memref<128x128xf32, #tpu.memory_space<vmem>>) dst(%dma_wait3A_121 : memref<128x128xf32, #tpu.memory_space<hbm>>)
        tpu.yield
      }) : () -> ()
    }
    %scan3A_7 = arith.constant 8 : i32
    return
  }
}

#map = affine_map<(d0, d1) -> (0, 0)>
#map1 = affine_map<(d0, d1) -> (0)>
module attributes {stable_mosaic.version = 14 : i64} {
  func.func @k(%arg0: i32, %arg1: i32, %arg2: memref<32768x16xf32, #tpu.memory_space<hbm>>, %arg3: memref<131072xi32, #tpu.memory_space<hbm>>, %arg4: memref<131072x16xf32, #tpu.memory_space<hbm>>, %arg5: memref<4096xi32, #tpu.memory_space<vmem>>, %arg6: memref<512x16xf32, #tpu.memory_space<vmem>>, %arg7: memref<!tpu.dma_semaphore, #tpu.memory_space<semaphore_mem>>) attributes {dimension_semantics = [#tpu.dimension_semantics<core_parallel>, #tpu.dimension_semantics<subcore_parallel>], iteration_bounds = array<i64: 2, 16>, scalar_prefetch = 0 : i64, scratch_operands = 3 : i64, tpu.core_type = #tpu.core_type<sc_vector_subcore>, window_params = [{transform_indices = #map}, {transform_indices = #map1}, {transform_indices = #map}]} {
    %mul3A = arith.constant 2 : i32
    %mul3A_0 = arith.muli %arg1, %mul3A : i32
    %add3A = arith.addi %mul3A_0, %arg0 : i32
    %mul3A_1 = arith.constant 4096 : i32
    %mul3A_2 = arith.muli %add3A, %mul3A_1 : i32
    %multiple_of3A = tpu.assume_multiple %mul3A_2, 8 : i32
    "tpu.region"() ({
      %run_scoped3A = tpu.sem_alloc : memref<!tpu.dma_semaphore, #tpu.memory_space<semaphore_mem>>
      %dma_start3A = tpu.memref_slice %arg3[%multiple_of3A] : memref<131072xi32, #tpu.memory_space<hbm>> -> memref<4096xi32, #tpu.memory_space<hbm>>
      %dma_start3A_8 = tpu.memref_slice %arg3[%multiple_of3A] : memref<131072xi32, #tpu.memory_space<hbm>> -> memref<4096xi32, #tpu.memory_space<hbm>>
      tpu.enqueue_dma source(%dma_start3A_8 : memref<4096xi32, #tpu.memory_space<hbm>>) target(%arg5 : memref<4096xi32, #tpu.memory_space<vmem>>) target_semaphore(%run_scoped3A : memref<!tpu.dma_semaphore, #tpu.memory_space<semaphore_mem>>)
      %dma_wait3A = tpu.memref_slice %arg3[%multiple_of3A] : memref<131072xi32, #tpu.memory_space<hbm>> -> memref<4096xi32, #tpu.memory_space<hbm>>
      %dma_wait3A_9 = tpu.memref_slice %arg3[%multiple_of3A] : memref<131072xi32, #tpu.memory_space<hbm>> -> memref<4096xi32, #tpu.memory_space<hbm>>
      tpu.wait_dma2 semaphore(%run_scoped3A : memref<!tpu.dma_semaphore, #tpu.memory_space<semaphore_mem>>) src(%dma_wait3A_9 : memref<4096xi32, #tpu.memory_space<hbm>>) dst(%arg5 : memref<4096xi32, #tpu.memory_space<vmem>>)
      tpu.yield
    }) : () -> ()
    %scan3A = arith.constant 0 : i32
    %scan3A_3 = arith.constant 0 : i32
    %scan3A_4 = arith.constant 8 : i32
    %scan3A_5 = arith.addi %scan3A_3, %scan3A_4 : i32
    %scan3A_6 = arith.constant 1 : i32
    scf.for %scan3A_8 = %scan3A_3 to %scan3A_5 step %scan3A_6  : i32 {
      %mul3A_9 = arith.constant 4 : i32
      %mul3A_10 = arith.muli %scan3A_8, %mul3A_9 : i32
      %add3A_11 = arith.constant 0 : i32
      %add3A_12 = arith.addi %mul3A_10, %add3A_11 : i32
      %mul3A_13 = arith.constant 128 : i32
      %mul3A_14 = arith.muli %add3A_12, %mul3A_13 : i32
      %multiple_of3A_15 = tpu.assume_multiple %mul3A_14, 8 : i32
      %mul3A_16 = arith.constant 4 : i32
      %mul3A_17 = arith.muli %scan3A_8, %mul3A_16 : i32
      %add3A_18 = arith.constant 1 : i32
      %add3A_19 = arith.addi %mul3A_17, %add3A_18 : i32
      %mul3A_20 = arith.constant 128 : i32
      %mul3A_21 = arith.muli %add3A_19, %mul3A_20 : i32
      %multiple_of3A_22 = tpu.assume_multiple %mul3A_21, 8 : i32
      %mul3A_23 = arith.constant 4 : i32
      %mul3A_24 = arith.muli %scan3A_8, %mul3A_23 : i32
      %add3A_25 = arith.constant 2 : i32
      %add3A_26 = arith.addi %mul3A_24, %add3A_25 : i32
      %mul3A_27 = arith.constant 128 : i32
      %mul3A_28 = arith.muli %add3A_26, %mul3A_27 : i32
      %multiple_of3A_29 = tpu.assume_multiple %mul3A_28, 8 : i32
      %mul3A_30 = arith.constant 4 : i32
      %mul3A_31 = arith.muli %scan3A_8, %mul3A_30 : i32
      %add3A_32 = arith.constant 3 : i32
      %add3A_33 = arith.addi %mul3A_31, %add3A_32 : i32
      %mul3A_34 = arith.constant 128 : i32
      %mul3A_35 = arith.muli %add3A_33, %mul3A_34 : i32
      %multiple_of3A_36 = tpu.assume_multiple %mul3A_35, 8 : i32
      %dma_start3A = arith.constant 0 : i32
      %dma_start3A_37 = arith.constant 0 : i32
      %dma_start3A_38 = tpu.memref_slice %arg6[%dma_start3A, %dma_start3A_37] : memref<512x16xf32, #tpu.memory_space<vmem>> -> memref<128x16xf32, #tpu.memory_space<vmem>>
      %dma_start3A_39 = tpu.memref_slice %arg5[%multiple_of3A_15] : memref<4096xi32, #tpu.memory_space<vmem>> -> memref<128xi32, #tpu.memory_space<vmem>>
      %dma_start3A_40 = arith.constant 0 : i32
      %dma_start3A_41 = arith.constant 0 : i32
      %dma_start3A_42 = tpu.memref_slice %arg2[%dma_start3A_40, %dma_start3A_41] : memref<32768x16xf32, #tpu.memory_space<hbm>> -> memref<32768x16xf32, #tpu.memory_space<hbm>>
      tpu.enqueue_indirect_dma source(%dma_start3A_42 : memref<32768x16xf32, #tpu.memory_space<hbm>>) target(%dma_start3A_38 : memref<128x16xf32, #tpu.memory_space<vmem>>) offsets(%dma_start3A_39 : memref<128xi32, #tpu.memory_space<vmem>>) semaphore(%arg7 : memref<!tpu.dma_semaphore, #tpu.memory_space<semaphore_mem>>)
      %dma_start3A_43 = arith.constant 128 : i32
      %dma_start3A_44 = arith.constant 0 : i32
      %dma_start3A_45 = tpu.memref_slice %arg6[%dma_start3A_43, %dma_start3A_44] : memref<512x16xf32, #tpu.memory_space<vmem>> -> memref<128x16xf32, #tpu.memory_space<vmem>>
      %dma_start3A_46 = tpu.memref_slice %arg5[%multiple_of3A_22] : memref<4096xi32, #tpu.memory_space<vmem>> -> memref<128xi32, #tpu.memory_space<vmem>>
      %dma_start3A_47 = arith.constant 0 : i32
      %dma_start3A_48 = arith.constant 0 : i32
      %dma_start3A_49 = tpu.memref_slice %arg2[%dma_start3A_47, %dma_start3A_48] : memref<32768x16xf32, #tpu.memory_space<hbm>> -> memref<32768x16xf32, #tpu.memory_space<hbm>>
      tpu.enqueue_indirect_dma source(%dma_start3A_49 : memref<32768x16xf32, #tpu.memory_space<hbm>>) target(%dma_start3A_45 : memref<128x16xf32, #tpu.memory_space<vmem>>) offsets(%dma_start3A_46 : memref<128xi32, #tpu.memory_space<vmem>>) semaphore(%arg7 : memref<!tpu.dma_semaphore, #tpu.memory_space<semaphore_mem>>)
      %dma_start3A_50 = arith.constant 256 : i32
      %dma_start3A_51 = arith.constant 0 : i32
      %dma_start3A_52 = tpu.memref_slice %arg6[%dma_start3A_50, %dma_start3A_51] : memref<512x16xf32, #tpu.memory_space<vmem>> -> memref<128x16xf32, #tpu.memory_space<vmem>>
      %dma_start3A_53 = tpu.memref_slice %arg5[%multiple_of3A_29] : memref<4096xi32, #tpu.memory_space<vmem>> -> memref<128xi32, #tpu.memory_space<vmem>>
      %dma_start3A_54 = arith.constant 0 : i32
      %dma_start3A_55 = arith.constant 0 : i32
      %dma_start3A_56 = tpu.memref_slice %arg2[%dma_start3A_54, %dma_start3A_55] : memref<32768x16xf32, #tpu.memory_space<hbm>> -> memref<32768x16xf32, #tpu.memory_space<hbm>>
      tpu.enqueue_indirect_dma source(%dma_start3A_56 : memref<32768x16xf32, #tpu.memory_space<hbm>>) target(%dma_start3A_52 : memref<128x16xf32, #tpu.memory_space<vmem>>) offsets(%dma_start3A_53 : memref<128xi32, #tpu.memory_space<vmem>>) semaphore(%arg7 : memref<!tpu.dma_semaphore, #tpu.memory_space<semaphore_mem>>)
      %dma_start3A_57 = arith.constant 384 : i32
      %dma_start3A_58 = arith.constant 0 : i32
      %dma_start3A_59 = tpu.memref_slice %arg6[%dma_start3A_57, %dma_start3A_58] : memref<512x16xf32, #tpu.memory_space<vmem>> -> memref<128x16xf32, #tpu.memory_space<vmem>>
      %dma_start3A_60 = tpu.memref_slice %arg5[%multiple_of3A_36] : memref<4096xi32, #tpu.memory_space<vmem>> -> memref<128xi32, #tpu.memory_space<vmem>>
      %dma_start3A_61 = arith.constant 0 : i32
      %dma_start3A_62 = arith.constant 0 : i32
      %dma_start3A_63 = tpu.memref_slice %arg2[%dma_start3A_61, %dma_start3A_62] : memref<32768x16xf32, #tpu.memory_space<hbm>> -> memref<32768x16xf32, #tpu.memory_space<hbm>>
      tpu.enqueue_indirect_dma source(%dma_start3A_63 : memref<32768x16xf32, #tpu.memory_space<hbm>>) target(%dma_start3A_59 : memref<128x16xf32, #tpu.memory_space<vmem>>) offsets(%dma_start3A_60 : memref<128xi32, #tpu.memory_space<vmem>>) semaphore(%arg7 : memref<!tpu.dma_semaphore, #tpu.memory_space<semaphore_mem>>)
      %dma_wait3A = arith.constant 0 : i32
      %dma_wait3A_64 = arith.constant 0 : i32
      %dma_wait3A_65 = tpu.memref_slice %arg6[%dma_wait3A, %dma_wait3A_64] : memref<512x16xf32, #tpu.memory_space<vmem>> -> memref<128x16xf32, #tpu.memory_space<vmem>>
      %dma_wait3A_66 = arith.constant 0 : i32
      %dma_wait3A_67 = arith.constant 0 : i32
      %dma_wait3A_68 = tpu.memref_slice %arg2[%dma_wait3A_66, %dma_wait3A_67] : memref<32768x16xf32, #tpu.memory_space<hbm>> -> memref<128x16xf32, #tpu.memory_space<hbm>>
      %dma_wait3A_69 = arith.constant 0 : i32
      %dma_wait3A_70 = arith.constant 0 : i32
      %dma_wait3A_71 = tpu.memref_slice %arg6[%dma_wait3A_69, %dma_wait3A_70] : memref<512x16xf32, #tpu.memory_space<vmem>> -> memref<128x16xf32, #tpu.memory_space<vmem>>
      %dma_wait3A_72 = arith.constant 0 : i32
      %dma_wait3A_73 = arith.constant 0 : i32
      %dma_wait3A_74 = tpu.memref_slice %arg2[%dma_wait3A_72, %dma_wait3A_73] : memref<32768x16xf32, #tpu.memory_space<hbm>> -> memref<128x16xf32, #tpu.memory_space<hbm>>
      tpu.wait_dma2 semaphore(%arg7 : memref<!tpu.dma_semaphore, #tpu.memory_space<semaphore_mem>>) src(%dma_wait3A_74 : memref<128x16xf32, #tpu.memory_space<hbm>>) dst(%dma_wait3A_71 : memref<128x16xf32, #tpu.memory_space<vmem>>)
      %dma_wait3A_75 = arith.constant 128 : i32
      %dma_wait3A_76 = arith.constant 0 : i32
      %dma_wait3A_77 = tpu.memref_slice %arg6[%dma_wait3A_75, %dma_wait3A_76] : memref<512x16xf32, #tpu.memory_space<vmem>> -> memref<128x16xf32, #tpu.memory_space<vmem>>
      %dma_wait3A_78 = arith.constant 0 : i32
      %dma_wait3A_79 = arith.constant 0 : i32
      %dma_wait3A_80 = tpu.memref_slice %arg2[%dma_wait3A_78, %dma_wait3A_79] : memref<32768x16xf32, #tpu.memory_space<hbm>> -> memref<128x16xf32, #tpu.memory_space<hbm>>
      %dma_wait3A_81 = arith.constant 128 : i32
      %dma_wait3A_82 = arith.constant 0 : i32
      %dma_wait3A_83 = tpu.memref_slice %arg6[%dma_wait3A_81, %dma_wait3A_82] : memref<512x16xf32, #tpu.memory_space<vmem>> -> memref<128x16xf32, #tpu.memory_space<vmem>>
      %dma_wait3A_84 = arith.constant 0 : i32
      %dma_wait3A_85 = arith.constant 0 : i32
      %dma_wait3A_86 = tpu.memref_slice %arg2[%dma_wait3A_84, %dma_wait3A_85] : memref<32768x16xf32, #tpu.memory_space<hbm>> -> memref<128x16xf32, #tpu.memory_space<hbm>>
      tpu.wait_dma2 semaphore(%arg7 : memref<!tpu.dma_semaphore, #tpu.memory_space<semaphore_mem>>) src(%dma_wait3A_86 : memref<128x16xf32, #tpu.memory_space<hbm>>) dst(%dma_wait3A_83 : memref<128x16xf32, #tpu.memory_space<vmem>>)
      %dma_wait3A_87 = arith.constant 256 : i32
      %dma_wait3A_88 = arith.constant 0 : i32
      %dma_wait3A_89 = tpu.memref_slice %arg6[%dma_wait3A_87, %dma_wait3A_88] : memref<512x16xf32, #tpu.memory_space<vmem>> -> memref<128x16xf32, #tpu.memory_space<vmem>>
      %dma_wait3A_90 = arith.constant 0 : i32
      %dma_wait3A_91 = arith.constant 0 : i32
      %dma_wait3A_92 = tpu.memref_slice %arg2[%dma_wait3A_90, %dma_wait3A_91] : memref<32768x16xf32, #tpu.memory_space<hbm>> -> memref<128x16xf32, #tpu.memory_space<hbm>>
      %dma_wait3A_93 = arith.constant 256 : i32
      %dma_wait3A_94 = arith.constant 0 : i32
      %dma_wait3A_95 = tpu.memref_slice %arg6[%dma_wait3A_93, %dma_wait3A_94] : memref<512x16xf32, #tpu.memory_space<vmem>> -> memref<128x16xf32, #tpu.memory_space<vmem>>
      %dma_wait3A_96 = arith.constant 0 : i32
      %dma_wait3A_97 = arith.constant 0 : i32
      %dma_wait3A_98 = tpu.memref_slice %arg2[%dma_wait3A_96, %dma_wait3A_97] : memref<32768x16xf32, #tpu.memory_space<hbm>> -> memref<128x16xf32, #tpu.memory_space<hbm>>
      tpu.wait_dma2 semaphore(%arg7 : memref<!tpu.dma_semaphore, #tpu.memory_space<semaphore_mem>>) src(%dma_wait3A_98 : memref<128x16xf32, #tpu.memory_space<hbm>>) dst(%dma_wait3A_95 : memref<128x16xf32, #tpu.memory_space<vmem>>)
      %dma_wait3A_99 = arith.constant 384 : i32
      %dma_wait3A_100 = arith.constant 0 : i32
      %dma_wait3A_101 = tpu.memref_slice %arg6[%dma_wait3A_99, %dma_wait3A_100] : memref<512x16xf32, #tpu.memory_space<vmem>> -> memref<128x16xf32, #tpu.memory_space<vmem>>
      %dma_wait3A_102 = arith.constant 0 : i32
      %dma_wait3A_103 = arith.constant 0 : i32
      %dma_wait3A_104 = tpu.memref_slice %arg2[%dma_wait3A_102, %dma_wait3A_103] : memref<32768x16xf32, #tpu.memory_space<hbm>> -> memref<128x16xf32, #tpu.memory_space<hbm>>
      %dma_wait3A_105 = arith.constant 384 : i32
      %dma_wait3A_106 = arith.constant 0 : i32
      %dma_wait3A_107 = tpu.memref_slice %arg6[%dma_wait3A_105, %dma_wait3A_106] : memref<512x16xf32, #tpu.memory_space<vmem>> -> memref<128x16xf32, #tpu.memory_space<vmem>>
      %dma_wait3A_108 = arith.constant 0 : i32
      %dma_wait3A_109 = arith.constant 0 : i32
      %dma_wait3A_110 = tpu.memref_slice %arg2[%dma_wait3A_108, %dma_wait3A_109] : memref<32768x16xf32, #tpu.memory_space<hbm>> -> memref<128x16xf32, #tpu.memory_space<hbm>>
      tpu.wait_dma2 semaphore(%arg7 : memref<!tpu.dma_semaphore, #tpu.memory_space<semaphore_mem>>) src(%dma_wait3A_110 : memref<128x16xf32, #tpu.memory_space<hbm>>) dst(%dma_wait3A_107 : memref<128x16xf32, #tpu.memory_space<vmem>>)
      %add3A_111 = arith.addi %multiple_of3A, %multiple_of3A_15 : i32
      %multiple_of3A_112 = tpu.assume_multiple %add3A_111, 8 : i32
      "tpu.region"() ({
        %run_scoped3A = tpu.sem_alloc : memref<!tpu.dma_semaphore, #tpu.memory_space<semaphore_mem>>
        %dma_start3A_119 = arith.constant 0 : i32
        %dma_start3A_120 = arith.constant 0 : i32
        %dma_start3A_121 = tpu.memref_slice %arg6[%dma_start3A_119, %dma_start3A_120] : memref<512x16xf32, #tpu.memory_space<vmem>> -> memref<128x16xf32, #tpu.memory_space<vmem>>
        %dma_start3A_122 = arith.constant 0 : i32
        %dma_start3A_123 = tpu.memref_slice %arg4[%multiple_of3A_112, %dma_start3A_122] : memref<131072x16xf32, #tpu.memory_space<hbm>> -> memref<128x16xf32, #tpu.memory_space<hbm>>
        %dma_start3A_124 = arith.constant 0 : i32
        %dma_start3A_125 = tpu.memref_slice %arg4[%multiple_of3A_112, %dma_start3A_124] : memref<131072x16xf32, #tpu.memory_space<hbm>> -> memref<128x16xf32, #tpu.memory_space<hbm>>
        %dma_start3A_126 = arith.constant 0 : i32
        %dma_start3A_127 = arith.constant 0 : i32
        %dma_start3A_128 = tpu.memref_slice %arg6[%dma_start3A_126, %dma_start3A_127] : memref<512x16xf32, #tpu.memory_space<vmem>> -> memref<128x16xf32, #tpu.memory_space<vmem>>
        tpu.enqueue_dma source(%dma_start3A_128 : memref<128x16xf32, #tpu.memory_space<vmem>>) target(%dma_start3A_125 : memref<128x16xf32, #tpu.memory_space<hbm>>) target_semaphore(%run_scoped3A : memref<!tpu.dma_semaphore, #tpu.memory_space<semaphore_mem>>)
        %dma_wait3A_129 = arith.constant 0 : i32
        %dma_wait3A_130 = arith.constant 0 : i32
        %dma_wait3A_131 = tpu.memref_slice %arg6[%dma_wait3A_129, %dma_wait3A_130] : memref<512x16xf32, #tpu.memory_space<vmem>> -> memref<128x16xf32, #tpu.memory_space<vmem>>
        %dma_wait3A_132 = arith.constant 0 : i32
        %dma_wait3A_133 = tpu.memref_slice %arg4[%multiple_of3A_112, %dma_wait3A_132] : memref<131072x16xf32, #tpu.memory_space<hbm>> -> memref<128x16xf32, #tpu.memory_space<hbm>>
        %dma_wait3A_134 = arith.constant 0 : i32
        %dma_wait3A_135 = tpu.memref_slice %arg4[%multiple_of3A_112, %dma_wait3A_134] : memref<131072x16xf32, #tpu.memory_space<hbm>> -> memref<128x16xf32, #tpu.memory_space<hbm>>
        %dma_wait3A_136 = arith.constant 0 : i32
        %dma_wait3A_137 = arith.constant 0 : i32
        %dma_wait3A_138 = tpu.memref_slice %arg6[%dma_wait3A_136, %dma_wait3A_137] : memref<512x16xf32, #tpu.memory_space<vmem>> -> memref<128x16xf32, #tpu.memory_space<vmem>>
        tpu.wait_dma2 semaphore(%run_scoped3A : memref<!tpu.dma_semaphore, #tpu.memory_space<semaphore_mem>>) src(%dma_wait3A_138 : memref<128x16xf32, #tpu.memory_space<vmem>>) dst(%dma_wait3A_135 : memref<128x16xf32, #tpu.memory_space<hbm>>)
        tpu.yield
      }) : () -> ()
      %add3A_113 = arith.addi %multiple_of3A, %multiple_of3A_22 : i32
      %multiple_of3A_114 = tpu.assume_multiple %add3A_113, 8 : i32
      "tpu.region"() ({
        %run_scoped3A = tpu.sem_alloc : memref<!tpu.dma_semaphore, #tpu.memory_space<semaphore_mem>>
        %dma_start3A_119 = arith.constant 128 : i32
        %dma_start3A_120 = arith.constant 0 : i32
        %dma_start3A_121 = tpu.memref_slice %arg6[%dma_start3A_119, %dma_start3A_120] : memref<512x16xf32, #tpu.memory_space<vmem>> -> memref<128x16xf32, #tpu.memory_space<vmem>>
        %dma_start3A_122 = arith.constant 0 : i32
        %dma_start3A_123 = tpu.memref_slice %arg4[%multiple_of3A_114, %dma_start3A_122] : memref<131072x16xf32, #tpu.memory_space<hbm>> -> memref<128x16xf32, #tpu.memory_space<hbm>>
        %dma_start3A_124 = arith.constant 0 : i32
        %dma_start3A_125 = tpu.memref_slice %arg4[%multiple_of3A_114, %dma_start3A_124] : memref<131072x16xf32, #tpu.memory_space<hbm>> -> memref<128x16xf32, #tpu.memory_space<hbm>>
        %dma_start3A_126 = arith.constant 128 : i32
        %dma_start3A_127 = arith.constant 0 : i32
        %dma_start3A_128 = tpu.memref_slice %arg6[%dma_start3A_126, %dma_start3A_127] : memref<512x16xf32, #tpu.memory_space<vmem>> -> memref<128x16xf32, #tpu.memory_space<vmem>>
        tpu.enqueue_dma source(%dma_start3A_128 : memref<128x16xf32, #tpu.memory_space<vmem>>) target(%dma_start3A_125 : memref<128x16xf32, #tpu.memory_space<hbm>>) target_semaphore(%run_scoped3A : memref<!tpu.dma_semaphore, #tpu.memory_space<semaphore_mem>>)
        %dma_wait3A_129 = arith.constant 128 : i32
        %dma_wait3A_130 = arith.constant 0 : i32
        %dma_wait3A_131 = tpu.memref_slice %arg6[%dma_wait3A_129, %dma_wait3A_130] : memref<512x16xf32, #tpu.memory_space<vmem>> -> memref<128x16xf32, #tpu.memory_space<vmem>>
        %dma_wait3A_132 = arith.constant 0 : i32
        %dma_wait3A_133 = tpu.memref_slice %arg4[%multiple_of3A_114, %dma_wait3A_132] : memref<131072x16xf32, #tpu.memory_space<hbm>> -> memref<128x16xf32, #tpu.memory_space<hbm>>
        %dma_wait3A_134 = arith.constant 0 : i32
        %dma_wait3A_135 = tpu.memref_slice %arg4[%multiple_of3A_114, %dma_wait3A_134] : memref<131072x16xf32, #tpu.memory_space<hbm>> -> memref<128x16xf32, #tpu.memory_space<hbm>>
        %dma_wait3A_136 = arith.constant 128 : i32
        %dma_wait3A_137 = arith.constant 0 : i32
        %dma_wait3A_138 = tpu.memref_slice %arg6[%dma_wait3A_136, %dma_wait3A_137] : memref<512x16xf32, #tpu.memory_space<vmem>> -> memref<128x16xf32, #tpu.memory_space<vmem>>
        tpu.wait_dma2 semaphore(%run_scoped3A : memref<!tpu.dma_semaphore, #tpu.memory_space<semaphore_mem>>) src(%dma_wait3A_138 : memref<128x16xf32, #tpu.memory_space<vmem>>) dst(%dma_wait3A_135 : memref<128x16xf32, #tpu.memory_space<hbm>>)
        tpu.yield
      }) : () -> ()
      %add3A_115 = arith.addi %multiple_of3A, %multiple_of3A_29 : i32
      %multiple_of3A_116 = tpu.assume_multiple %add3A_115, 8 : i32
      "tpu.region"() ({
        %run_scoped3A = tpu.sem_alloc : memref<!tpu.dma_semaphore, #tpu.memory_space<semaphore_mem>>
        %dma_start3A_119 = arith.constant 256 : i32
        %dma_start3A_120 = arith.constant 0 : i32
        %dma_start3A_121 = tpu.memref_slice %arg6[%dma_start3A_119, %dma_start3A_120] : memref<512x16xf32, #tpu.memory_space<vmem>> -> memref<128x16xf32, #tpu.memory_space<vmem>>
        %dma_start3A_122 = arith.constant 0 : i32
        %dma_start3A_123 = tpu.memref_slice %arg4[%multiple_of3A_116, %dma_start3A_122] : memref<131072x16xf32, #tpu.memory_space<hbm>> -> memref<128x16xf32, #tpu.memory_space<hbm>>
        %dma_start3A_124 = arith.constant 0 : i32
        %dma_start3A_125 = tpu.memref_slice %arg4[%multiple_of3A_116, %dma_start3A_124] : memref<131072x16xf32, #tpu.memory_space<hbm>> -> memref<128x16xf32, #tpu.memory_space<hbm>>
        %dma_start3A_126 = arith.constant 256 : i32
        %dma_start3A_127 = arith.constant 0 : i32
        %dma_start3A_128 = tpu.memref_slice %arg6[%dma_start3A_126, %dma_start3A_127] : memref<512x16xf32, #tpu.memory_space<vmem>> -> memref<128x16xf32, #tpu.memory_space<vmem>>
        tpu.enqueue_dma source(%dma_start3A_128 : memref<128x16xf32, #tpu.memory_space<vmem>>) target(%dma_start3A_125 : memref<128x16xf32, #tpu.memory_space<hbm>>) target_semaphore(%run_scoped3A : memref<!tpu.dma_semaphore, #tpu.memory_space<semaphore_mem>>)
        %dma_wait3A_129 = arith.constant 256 : i32
        %dma_wait3A_130 = arith.constant 0 : i32
        %dma_wait3A_131 = tpu.memref_slice %arg6[%dma_wait3A_129, %dma_wait3A_130] : memref<512x16xf32, #tpu.memory_space<vmem>> -> memref<128x16xf32, #tpu.memory_space<vmem>>
        %dma_wait3A_132 = arith.constant 0 : i32
        %dma_wait3A_133 = tpu.memref_slice %arg4[%multiple_of3A_116, %dma_wait3A_132] : memref<131072x16xf32, #tpu.memory_space<hbm>> -> memref<128x16xf32, #tpu.memory_space<hbm>>
        %dma_wait3A_134 = arith.constant 0 : i32
        %dma_wait3A_135 = tpu.memref_slice %arg4[%multiple_of3A_116, %dma_wait3A_134] : memref<131072x16xf32, #tpu.memory_space<hbm>> -> memref<128x16xf32, #tpu.memory_space<hbm>>
        %dma_wait3A_136 = arith.constant 256 : i32
        %dma_wait3A_137 = arith.constant 0 : i32
        %dma_wait3A_138 = tpu.memref_slice %arg6[%dma_wait3A_136, %dma_wait3A_137] : memref<512x16xf32, #tpu.memory_space<vmem>> -> memref<128x16xf32, #tpu.memory_space<vmem>>
        tpu.wait_dma2 semaphore(%run_scoped3A : memref<!tpu.dma_semaphore, #tpu.memory_space<semaphore_mem>>) src(%dma_wait3A_138 : memref<128x16xf32, #tpu.memory_space<vmem>>) dst(%dma_wait3A_135 : memref<128x16xf32, #tpu.memory_space<hbm>>)
        tpu.yield
      }) : () -> ()
      %add3A_117 = arith.addi %multiple_of3A, %multiple_of3A_36 : i32
      %multiple_of3A_118 = tpu.assume_multiple %add3A_117, 8 : i32
      "tpu.region"() ({
        %run_scoped3A = tpu.sem_alloc : memref<!tpu.dma_semaphore, #tpu.memory_space<semaphore_mem>>
        %dma_start3A_119 = arith.constant 384 : i32
        %dma_start3A_120 = arith.constant 0 : i32
        %dma_start3A_121 = tpu.memref_slice %arg6[%dma_start3A_119, %dma_start3A_120] : memref<512x16xf32, #tpu.memory_space<vmem>> -> memref<128x16xf32, #tpu.memory_space<vmem>>
        %dma_start3A_122 = arith.constant 0 : i32
        %dma_start3A_123 = tpu.memref_slice %arg4[%multiple_of3A_118, %dma_start3A_122] : memref<131072x16xf32, #tpu.memory_space<hbm>> -> memref<128x16xf32, #tpu.memory_space<hbm>>
        %dma_start3A_124 = arith.constant 0 : i32
        %dma_start3A_125 = tpu.memref_slice %arg4[%multiple_of3A_118, %dma_start3A_124] : memref<131072x16xf32, #tpu.memory_space<hbm>> -> memref<128x16xf32, #tpu.memory_space<hbm>>
        %dma_start3A_126 = arith.constant 384 : i32
        %dma_start3A_127 = arith.constant 0 : i32
        %dma_start3A_128 = tpu.memref_slice %arg6[%dma_start3A_126, %dma_start3A_127] : memref<512x16xf32, #tpu.memory_space<vmem>> -> memref<128x16xf32, #tpu.memory_space<vmem>>
        tpu.enqueue_dma source(%dma_start3A_128 : memref<128x16xf32, #tpu.memory_space<vmem>>) target(%dma_start3A_125 : memref<128x16xf32, #tpu.memory_space<hbm>>) target_semaphore(%run_scoped3A : memref<!tpu.dma_semaphore, #tpu.memory_space<semaphore_mem>>)
        %dma_wait3A_129 = arith.constant 384 : i32
        %dma_wait3A_130 = arith.constant 0 : i32
        %dma_wait3A_131 = tpu.memref_slice %arg6[%dma_wait3A_129, %dma_wait3A_130] : memref<512x16xf32, #tpu.memory_space<vmem>> -> memref<128x16xf32, #tpu.memory_space<vmem>>
        %dma_wait3A_132 = arith.constant 0 : i32
        %dma_wait3A_133 = tpu.memref_slice %arg4[%multiple_of3A_118, %dma_wait3A_132] : memref<131072x16xf32, #tpu.memory_space<hbm>> -> memref<128x16xf32, #tpu.memory_space<hbm>>
        %dma_wait3A_134 = arith.constant 0 : i32
        %dma_wait3A_135 = tpu.memref_slice %arg4[%multiple_of3A_118, %dma_wait3A_134] : memref<131072x16xf32, #tpu.memory_space<hbm>> -> memref<128x16xf32, #tpu.memory_space<hbm>>
        %dma_wait3A_136 = arith.constant 384 : i32
        %dma_wait3A_137 = arith.constant 0 : i32
        %dma_wait3A_138 = tpu.memref_slice %arg6[%dma_wait3A_136, %dma_wait3A_137] : memref<512x16xf32, #tpu.memory_space<vmem>> -> memref<128x16xf32, #tpu.memory_space<vmem>>
        tpu.wait_dma2 semaphore(%run_scoped3A : memref<!tpu.dma_semaphore, #tpu.memory_space<semaphore_mem>>) src(%dma_wait3A_138 : memref<128x16xf32, #tpu.memory_space<vmem>>) dst(%dma_wait3A_135 : memref<128x16xf32, #tpu.memory_space<hbm>>)
        tpu.yield
      }) : () -> ()
    }
    %scan3A_7 = arith.constant 8 : i32
    return
  }
}

module attributes {stable_mosaic.version = 14 : i64} {
  func.func @_fps_body(%arg0: memref<8x4096xf32, #tpu.memory_space<vmem>>, %arg1: memref<8x4096xf32, #tpu.memory_space<vmem>>, %arg2: memref<8x4096xf32, #tpu.memory_space<vmem>>, %arg3: memref<8x512xf32, #tpu.memory_space<vmem>>, %arg4: memref<8x512xf32, #tpu.memory_space<vmem>>, %arg5: memref<8x512xf32, #tpu.memory_space<vmem>>) attributes {dimension_semantics = [], scalar_prefetch = 0 : i64, scratch_operands = 0 : i64, tpu.core_type = #tpu.core_type<tc>} {
    %get3A = arith.constant 0 : index
    %get3A_0 = arith.constant 0 : index
    %get3A_1 = vector.load %arg0[%get3A, %get3A_0] : memref<8x4096xf32, #tpu.memory_space<vmem>>, vector<8x4096xf32>
    %get3A_2 = arith.constant 0 : index
    %get3A_3 = arith.constant 0 : index
    %get3A_4 = vector.load %arg1[%get3A_2, %get3A_3] : memref<8x4096xf32, #tpu.memory_space<vmem>>, vector<8x4096xf32>
    %get3A_5 = arith.constant 0 : index
    %get3A_6 = arith.constant 0 : index
    %get3A_7 = vector.load %arg2[%get3A_5, %get3A_6] : memref<8x4096xf32, #tpu.memory_space<vmem>>, vector<8x4096xf32>
    %iota3A = tpu.iota {dimensions = array<i32: 1>} : vector<8x4096xi32>
    %iota3A_8 = tpu.iota {dimensions = array<i32: 1>} : vector<8x512xi32>
    %broadcast_in_dim3A = arith.constant 1.000000e+10 : f32
    %broadcast_in_dim3A_9 = vector.broadcast %broadcast_in_dim3A : f32 to vector<8x4096xf32>
    %broadcast_in_dim3A_10 = arith.constant 0 : i32
    %broadcast_in_dim3A_11 = vector.broadcast %broadcast_in_dim3A_10 : i32 to vector<8x1xi32>
    %broadcast_in_dim3A_12 = arith.constant 0.000000e+00 : f32
    %broadcast_in_dim3A_13 = vector.broadcast %broadcast_in_dim3A_12 : f32 to vector<8x512xf32>
    %scan3A = arith.constant 0 : i32
    %scan3A_14 = arith.constant 512 : i32
    %scan3A_15 = arith.addi %scan3A, %scan3A_14 : i32
    %scan3A_16 = arith.constant 1 : i32
    %scan3A_17:5 = scf.for %scan3A_27 = %scan3A to %scan3A_15 step %scan3A_16 iter_args(%scan3A_28 = %broadcast_in_dim3A_9, %scan3A_29 = %broadcast_in_dim3A_11, %scan3A_30 = %broadcast_in_dim3A_13, %scan3A_31 = %broadcast_in_dim3A_13, %scan3A_32 = %broadcast_in_dim3A_13) -> (vector<8x4096xf32>, vector<8x1xi32>, vector<8x512xf32>, vector<8x512xf32>, vector<8x512xf32>)  : i32 {
      %eq3A = vector.broadcast %scan3A_29 : vector<8x1xi32> to vector<8x4096xi32>
      %eq3A_33 = arith.cmpi eq, %iota3A, %eq3A : vector<8x4096xi32>
      %jit3A = arith.constant 0.000000e+00 : f32
      %broadcast_in_dim3A_34 = vector.broadcast %jit3A : f32 to vector<8x4096xf32>
      %select_n3A = arith.select %eq3A_33, %get3A_1, %broadcast_in_dim3A_34 : vector<8x4096xi1>, vector<8x4096xf32>
      %reduce_sum3A = arith.constant dense<0.000000e+00> : vector<8xf32>
      %reduce_sum3A_35 = vector.multi_reduction <add>, %select_n3A, %reduce_sum3A [1] : vector<8x4096xf32> to vector<8xf32>
      %broadcast_in_dim3A_36 = vector.shape_cast %reduce_sum3A_35 : vector<8xf32> to vector<8x1xf32>
      %jit3A_37 = arith.constant 0.000000e+00 : f32
      %broadcast_in_dim3A_38 = vector.broadcast %jit3A_37 : f32 to vector<8x4096xf32>
      %select_n3A_39 = arith.select %eq3A_33, %get3A_4, %broadcast_in_dim3A_38 : vector<8x4096xi1>, vector<8x4096xf32>
      %reduce_sum3A_40 = arith.constant dense<0.000000e+00> : vector<8xf32>
      %reduce_sum3A_41 = vector.multi_reduction <add>, %select_n3A_39, %reduce_sum3A_40 [1] : vector<8x4096xf32> to vector<8xf32>
      %broadcast_in_dim3A_42 = vector.shape_cast %reduce_sum3A_41 : vector<8xf32> to vector<8x1xf32>
      %jit3A_43 = arith.constant 0.000000e+00 : f32
      %broadcast_in_dim3A_44 = vector.broadcast %jit3A_43 : f32 to vector<8x4096xf32>
      %select_n3A_45 = arith.select %eq3A_33, %get3A_7, %broadcast_in_dim3A_44 : vector<8x4096xi1>, vector<8x4096xf32>
      %reduce_sum3A_46 = arith.constant dense<0.000000e+00> : vector<8xf32>
      %reduce_sum3A_47 = vector.multi_reduction <add>, %select_n3A_45, %reduce_sum3A_46 [1] : vector<8x4096xf32> to vector<8xf32>
      %broadcast_in_dim3A_48 = vector.shape_cast %reduce_sum3A_47 : vector<8xf32> to vector<8x1xf32>
      %eq3A_49 = vector.broadcast %scan3A_27 : i32 to vector<8x512xi32>
      %eq3A_50 = arith.cmpi eq, %iota3A_8, %eq3A_49 : vector<8x512xi32>
      %broadcast_in_dim3A_51 = vector.shape_cast %broadcast_in_dim3A_36 : vector<8x1xf32> to vector<8x1xf32>
      %broadcast_in_dim3A_52 = vector.broadcast %broadcast_in_dim3A_51 : vector<8x1xf32> to vector<8x512xf32>
      %select_n3A_53 = arith.select %eq3A_50, %broadcast_in_dim3A_52, %scan3A_30 : vector<8x512xi1>, vector<8x512xf32>
      %broadcast_in_dim3A_54 = vector.shape_cast %broadcast_in_dim3A_42 : vector<8x1xf32> to vector<8x1xf32>
      %broadcast_in_dim3A_55 = vector.broadcast %broadcast_in_dim3A_54 : vector<8x1xf32> to vector<8x512xf32>
      %select_n3A_56 = arith.select %eq3A_50, %broadcast_in_dim3A_55, %scan3A_31 : vector<8x512xi1>, vector<8x512xf32>
      %broadcast_in_dim3A_57 = vector.shape_cast %broadcast_in_dim3A_48 : vector<8x1xf32> to vector<8x1xf32>
      %broadcast_in_dim3A_58 = vector.broadcast %broadcast_in_dim3A_57 : vector<8x1xf32> to vector<8x512xf32>
      %select_n3A_59 = arith.select %eq3A_50, %broadcast_in_dim3A_58, %scan3A_32 : vector<8x512xi1>, vector<8x512xf32>
      %sub3A = vector.broadcast %broadcast_in_dim3A_36 : vector<8x1xf32> to vector<8x4096xf32>
      %sub3A_60 = arith.subf %get3A_1, %sub3A : vector<8x4096xf32>
      %integer_pow3A = arith.mulf %sub3A_60, %sub3A_60 : vector<8x4096xf32>
      %sub3A_61 = vector.broadcast %broadcast_in_dim3A_42 : vector<8x1xf32> to vector<8x4096xf32>
      %sub3A_62 = arith.subf %get3A_4, %sub3A_61 : vector<8x4096xf32>
      %integer_pow3A_63 = arith.mulf %sub3A_62, %sub3A_62 : vector<8x4096xf32>
      %add3A = arith.addf %integer_pow3A, %integer_pow3A_63 : vector<8x4096xf32>
      %sub3A_64 = vector.broadcast %broadcast_in_dim3A_48 : vector<8x1xf32> to vector<8x4096xf32>
      %sub3A_65 = arith.subf %get3A_7, %sub3A_64 : vector<8x4096xf32>
      %integer_pow3A_66 = arith.mulf %sub3A_65, %sub3A_65 : vector<8x4096xf32>
      %add3A_67 = arith.addf %add3A, %integer_pow3A_66 : vector<8x4096xf32>
      %min3A = arith.minimumf %scan3A_28, %add3A_67 : vector<8x4096xf32>
      %reduce_max3A = arith.constant dense<0xFF800000> : vector<8xf32>
      %reduce_max3A_68 = vector.multi_reduction <maximumf>, %min3A, %reduce_max3A [1] : vector<8x4096xf32> to vector<8xf32>
      %broadcast_in_dim3A_69 = vector.shape_cast %reduce_max3A_68 : vector<8xf32> to vector<8x1xf32>
      %eq3A_70 = vector.broadcast %broadcast_in_dim3A_69 : vector<8x1xf32> to vector<8x4096xf32>
      %eq3A_71 = arith.cmpf oeq, %min3A, %eq3A_70 : vector<8x4096xf32>
      %jit3A_72 = arith.constant 4096 : i32
      %broadcast_in_dim3A_73 = vector.broadcast %jit3A_72 : i32 to vector<8x4096xi32>
      %select_n3A_74 = arith.select %eq3A_71, %iota3A, %broadcast_in_dim3A_73 : vector<8x4096xi1>, vector<8x4096xi32>
      %reduce_min3A = arith.constant dense<2147483647> : vector<8xi32>
      %reduce_min3A_75 = vector.multi_reduction <minsi>, %select_n3A_74, %reduce_min3A [1] : vector<8x4096xi32> to vector<8xi32>
      %broadcast_in_dim3A_76 = vector.shape_cast %reduce_min3A_75 : vector<8xi32> to vector<8x1xi32>
      scf.yield %min3A, %broadcast_in_dim3A_76, %select_n3A_53, %select_n3A_56, %select_n3A_59 : vector<8x4096xf32>, vector<8x1xi32>, vector<8x512xf32>, vector<8x512xf32>, vector<8x512xf32>
    }
    %scan3A_18 = arith.constant 512 : i32
    %swap3A = arith.constant 0 : index
    %swap3A_19 = arith.constant 0 : index
    %swap3A_20 = vector.load %arg3[%swap3A, %swap3A_19] : memref<8x512xf32, #tpu.memory_space<vmem>>, vector<8x512xf32>
    tpu.vector_store %arg3[%swap3A, %swap3A_19], %scan3A_17#2 {strides = array<i32>} : memref<8x512xf32, #tpu.memory_space<vmem>>, vector<8x512xf32>,
    %swap3A_21 = arith.constant 0 : index
    %swap3A_22 = arith.constant 0 : index
    %swap3A_23 = vector.load %arg4[%swap3A_21, %swap3A_22] : memref<8x512xf32, #tpu.memory_space<vmem>>, vector<8x512xf32>
    tpu.vector_store %arg4[%swap3A_21, %swap3A_22], %scan3A_17#3 {strides = array<i32>} : memref<8x512xf32, #tpu.memory_space<vmem>>, vector<8x512xf32>,
    %swap3A_24 = arith.constant 0 : index
    %swap3A_25 = arith.constant 0 : index
    %swap3A_26 = vector.load %arg5[%swap3A_24, %swap3A_25] : memref<8x512xf32, #tpu.memory_space<vmem>>, vector<8x512xf32>
    tpu.vector_store %arg5[%swap3A_24, %swap3A_25], %scan3A_17#4 {strides = array<i32>} : memref<8x512xf32, #tpu.memory_space<vmem>>, vector<8x512xf32>,
    return
  }
}

module attributes {stable_mosaic.version = 14 : i64} {
  func.func @_bq_body(%arg0: i32, %arg1: i32, %arg2: memref<1x1x4096xf32, #tpu.memory_space<vmem>>, %arg3: memref<1x1x4096xf32, #tpu.memory_space<vmem>>, %arg4: memref<1x1x4096xf32, #tpu.memory_space<vmem>>, %arg5: memref<1x128x1xf32, #tpu.memory_space<vmem>>, %arg6: memref<1x128x1xf32, #tpu.memory_space<vmem>>, %arg7: memref<1x128x1xf32, #tpu.memory_space<vmem>>, %arg8: memref<1x128x32xi32, #tpu.memory_space<vmem>>) attributes {dimension_semantics = [#tpu.dimension_semantics<arbitrary>, #tpu.dimension_semantics<arbitrary>], iteration_bounds = array<i64: 8, 4>, scalar_prefetch = 0 : i64, scratch_operands = 0 : i64, tpu.core_type = #tpu.core_type<tc>, window_params = [{transform_indices = @transform_0, window_bounds = array<i64: 1, 1, 4096>}, {transform_indices = @transform_1, window_bounds = array<i64: 1, 1, 4096>}, {transform_indices = @transform_2, window_bounds = array<i64: 1, 1, 4096>}, {transform_indices = @transform_3, window_bounds = array<i64: 1, 128, 1>}, {transform_indices = @transform_4, window_bounds = array<i64: 1, 128, 1>}, {transform_indices = @transform_5, window_bounds = array<i64: 1, 128, 1>}, {transform_indices = @transform_6, window_bounds = array<i64: 1, 128, 32>}]} {
    %get3A = arith.constant 0 : index
    %get3A_0 = arith.constant 0 : index
    %get3A_1 = arith.constant 0 : index
    %get3A_2 = vector.load %arg2[%get3A, %get3A_0, %get3A_1] : memref<1x1x4096xf32, #tpu.memory_space<vmem>>, vector<1x1x4096xf32>
    %get3A_3 = vector.shape_cast %get3A_2 : vector<1x1x4096xf32> to vector<1x4096xf32>
    %get3A_4 = arith.constant 0 : index
    %get3A_5 = arith.constant 0 : index
    %get3A_6 = arith.constant 0 : index
    %get3A_7 = vector.load %arg3[%get3A_4, %get3A_5, %get3A_6] : memref<1x1x4096xf32, #tpu.memory_space<vmem>>, vector<1x1x4096xf32>
    %get3A_8 = vector.shape_cast %get3A_7 : vector<1x1x4096xf32> to vector<1x4096xf32>
    %get3A_9 = arith.constant 0 : index
    %get3A_10 = arith.constant 0 : index
    %get3A_11 = arith.constant 0 : index
    %get3A_12 = vector.load %arg4[%get3A_9, %get3A_10, %get3A_11] : memref<1x1x4096xf32, #tpu.memory_space<vmem>>, vector<1x1x4096xf32>
    %get3A_13 = vector.shape_cast %get3A_12 : vector<1x1x4096xf32> to vector<1x4096xf32>
    %get3A_14 = arith.constant 0 : index
    %get3A_15 = arith.constant 0 : index
    %get3A_16 = arith.constant 0 : index
    %get3A_17 = vector.load %arg5[%get3A_14, %get3A_15, %get3A_16] : memref<1x128x1xf32, #tpu.memory_space<vmem>>, vector<1x128x1xf32>
    %get3A_18 = vector.shape_cast %get3A_17 : vector<1x128x1xf32> to vector<128x1xf32>
    %get3A_19 = arith.constant 0 : index
    %get3A_20 = arith.constant 0 : index
    %get3A_21 = arith.constant 0 : index
    %get3A_22 = vector.load %arg6[%get3A_19, %get3A_20, %get3A_21] : memref<1x128x1xf32, #tpu.memory_space<vmem>>, vector<1x128x1xf32>
    %get3A_23 = vector.shape_cast %get3A_22 : vector<1x128x1xf32> to vector<128x1xf32>
    %get3A_24 = arith.constant 0 : index
    %get3A_25 = arith.constant 0 : index
    %get3A_26 = arith.constant 0 : index
    %get3A_27 = vector.load %arg7[%get3A_24, %get3A_25, %get3A_26] : memref<1x128x1xf32, #tpu.memory_space<vmem>>, vector<1x128x1xf32>
    %get3A_28 = vector.shape_cast %get3A_27 : vector<1x128x1xf32> to vector<128x1xf32>
    %mul3A = arith.mulf %get3A_3, %get3A_3 : vector<1x4096xf32>
    %mul3A_29 = arith.mulf %get3A_8, %get3A_8 : vector<1x4096xf32>
    %add3A = arith.addf %mul3A, %mul3A_29 : vector<1x4096xf32>
    %mul3A_30 = arith.mulf %get3A_13, %get3A_13 : vector<1x4096xf32>
    %add3A_31 = arith.addf %add3A, %mul3A_30 : vector<1x4096xf32>
    %mul3A_32 = arith.mulf %get3A_18, %get3A_18 : vector<128x1xf32>
    %mul3A_33 = arith.mulf %get3A_23, %get3A_23 : vector<128x1xf32>
    %add3A_34 = arith.addf %mul3A_32, %mul3A_33 : vector<128x1xf32>
    %mul3A_35 = arith.mulf %get3A_28, %get3A_28 : vector<128x1xf32>
    %add3A_36 = arith.addf %add3A_34, %mul3A_35 : vector<128x1xf32>
    %concatenate3A = tpu.concatenate %get3A_18, %get3A_23, %get3A_28 in 1 : vector<128x1xf32>, vector<128x1xf32>, vector<128x1xf32> -> vector<128x3xf32>
    %concatenate3A_37 = tpu.concatenate %get3A_3, %get3A_8, %get3A_13 in 0 : vector<1x4096xf32>, vector<1x4096xf32>, vector<1x4096xf32> -> vector<3x4096xf32>
    %dot_general3A = arith.constant dense<0.000000e+00> : vector<128x4096xf32>
    %dot_general3A_38 = tpu.matmul %concatenate3A, %concatenate3A_37, %dot_general3A {dimension_numbers = #tpu.dot_dimension_numbers<[1], [0], [0], [1], [0, 0, 1, 1], [], []>, transpose_lhs_hint = false} : vector<128x3xf32>, vector<3x4096xf32>, vector<128x4096xf32> -> vector<128x4096xf32>
    %add3A_39 = vector.broadcast %add3A_36 : vector<128x1xf32> to vector<128x4096xf32>
    %add3A_40 = vector.broadcast %add3A_31 : vector<1x4096xf32> to vector<128x4096xf32>
    %add3A_41 = arith.addf %add3A_39, %add3A_40 : vector<128x4096xf32>
    %mul3A_42 = arith.constant 2.000000e+00 : f32
    %mul3A_43 = vector.broadcast %mul3A_42 : f32 to vector<128x4096xf32>
    %mul3A_44 = arith.mulf %mul3A_43, %dot_general3A_38 : vector<128x4096xf32>
    %sub3A = arith.subf %add3A_41, %mul3A_44 : vector<128x4096xf32>
    %iota3A = tpu.iota {dimensions = array<i32: 1>} : vector<128x4096xi32>
    %le3A = arith.constant 4.000000e-02 : f32
    %le3A_45 = vector.broadcast %le3A : f32 to vector<128x4096xf32>
    %le3A_46 = arith.cmpf ole, %sub3A, %le3A_45 : vector<128x4096xf32>
    %jit3A = arith.constant 4096 : i32
    %broadcast_in_dim3A = vector.broadcast %jit3A : i32 to vector<128x4096xi32>
    %select_n3A = arith.select %le3A_46, %iota3A, %broadcast_in_dim3A : vector<128x4096xi1>, vector<128x4096xi32>
    %reduce_min3A = arith.constant dense<2147483647> : vector<128xi32>
    %reduce_min3A_47 = vector.multi_reduction <minsi>, %select_n3A, %reduce_min3A [1] : vector<128x4096xi32> to vector<128xi32>
    %broadcast_in_dim3A_48 = vector.shape_cast %reduce_min3A_47 : vector<128xi32> to vector<128x1xi32>
    %gt3A = vector.broadcast %broadcast_in_dim3A_48 : vector<128x1xi32> to vector<128x4096xi32>
    %gt3A_49 = arith.cmpi sgt, %select_n3A, %gt3A : vector<128x4096xi32>
    %jit3A_50 = arith.constant 4096 : i32
    %broadcast_in_dim3A_51 = vector.broadcast %jit3A_50 : i32 to vector<128x4096xi32>
    %select_n3A_52 = arith.select %gt3A_49, %select_n3A, %broadcast_in_dim3A_51 : vector<128x4096xi1>, vector<128x4096xi32>
    %reduce_min3A_53 = arith.constant dense<2147483647> : vector<128xi32>
    %reduce_min3A_54 = vector.multi_reduction <minsi>, %select_n3A_52, %reduce_min3A_53 [1] : vector<128x4096xi32> to vector<128xi32>
    %broadcast_in_dim3A_55 = vector.shape_cast %reduce_min3A_54 : vector<128xi32> to vector<128x1xi32>
    %eq3A = arith.constant 4096 : i32
    %eq3A_56 = vector.broadcast %eq3A : i32 to vector<128x1xi32>
    %eq3A_57 = arith.cmpi eq, %broadcast_in_dim3A_55, %eq3A_56 : vector<128x1xi32>
    %select_n3A_58 = arith.select %eq3A_57, %broadcast_in_dim3A_48, %broadcast_in_dim3A_55 : vector<128x1xi1>, vector<128x1xi32>
    %gt3A_59 = vector.broadcast %broadcast_in_dim3A_55 : vector<128x1xi32> to vector<128x4096xi32>
    %gt3A_60 = arith.cmpi sgt, %select_n3A, %gt3A_59 : vector<128x4096xi32>
    %jit3A_61 = arith.constant 4096 : i32
    %broadcast_in_dim3A_62 = vector.broadcast %jit3A_61 : i32 to vector<128x4096xi32>
    %select_n3A_63 = arith.select %gt3A_60, %select_n3A, %broadcast_in_dim3A_62 : vector<128x4096xi1>, vector<128x4096xi32>
    %reduce_min3A_64 = arith.constant dense<2147483647> : vector<128xi32>
    %reduce_min3A_65 = vector.multi_reduction <minsi>, %select_n3A_63, %reduce_min3A_64 [1] : vector<128x4096xi32> to vector<128xi32>
    %broadcast_in_dim3A_66 = vector.shape_cast %reduce_min3A_65 : vector<128xi32> to vector<128x1xi32>
    %eq3A_67 = arith.constant 4096 : i32
    %eq3A_68 = vector.broadcast %eq3A_67 : i32 to vector<128x1xi32>
    %eq3A_69 = arith.cmpi eq, %broadcast_in_dim3A_66, %eq3A_68 : vector<128x1xi32>
    %select_n3A_70 = arith.select %eq3A_69, %broadcast_in_dim3A_48, %broadcast_in_dim3A_66 : vector<128x1xi1>, vector<128x1xi32>
    %gt3A_71 = vector.broadcast %broadcast_in_dim3A_66 : vector<128x1xi32> to vector<128x4096xi32>
    %gt3A_72 = arith.cmpi sgt, %select_n3A, %gt3A_71 : vector<128x4096xi32>
    %jit3A_73 = arith.constant 4096 : i32
    %broadcast_in_dim3A_74 = vector.broadcast %jit3A_73 : i32 to vector<128x4096xi32>
    %select_n3A_75 = arith.select %gt3A_72, %select_n3A, %broadcast_in_dim3A_74 : vector<128x4096xi1>, vector<128x4096xi32>
    %reduce_min3A_76 = arith.constant dense<2147483647> : vector<128xi32>
    %reduce_min3A_77 = vector.multi_reduction <minsi>, %select_n3A_75, %reduce_min3A_76 [1] : vector<128x4096xi32> to vector<128xi32>
    %broadcast_in_dim3A_78 = vector.shape_cast %reduce_min3A_77 : vector<128xi32> to vector<128x1xi32>
    %eq3A_79 = arith.constant 4096 : i32
    %eq3A_80 = vector.broadcast %eq3A_79 : i32 to vector<128x1xi32>
    %eq3A_81 = arith.cmpi eq, %broadcast_in_dim3A_78, %eq3A_80 : vector<128x1xi32>
    %select_n3A_82 = arith.select %eq3A_81, %broadcast_in_dim3A_48, %broadcast_in_dim3A_78 : vector<128x1xi1>, vector<128x1xi32>
    %gt3A_83 = vector.broadcast %broadcast_in_dim3A_78 : vector<128x1xi32> to vector<128x4096xi32>
    %gt3A_84 = arith.cmpi sgt, %select_n3A, %gt3A_83 : vector<128x4096xi32>
    %jit3A_85 = arith.constant 4096 : i32
    %broadcast_in_dim3A_86 = vector.broadcast %jit3A_85 : i32 to vector<128x4096xi32>
    %select_n3A_87 = arith.select %gt3A_84, %select_n3A, %broadcast_in_dim3A_86 : vector<128x4096xi1>, vector<128x4096xi32>
    %reduce_min3A_88 = arith.constant dense<2147483647> : vector<128xi32>
    %reduce_min3A_89 = vector.multi_reduction <minsi>, %select_n3A_87, %reduce_min3A_88 [1] : vector<128x4096xi32> to vector<128xi32>
    %broadcast_in_dim3A_90 = vector.shape_cast %reduce_min3A_89 : vector<128xi32> to vector<128x1xi32>
    %eq3A_91 = arith.constant 4096 : i32
    %eq3A_92 = vector.broadcast %eq3A_91 : i32 to vector<128x1xi32>
    %eq3A_93 = arith.cmpi eq, %broadcast_in_dim3A_90, %eq3A_92 : vector<128x1xi32>
    %select_n3A_94 = arith.select %eq3A_93, %broadcast_in_dim3A_48, %broadcast_in_dim3A_90 : vector<128x1xi1>, vector<128x1xi32>
    %gt3A_95 = vector.broadcast %broadcast_in_dim3A_90 : vector<128x1xi32> to vector<128x4096xi32>
    %gt3A_96 = arith.cmpi sgt, %select_n3A, %gt3A_95 : vector<128x4096xi32>
    %jit3A_97 = arith.constant 4096 : i32
    %broadcast_in_dim3A_98 = vector.broadcast %jit3A_97 : i32 to vector<128x4096xi32>
    %select_n3A_99 = arith.select %gt3A_96, %select_n3A, %broadcast_in_dim3A_98 : vector<128x4096xi1>, vector<128x4096xi32>
    %reduce_min3A_100 = arith.constant dense<2147483647> : vector<128xi32>
    %reduce_min3A_101 = vector.multi_reduction <minsi>, %select_n3A_99, %reduce_min3A_100 [1] : vector<128x4096xi32> to vector<128xi32>
    %broadcast_in_dim3A_102 = vector.shape_cast %reduce_min3A_101 : vector<128xi32> to vector<128x1xi32>
    %eq3A_103 = arith.constant 4096 : i32
    %eq3A_104 = vector.broadcast %eq3A_103 : i32 to vector<128x1xi32>
    %eq3A_105 = arith.cmpi eq, %broadcast_in_dim3A_102, %eq3A_104 : vector<128x1xi32>
    %select_n3A_106 = arith.select %eq3A_105, %broadcast_in_dim3A_48, %broadcast_in_dim3A_102 : vector<128x1xi1>, vector<128x1xi32>
    %gt3A_107 = vector.broadcast %broadcast_in_dim3A_102 : vector<128x1xi32> to vector<128x4096xi32>
    %gt3A_108 = arith.cmpi sgt, %select_n3A, %gt3A_107 : vector<128x4096xi32>
    %jit3A_109 = arith.constant 4096 : i32
    %broadcast_in_dim3A_110 = vector.broadcast %jit3A_109 : i32 to vector<128x4096xi32>
    %select_n3A_111 = arith.select %gt3A_108, %select_n3A, %broadcast_in_dim3A_110 : vector<128x4096xi1>, vector<128x4096xi32>
    %reduce_min3A_112 = arith.constant dense<2147483647> : vector<128xi32>
    %reduce_min3A_113 = vector.multi_reduction <minsi>, %select_n3A_111, %reduce_min3A_112 [1] : vector<128x4096xi32> to vector<128xi32>
    %broadcast_in_dim3A_114 = vector.shape_cast %reduce_min3A_113 : vector<128xi32> to vector<128x1xi32>
    %eq3A_115 = arith.constant 4096 : i32
    %eq3A_116 = vector.broadcast %eq3A_115 : i32 to vector<128x1xi32>
    %eq3A_117 = arith.cmpi eq, %broadcast_in_dim3A_114, %eq3A_116 : vector<128x1xi32>
    %select_n3A_118 = arith.select %eq3A_117, %broadcast_in_dim3A_48, %broadcast_in_dim3A_114 : vector<128x1xi1>, vector<128x1xi32>
    %gt3A_119 = vector.broadcast %broadcast_in_dim3A_114 : vector<128x1xi32> to vector<128x4096xi32>
    %gt3A_120 = arith.cmpi sgt, %select_n3A, %gt3A_119 : vector<128x4096xi32>
    %jit3A_121 = arith.constant 4096 : i32
    %broadcast_in_dim3A_122 = vector.broadcast %jit3A_121 : i32 to vector<128x4096xi32>
    %select_n3A_123 = arith.select %gt3A_120, %select_n3A, %broadcast_in_dim3A_122 : vector<128x4096xi1>, vector<128x4096xi32>
    %reduce_min3A_124 = arith.constant dense<2147483647> : vector<128xi32>
    %reduce_min3A_125 = vector.multi_reduction <minsi>, %select_n3A_123, %reduce_min3A_124 [1] : vector<128x4096xi32> to vector<128xi32>
    %broadcast_in_dim3A_126 = vector.shape_cast %reduce_min3A_125 : vector<128xi32> to vector<128x1xi32>
    %eq3A_127 = arith.constant 4096 : i32
    %eq3A_128 = vector.broadcast %eq3A_127 : i32 to vector<128x1xi32>
    %eq3A_129 = arith.cmpi eq, %broadcast_in_dim3A_126, %eq3A_128 : vector<128x1xi32>
    %select_n3A_130 = arith.select %eq3A_129, %broadcast_in_dim3A_48, %broadcast_in_dim3A_126 : vector<128x1xi1>, vector<128x1xi32>
    %gt3A_131 = vector.broadcast %broadcast_in_dim3A_126 : vector<128x1xi32> to vector<128x4096xi32>
    %gt3A_132 = arith.cmpi sgt, %select_n3A, %gt3A_131 : vector<128x4096xi32>
    %jit3A_133 = arith.constant 4096 : i32
    %broadcast_in_dim3A_134 = vector.broadcast %jit3A_133 : i32 to vector<128x4096xi32>
    %select_n3A_135 = arith.select %gt3A_132, %select_n3A, %broadcast_in_dim3A_134 : vector<128x4096xi1>, vector<128x4096xi32>
    %reduce_min3A_136 = arith.constant dense<2147483647> : vector<128xi32>
    %reduce_min3A_137 = vector.multi_reduction <minsi>, %select_n3A_135, %reduce_min3A_136 [1] : vector<128x4096xi32> to vector<128xi32>
    %broadcast_in_dim3A_138 = vector.shape_cast %reduce_min3A_137 : vector<128xi32> to vector<128x1xi32>
    %eq3A_139 = arith.constant 4096 : i32
    %eq3A_140 = vector.broadcast %eq3A_139 : i32 to vector<128x1xi32>
    %eq3A_141 = arith.cmpi eq, %broadcast_in_dim3A_138, %eq3A_140 : vector<128x1xi32>
    %select_n3A_142 = arith.select %eq3A_141, %broadcast_in_dim3A_48, %broadcast_in_dim3A_138 : vector<128x1xi1>, vector<128x1xi32>
    %gt3A_143 = vector.broadcast %broadcast_in_dim3A_138 : vector<128x1xi32> to vector<128x4096xi32>
    %gt3A_144 = arith.cmpi sgt, %select_n3A, %gt3A_143 : vector<128x4096xi32>
    %jit3A_145 = arith.constant 4096 : i32
    %broadcast_in_dim3A_146 = vector.broadcast %jit3A_145 : i32 to vector<128x4096xi32>
    %select_n3A_147 = arith.select %gt3A_144, %select_n3A, %broadcast_in_dim3A_146 : vector<128x4096xi1>, vector<128x4096xi32>
    %reduce_min3A_148 = arith.constant dense<2147483647> : vector<128xi32>
    %reduce_min3A_149 = vector.multi_reduction <minsi>, %select_n3A_147, %reduce_min3A_148 [1] : vector<128x4096xi32> to vector<128xi32>
    %broadcast_in_dim3A_150 = vector.shape_cast %reduce_min3A_149 : vector<128xi32> to vector<128x1xi32>
    %eq3A_151 = arith.constant 4096 : i32
    %eq3A_152 = vector.broadcast %eq3A_151 : i32 to vector<128x1xi32>
    %eq3A_153 = arith.cmpi eq, %broadcast_in_dim3A_150, %eq3A_152 : vector<128x1xi32>
    %select_n3A_154 = arith.select %eq3A_153, %broadcast_in_dim3A_48, %broadcast_in_dim3A_150 : vector<128x1xi1>, vector<128x1xi32>
    %gt3A_155 = vector.broadcast %broadcast_in_dim3A_150 : vector<128x1xi32> to vector<128x4096xi32>
    %gt3A_156 = arith.cmpi sgt, %select_n3A, %gt3A_155 : vector<128x4096xi32>
    %jit3A_157 = arith.constant 4096 : i32
    %broadcast_in_dim3A_158 = vector.broadcast %jit3A_157 : i32 to vector<128x4096xi32>
    %select_n3A_159 = arith.select %gt3A_156, %select_n3A, %broadcast_in_dim3A_158 : vector<128x4096xi1>, vector<128x4096xi32>
    %reduce_min3A_160 = arith.constant dense<2147483647> : vector<128xi32>
    %reduce_min3A_161 = vector.multi_reduction <minsi>, %select_n3A_159, %reduce_min3A_160 [1] : vector<128x4096xi32> to vector<128xi32>
    %broadcast_in_dim3A_162 = vector.shape_cast %reduce_min3A_161 : vector<128xi32> to vector<128x1xi32>
    %eq3A_163 = arith.constant 4096 : i32
    %eq3A_164 = vector.broadcast %eq3A_163 : i32 to vector<128x1xi32>
    %eq3A_165 = arith.cmpi eq, %broadcast_in_dim3A_162, %eq3A_164 : vector<128x1xi32>
    %select_n3A_166 = arith.select %eq3A_165, %broadcast_in_dim3A_48, %broadcast_in_dim3A_162 : vector<128x1xi1>, vector<128x1xi32>
    %gt3A_167 = vector.broadcast %broadcast_in_dim3A_162 : vector<128x1xi32> to vector<128x4096xi32>
    %gt3A_168 = arith.cmpi sgt, %select_n3A, %gt3A_167 : vector<128x4096xi32>
    %jit3A_169 = arith.constant 4096 : i32
    %broadcast_in_dim3A_170 = vector.broadcast %jit3A_169 : i32 to vector<128x4096xi32>
    %select_n3A_171 = arith.select %gt3A_168, %select_n3A, %broadcast_in_dim3A_170 : vector<128x4096xi1>, vector<128x4096xi32>
    %reduce_min3A_172 = arith.constant dense<2147483647> : vector<128xi32>
    %reduce_min3A_173 = vector.multi_reduction <minsi>, %select_n3A_171, %reduce_min3A_172 [1] : vector<128x4096xi32> to vector<128xi32>
    %broadcast_in_dim3A_174 = vector.shape_cast %reduce_min3A_173 : vector<128xi32> to vector<128x1xi32>
    %eq3A_175 = arith.constant 4096 : i32
    %eq3A_176 = vector.broadcast %eq3A_175 : i32 to vector<128x1xi32>
    %eq3A_177 = arith.cmpi eq, %broadcast_in_dim3A_174, %eq3A_176 : vector<128x1xi32>
    %select_n3A_178 = arith.select %eq3A_177, %broadcast_in_dim3A_48, %broadcast_in_dim3A_174 : vector<128x1xi1>, vector<128x1xi32>
    %gt3A_179 = vector.broadcast %broadcast_in_dim3A_174 : vector<128x1xi32> to vector<128x4096xi32>
    %gt3A_180 = arith.cmpi sgt, %select_n3A, %gt3A_179 : vector<128x4096xi32>
    %jit3A_181 = arith.constant 4096 : i32
    %broadcast_in_dim3A_182 = vector.broadcast %jit3A_181 : i32 to vector<128x4096xi32>
    %select_n3A_183 = arith.select %gt3A_180, %select_n3A, %broadcast_in_dim3A_182 : vector<128x4096xi1>, vector<128x4096xi32>
    %reduce_min3A_184 = arith.constant dense<2147483647> : vector<128xi32>
    %reduce_min3A_185 = vector.multi_reduction <minsi>, %select_n3A_183, %reduce_min3A_184 [1] : vector<128x4096xi32> to vector<128xi32>
    %broadcast_in_dim3A_186 = vector.shape_cast %reduce_min3A_185 : vector<128xi32> to vector<128x1xi32>
    %eq3A_187 = arith.constant 4096 : i32
    %eq3A_188 = vector.broadcast %eq3A_187 : i32 to vector<128x1xi32>
    %eq3A_189 = arith.cmpi eq, %broadcast_in_dim3A_186, %eq3A_188 : vector<128x1xi32>
    %select_n3A_190 = arith.select %eq3A_189, %broadcast_in_dim3A_48, %broadcast_in_dim3A_186 : vector<128x1xi1>, vector<128x1xi32>
    %gt3A_191 = vector.broadcast %broadcast_in_dim3A_186 : vector<128x1xi32> to vector<128x4096xi32>
    %gt3A_192 = arith.cmpi sgt, %select_n3A, %gt3A_191 : vector<128x4096xi32>
    %jit3A_193 = arith.constant 4096 : i32
    %broadcast_in_dim3A_194 = vector.broadcast %jit3A_193 : i32 to vector<128x4096xi32>
    %select_n3A_195 = arith.select %gt3A_192, %select_n3A, %broadcast_in_dim3A_194 : vector<128x4096xi1>, vector<128x4096xi32>
    %reduce_min3A_196 = arith.constant dense<2147483647> : vector<128xi32>
    %reduce_min3A_197 = vector.multi_reduction <minsi>, %select_n3A_195, %reduce_min3A_196 [1] : vector<128x4096xi32> to vector<128xi32>
    %broadcast_in_dim3A_198 = vector.shape_cast %reduce_min3A_197 : vector<128xi32> to vector<128x1xi32>
    %eq3A_199 = arith.constant 4096 : i32
    %eq3A_200 = vector.broadcast %eq3A_199 : i32 to vector<128x1xi32>
    %eq3A_201 = arith.cmpi eq, %broadcast_in_dim3A_198, %eq3A_200 : vector<128x1xi32>
    %select_n3A_202 = arith.select %eq3A_201, %broadcast_in_dim3A_48, %broadcast_in_dim3A_198 : vector<128x1xi1>, vector<128x1xi32>
    %gt3A_203 = vector.broadcast %broadcast_in_dim3A_198 : vector<128x1xi32> to vector<128x4096xi32>
    %gt3A_204 = arith.cmpi sgt, %select_n3A, %gt3A_203 : vector<128x4096xi32>
    %jit3A_205 = arith.constant 4096 : i32
    %broadcast_in_dim3A_206 = vector.broadcast %jit3A_205 : i32 to vector<128x4096xi32>
    %select_n3A_207 = arith.select %gt3A_204, %select_n3A, %broadcast_in_dim3A_206 : vector<128x4096xi1>, vector<128x4096xi32>
    %reduce_min3A_208 = arith.constant dense<2147483647> : vector<128xi32>
    %reduce_min3A_209 = vector.multi_reduction <minsi>, %select_n3A_207, %reduce_min3A_208 [1] : vector<128x4096xi32> to vector<128xi32>
    %broadcast_in_dim3A_210 = vector.shape_cast %reduce_min3A_209 : vector<128xi32> to vector<128x1xi32>
    %eq3A_211 = arith.constant 4096 : i32
    %eq3A_212 = vector.broadcast %eq3A_211 : i32 to vector<128x1xi32>
    %eq3A_213 = arith.cmpi eq, %broadcast_in_dim3A_210, %eq3A_212 : vector<128x1xi32>
    %select_n3A_214 = arith.select %eq3A_213, %broadcast_in_dim3A_48, %broadcast_in_dim3A_210 : vector<128x1xi1>, vector<128x1xi32>
    %gt3A_215 = vector.broadcast %broadcast_in_dim3A_210 : vector<128x1xi32> to vector<128x4096xi32>
    %gt3A_216 = arith.cmpi sgt, %select_n3A, %gt3A_215 : vector<128x4096xi32>
    %jit3A_217 = arith.constant 4096 : i32
    %broadcast_in_dim3A_218 = vector.broadcast %jit3A_217 : i32 to vector<128x4096xi32>
    %select_n3A_219 = arith.select %gt3A_216, %select_n3A, %broadcast_in_dim3A_218 : vector<128x4096xi1>, vector<128x4096xi32>
    %reduce_min3A_220 = arith.constant dense<2147483647> : vector<128xi32>
    %reduce_min3A_221 = vector.multi_reduction <minsi>, %select_n3A_219, %reduce_min3A_220 [1] : vector<128x4096xi32> to vector<128xi32>
    %broadcast_in_dim3A_222 = vector.shape_cast %reduce_min3A_221 : vector<128xi32> to vector<128x1xi32>
    %eq3A_223 = arith.constant 4096 : i32
    %eq3A_224 = vector.broadcast %eq3A_223 : i32 to vector<128x1xi32>
    %eq3A_225 = arith.cmpi eq, %broadcast_in_dim3A_222, %eq3A_224 : vector<128x1xi32>
    %select_n3A_226 = arith.select %eq3A_225, %broadcast_in_dim3A_48, %broadcast_in_dim3A_222 : vector<128x1xi1>, vector<128x1xi32>
    %gt3A_227 = vector.broadcast %broadcast_in_dim3A_222 : vector<128x1xi32> to vector<128x4096xi32>
    %gt3A_228 = arith.cmpi sgt, %select_n3A, %gt3A_227 : vector<128x4096xi32>
    %jit3A_229 = arith.constant 4096 : i32
    %broadcast_in_dim3A_230 = vector.broadcast %jit3A_229 : i32 to vector<128x4096xi32>
    %select_n3A_231 = arith.select %gt3A_228, %select_n3A, %broadcast_in_dim3A_230 : vector<128x4096xi1>, vector<128x4096xi32>
    %reduce_min3A_232 = arith.constant dense<2147483647> : vector<128xi32>
    %reduce_min3A_233 = vector.multi_reduction <minsi>, %select_n3A_231, %reduce_min3A_232 [1] : vector<128x4096xi32> to vector<128xi32>
    %broadcast_in_dim3A_234 = vector.shape_cast %reduce_min3A_233 : vector<128xi32> to vector<128x1xi32>
    %eq3A_235 = arith.constant 4096 : i32
    %eq3A_236 = vector.broadcast %eq3A_235 : i32 to vector<128x1xi32>
    %eq3A_237 = arith.cmpi eq, %broadcast_in_dim3A_234, %eq3A_236 : vector<128x1xi32>
    %select_n3A_238 = arith.select %eq3A_237, %broadcast_in_dim3A_48, %broadcast_in_dim3A_234 : vector<128x1xi1>, vector<128x1xi32>
    %gt3A_239 = vector.broadcast %broadcast_in_dim3A_234 : vector<128x1xi32> to vector<128x4096xi32>
    %gt3A_240 = arith.cmpi sgt, %select_n3A, %gt3A_239 : vector<128x4096xi32>
    %jit3A_241 = arith.constant 4096 : i32
    %broadcast_in_dim3A_242 = vector.broadcast %jit3A_241 : i32 to vector<128x4096xi32>
    %select_n3A_243 = arith.select %gt3A_240, %select_n3A, %broadcast_in_dim3A_242 : vector<128x4096xi1>, vector<128x4096xi32>
    %reduce_min3A_244 = arith.constant dense<2147483647> : vector<128xi32>
    %reduce_min3A_245 = vector.multi_reduction <minsi>, %select_n3A_243, %reduce_min3A_244 [1] : vector<128x4096xi32> to vector<128xi32>
    %broadcast_in_dim3A_246 = vector.shape_cast %reduce_min3A_245 : vector<128xi32> to vector<128x1xi32>
    %eq3A_247 = arith.constant 4096 : i32
    %eq3A_248 = vector.broadcast %eq3A_247 : i32 to vector<128x1xi32>
    %eq3A_249 = arith.cmpi eq, %broadcast_in_dim3A_246, %eq3A_248 : vector<128x1xi32>
    %select_n3A_250 = arith.select %eq3A_249, %broadcast_in_dim3A_48, %broadcast_in_dim3A_246 : vector<128x1xi1>, vector<128x1xi32>
    %gt3A_251 = vector.broadcast %broadcast_in_dim3A_246 : vector<128x1xi32> to vector<128x4096xi32>
    %gt3A_252 = arith.cmpi sgt, %select_n3A, %gt3A_251 : vector<128x4096xi32>
    %jit3A_253 = arith.constant 4096 : i32
    %broadcast_in_dim3A_254 = vector.broadcast %jit3A_253 : i32 to vector<128x4096xi32>
    %select_n3A_255 = arith.select %gt3A_252, %select_n3A, %broadcast_in_dim3A_254 : vector<128x4096xi1>, vector<128x4096xi32>
    %reduce_min3A_256 = arith.constant dense<2147483647> : vector<128xi32>
    %reduce_min3A_257 = vector.multi_reduction <minsi>, %select_n3A_255, %reduce_min3A_256 [1] : vector<128x4096xi32> to vector<128xi32>
    %broadcast_in_dim3A_258 = vector.shape_cast %reduce_min3A_257 : vector<128xi32> to vector<128x1xi32>
    %eq3A_259 = arith.constant 4096 : i32
    %eq3A_260 = vector.broadcast %eq3A_259 : i32 to vector<128x1xi32>
    %eq3A_261 = arith.cmpi eq, %broadcast_in_dim3A_258, %eq3A_260 : vector<128x1xi32>
    %select_n3A_262 = arith.select %eq3A_261, %broadcast_in_dim3A_48, %broadcast_in_dim3A_258 : vector<128x1xi1>, vector<128x1xi32>
    %gt3A_263 = vector.broadcast %broadcast_in_dim3A_258 : vector<128x1xi32> to vector<128x4096xi32>
    %gt3A_264 = arith.cmpi sgt, %select_n3A, %gt3A_263 : vector<128x4096xi32>
    %jit3A_265 = arith.constant 4096 : i32
    %broadcast_in_dim3A_266 = vector.broadcast %jit3A_265 : i32 to vector<128x4096xi32>
    %select_n3A_267 = arith.select %gt3A_264, %select_n3A, %broadcast_in_dim3A_266 : vector<128x4096xi1>, vector<128x4096xi32>
    %reduce_min3A_268 = arith.constant dense<2147483647> : vector<128xi32>
    %reduce_min3A_269 = vector.multi_reduction <minsi>, %select_n3A_267, %reduce_min3A_268 [1] : vector<128x4096xi32> to vector<128xi32>
    %broadcast_in_dim3A_270 = vector.shape_cast %reduce_min3A_269 : vector<128xi32> to vector<128x1xi32>
    %eq3A_271 = arith.constant 4096 : i32
    %eq3A_272 = vector.broadcast %eq3A_271 : i32 to vector<128x1xi32>
    %eq3A_273 = arith.cmpi eq, %broadcast_in_dim3A_270, %eq3A_272 : vector<128x1xi32>
    %select_n3A_274 = arith.select %eq3A_273, %broadcast_in_dim3A_48, %broadcast_in_dim3A_270 : vector<128x1xi1>, vector<128x1xi32>
    %gt3A_275 = vector.broadcast %broadcast_in_dim3A_270 : vector<128x1xi32> to vector<128x4096xi32>
    %gt3A_276 = arith.cmpi sgt, %select_n3A, %gt3A_275 : vector<128x4096xi32>
    %jit3A_277 = arith.constant 4096 : i32
    %broadcast_in_dim3A_278 = vector.broadcast %jit3A_277 : i32 to vector<128x4096xi32>
    %select_n3A_279 = arith.select %gt3A_276, %select_n3A, %broadcast_in_dim3A_278 : vector<128x4096xi1>, vector<128x4096xi32>
    %reduce_min3A_280 = arith.constant dense<2147483647> : vector<128xi32>
    %reduce_min3A_281 = vector.multi_reduction <minsi>, %select_n3A_279, %reduce_min3A_280 [1] : vector<128x4096xi32> to vector<128xi32>
    %broadcast_in_dim3A_282 = vector.shape_cast %reduce_min3A_281 : vector<128xi32> to vector<128x1xi32>
    %eq3A_283 = arith.constant 4096 : i32
    %eq3A_284 = vector.broadcast %eq3A_283 : i32 to vector<128x1xi32>
    %eq3A_285 = arith.cmpi eq, %broadcast_in_dim3A_282, %eq3A_284 : vector<128x1xi32>
    %select_n3A_286 = arith.select %eq3A_285, %broadcast_in_dim3A_48, %broadcast_in_dim3A_282 : vector<128x1xi1>, vector<128x1xi32>
    %gt3A_287 = vector.broadcast %broadcast_in_dim3A_282 : vector<128x1xi32> to vector<128x4096xi32>
    %gt3A_288 = arith.cmpi sgt, %select_n3A, %gt3A_287 : vector<128x4096xi32>
    %jit3A_289 = arith.constant 4096 : i32
    %broadcast_in_dim3A_290 = vector.broadcast %jit3A_289 : i32 to vector<128x4096xi32>
    %select_n3A_291 = arith.select %gt3A_288, %select_n3A, %broadcast_in_dim3A_290 : vector<128x4096xi1>, vector<128x4096xi32>
    %reduce_min3A_292 = arith.constant dense<2147483647> : vector<128xi32>
    %reduce_min3A_293 = vector.multi_reduction <minsi>, %select_n3A_291, %reduce_min3A_292 [1] : vector<128x4096xi32> to vector<128xi32>
    %broadcast_in_dim3A_294 = vector.shape_cast %reduce_min3A_293 : vector<128xi32> to vector<128x1xi32>
    %eq3A_295 = arith.constant 4096 : i32
    %eq3A_296 = vector.broadcast %eq3A_295 : i32 to vector<128x1xi32>
    %eq3A_297 = arith.cmpi eq, %broadcast_in_dim3A_294, %eq3A_296 : vector<128x1xi32>
    %select_n3A_298 = arith.select %eq3A_297, %broadcast_in_dim3A_48, %broadcast_in_dim3A_294 : vector<128x1xi1>, vector<128x1xi32>
    %gt3A_299 = vector.broadcast %broadcast_in_dim3A_294 : vector<128x1xi32> to vector<128x4096xi32>
    %gt3A_300 = arith.cmpi sgt, %select_n3A, %gt3A_299 : vector<128x4096xi32>
    %jit3A_301 = arith.constant 4096 : i32
    %broadcast_in_dim3A_302 = vector.broadcast %jit3A_301 : i32 to vector<128x4096xi32>
    %select_n3A_303 = arith.select %gt3A_300, %select_n3A, %broadcast_in_dim3A_302 : vector<128x4096xi1>, vector<128x4096xi32>
    %reduce_min3A_304 = arith.constant dense<2147483647> : vector<128xi32>
    %reduce_min3A_305 = vector.multi_reduction <minsi>, %select_n3A_303, %reduce_min3A_304 [1] : vector<128x4096xi32> to vector<128xi32>
    %broadcast_in_dim3A_306 = vector.shape_cast %reduce_min3A_305 : vector<128xi32> to vector<128x1xi32>
    %eq3A_307 = arith.constant 4096 : i32
    %eq3A_308 = vector.broadcast %eq3A_307 : i32 to vector<128x1xi32>
    %eq3A_309 = arith.cmpi eq, %broadcast_in_dim3A_306, %eq3A_308 : vector<128x1xi32>
    %select_n3A_310 = arith.select %eq3A_309, %broadcast_in_dim3A_48, %broadcast_in_dim3A_306 : vector<128x1xi1>, vector<128x1xi32>
    %gt3A_311 = vector.broadcast %broadcast_in_dim3A_306 : vector<128x1xi32> to vector<128x4096xi32>
    %gt3A_312 = arith.cmpi sgt, %select_n3A, %gt3A_311 : vector<128x4096xi32>
    %jit3A_313 = arith.constant 4096 : i32
    %broadcast_in_dim3A_314 = vector.broadcast %jit3A_313 : i32 to vector<128x4096xi32>
    %select_n3A_315 = arith.select %gt3A_312, %select_n3A, %broadcast_in_dim3A_314 : vector<128x4096xi1>, vector<128x4096xi32>
    %reduce_min3A_316 = arith.constant dense<2147483647> : vector<128xi32>
    %reduce_min3A_317 = vector.multi_reduction <minsi>, %select_n3A_315, %reduce_min3A_316 [1] : vector<128x4096xi32> to vector<128xi32>
    %broadcast_in_dim3A_318 = vector.shape_cast %reduce_min3A_317 : vector<128xi32> to vector<128x1xi32>
    %eq3A_319 = arith.constant 4096 : i32
    %eq3A_320 = vector.broadcast %eq3A_319 : i32 to vector<128x1xi32>
    %eq3A_321 = arith.cmpi eq, %broadcast_in_dim3A_318, %eq3A_320 : vector<128x1xi32>
    %select_n3A_322 = arith.select %eq3A_321, %broadcast_in_dim3A_48, %broadcast_in_dim3A_318 : vector<128x1xi1>, vector<128x1xi32>
    %gt3A_323 = vector.broadcast %broadcast_in_dim3A_318 : vector<128x1xi32> to vector<128x4096xi32>
    %gt3A_324 = arith.cmpi sgt, %select_n3A, %gt3A_323 : vector<128x4096xi32>
    %jit3A_325 = arith.constant 4096 : i32
    %broadcast_in_dim3A_326 = vector.broadcast %jit3A_325 : i32 to vector<128x4096xi32>
    %select_n3A_327 = arith.select %gt3A_324, %select_n3A, %broadcast_in_dim3A_326 : vector<128x4096xi1>, vector<128x4096xi32>
    %reduce_min3A_328 = arith.constant dense<2147483647> : vector<128xi32>
    %reduce_min3A_329 = vector.multi_reduction <minsi>, %select_n3A_327, %reduce_min3A_328 [1] : vector<128x4096xi32> to vector<128xi32>
    %broadcast_in_dim3A_330 = vector.shape_cast %reduce_min3A_329 : vector<128xi32> to vector<128x1xi32>
    %eq3A_331 = arith.constant 4096 : i32
    %eq3A_332 = vector.broadcast %eq3A_331 : i32 to vector<128x1xi32>
    %eq3A_333 = arith.cmpi eq, %broadcast_in_dim3A_330, %eq3A_332 : vector<128x1xi32>
    %select_n3A_334 = arith.select %eq3A_333, %broadcast_in_dim3A_48, %broadcast_in_dim3A_330 : vector<128x1xi1>, vector<128x1xi32>
    %gt3A_335 = vector.broadcast %broadcast_in_dim3A_330 : vector<128x1xi32> to vector<128x4096xi32>
    %gt3A_336 = arith.cmpi sgt, %select_n3A, %gt3A_335 : vector<128x4096xi32>
    %jit3A_337 = arith.constant 4096 : i32
    %broadcast_in_dim3A_338 = vector.broadcast %jit3A_337 : i32 to vector<128x4096xi32>
    %select_n3A_339 = arith.select %gt3A_336, %select_n3A, %broadcast_in_dim3A_338 : vector<128x4096xi1>, vector<128x4096xi32>
    %reduce_min3A_340 = arith.constant dense<2147483647> : vector<128xi32>
    %reduce_min3A_341 = vector.multi_reduction <minsi>, %select_n3A_339, %reduce_min3A_340 [1] : vector<128x4096xi32> to vector<128xi32>
    %broadcast_in_dim3A_342 = vector.shape_cast %reduce_min3A_341 : vector<128xi32> to vector<128x1xi32>
    %eq3A_343 = arith.constant 4096 : i32
    %eq3A_344 = vector.broadcast %eq3A_343 : i32 to vector<128x1xi32>
    %eq3A_345 = arith.cmpi eq, %broadcast_in_dim3A_342, %eq3A_344 : vector<128x1xi32>
    %select_n3A_346 = arith.select %eq3A_345, %broadcast_in_dim3A_48, %broadcast_in_dim3A_342 : vector<128x1xi1>, vector<128x1xi32>
    %gt3A_347 = vector.broadcast %broadcast_in_dim3A_342 : vector<128x1xi32> to vector<128x4096xi32>
    %gt3A_348 = arith.cmpi sgt, %select_n3A, %gt3A_347 : vector<128x4096xi32>
    %jit3A_349 = arith.constant 4096 : i32
    %broadcast_in_dim3A_350 = vector.broadcast %jit3A_349 : i32 to vector<128x4096xi32>
    %select_n3A_351 = arith.select %gt3A_348, %select_n3A, %broadcast_in_dim3A_350 : vector<128x4096xi1>, vector<128x4096xi32>
    %reduce_min3A_352 = arith.constant dense<2147483647> : vector<128xi32>
    %reduce_min3A_353 = vector.multi_reduction <minsi>, %select_n3A_351, %reduce_min3A_352 [1] : vector<128x4096xi32> to vector<128xi32>
    %broadcast_in_dim3A_354 = vector.shape_cast %reduce_min3A_353 : vector<128xi32> to vector<128x1xi32>
    %eq3A_355 = arith.constant 4096 : i32
    %eq3A_356 = vector.broadcast %eq3A_355 : i32 to vector<128x1xi32>
    %eq3A_357 = arith.cmpi eq, %broadcast_in_dim3A_354, %eq3A_356 : vector<128x1xi32>
    %select_n3A_358 = arith.select %eq3A_357, %broadcast_in_dim3A_48, %broadcast_in_dim3A_354 : vector<128x1xi1>, vector<128x1xi32>
    %gt3A_359 = vector.broadcast %broadcast_in_dim3A_354 : vector<128x1xi32> to vector<128x4096xi32>
    %gt3A_360 = arith.cmpi sgt, %select_n3A, %gt3A_359 : vector<128x4096xi32>
    %jit3A_361 = arith.constant 4096 : i32
    %broadcast_in_dim3A_362 = vector.broadcast %jit3A_361 : i32 to vector<128x4096xi32>
    %select_n3A_363 = arith.select %gt3A_360, %select_n3A, %broadcast_in_dim3A_362 : vector<128x4096xi1>, vector<128x4096xi32>
    %reduce_min3A_364 = arith.constant dense<2147483647> : vector<128xi32>
    %reduce_min3A_365 = vector.multi_reduction <minsi>, %select_n3A_363, %reduce_min3A_364 [1] : vector<128x4096xi32> to vector<128xi32>
    %broadcast_in_dim3A_366 = vector.shape_cast %reduce_min3A_365 : vector<128xi32> to vector<128x1xi32>
    %eq3A_367 = arith.constant 4096 : i32
    %eq3A_368 = vector.broadcast %eq3A_367 : i32 to vector<128x1xi32>
    %eq3A_369 = arith.cmpi eq, %broadcast_in_dim3A_366, %eq3A_368 : vector<128x1xi32>
    %select_n3A_370 = arith.select %eq3A_369, %broadcast_in_dim3A_48, %broadcast_in_dim3A_366 : vector<128x1xi1>, vector<128x1xi32>
    %gt3A_371 = vector.broadcast %broadcast_in_dim3A_366 : vector<128x1xi32> to vector<128x4096xi32>
    %gt3A_372 = arith.cmpi sgt, %select_n3A, %gt3A_371 : vector<128x4096xi32>
    %jit3A_373 = arith.constant 4096 : i32
    %broadcast_in_dim3A_374 = vector.broadcast %jit3A_373 : i32 to vector<128x4096xi32>
    %select_n3A_375 = arith.select %gt3A_372, %select_n3A, %broadcast_in_dim3A_374 : vector<128x4096xi1>, vector<128x4096xi32>
    %reduce_min3A_376 = arith.constant dense<2147483647> : vector<128xi32>
    %reduce_min3A_377 = vector.multi_reduction <minsi>, %select_n3A_375, %reduce_min3A_376 [1] : vector<128x4096xi32> to vector<128xi32>
    %broadcast_in_dim3A_378 = vector.shape_cast %reduce_min3A_377 : vector<128xi32> to vector<128x1xi32>
    %eq3A_379 = arith.constant 4096 : i32
    %eq3A_380 = vector.broadcast %eq3A_379 : i32 to vector<128x1xi32>
    %eq3A_381 = arith.cmpi eq, %broadcast_in_dim3A_378, %eq3A_380 : vector<128x1xi32>
    %select_n3A_382 = arith.select %eq3A_381, %broadcast_in_dim3A_48, %broadcast_in_dim3A_378 : vector<128x1xi1>, vector<128x1xi32>
    %gt3A_383 = vector.broadcast %broadcast_in_dim3A_378 : vector<128x1xi32> to vector<128x4096xi32>
    %gt3A_384 = arith.cmpi sgt, %select_n3A, %gt3A_383 : vector<128x4096xi32>
    %jit3A_385 = arith.constant 4096 : i32
    %broadcast_in_dim3A_386 = vector.broadcast %jit3A_385 : i32 to vector<128x4096xi32>
    %select_n3A_387 = arith.select %gt3A_384, %select_n3A, %broadcast_in_dim3A_386 : vector<128x4096xi1>, vector<128x4096xi32>
    %reduce_min3A_388 = arith.constant dense<2147483647> : vector<128xi32>
    %reduce_min3A_389 = vector.multi_reduction <minsi>, %select_n3A_387, %reduce_min3A_388 [1] : vector<128x4096xi32> to vector<128xi32>
    %broadcast_in_dim3A_390 = vector.shape_cast %reduce_min3A_389 : vector<128xi32> to vector<128x1xi32>
    %eq3A_391 = arith.constant 4096 : i32
    %eq3A_392 = vector.broadcast %eq3A_391 : i32 to vector<128x1xi32>
    %eq3A_393 = arith.cmpi eq, %broadcast_in_dim3A_390, %eq3A_392 : vector<128x1xi32>
    %select_n3A_394 = arith.select %eq3A_393, %broadcast_in_dim3A_48, %broadcast_in_dim3A_390 : vector<128x1xi1>, vector<128x1xi32>
    %gt3A_395 = vector.broadcast %broadcast_in_dim3A_390 : vector<128x1xi32> to vector<128x4096xi32>
    %gt3A_396 = arith.cmpi sgt, %select_n3A, %gt3A_395 : vector<128x4096xi32>
    %jit3A_397 = arith.constant 4096 : i32
    %broadcast_in_dim3A_398 = vector.broadcast %jit3A_397 : i32 to vector<128x4096xi32>
    %select_n3A_399 = arith.select %gt3A_396, %select_n3A, %broadcast_in_dim3A_398 : vector<128x4096xi1>, vector<128x4096xi32>
    %reduce_min3A_400 = arith.constant dense<2147483647> : vector<128xi32>
    %reduce_min3A_401 = vector.multi_reduction <minsi>, %select_n3A_399, %reduce_min3A_400 [1] : vector<128x4096xi32> to vector<128xi32>
    %broadcast_in_dim3A_402 = vector.shape_cast %reduce_min3A_401 : vector<128xi32> to vector<128x1xi32>
    %eq3A_403 = arith.constant 4096 : i32
    %eq3A_404 = vector.broadcast %eq3A_403 : i32 to vector<128x1xi32>
    %eq3A_405 = arith.cmpi eq, %broadcast_in_dim3A_402, %eq3A_404 : vector<128x1xi32>
    %select_n3A_406 = arith.select %eq3A_405, %broadcast_in_dim3A_48, %broadcast_in_dim3A_402 : vector<128x1xi1>, vector<128x1xi32>
    %gt3A_407 = vector.broadcast %broadcast_in_dim3A_402 : vector<128x1xi32> to vector<128x4096xi32>
    %gt3A_408 = arith.cmpi sgt, %select_n3A, %gt3A_407 : vector<128x4096xi32>
    %jit3A_409 = arith.constant 4096 : i32
    %broadcast_in_dim3A_410 = vector.broadcast %jit3A_409 : i32 to vector<128x4096xi32>
    %select_n3A_411 = arith.select %gt3A_408, %select_n3A, %broadcast_in_dim3A_410 : vector<128x4096xi1>, vector<128x4096xi32>
    %reduce_min3A_412 = arith.constant dense<2147483647> : vector<128xi32>
    %reduce_min3A_413 = vector.multi_reduction <minsi>, %select_n3A_411, %reduce_min3A_412 [1] : vector<128x4096xi32> to vector<128xi32>
    %broadcast_in_dim3A_414 = vector.shape_cast %reduce_min3A_413 : vector<128xi32> to vector<128x1xi32>
    %eq3A_415 = arith.constant 4096 : i32
    %eq3A_416 = vector.broadcast %eq3A_415 : i32 to vector<128x1xi32>
    %eq3A_417 = arith.cmpi eq, %broadcast_in_dim3A_414, %eq3A_416 : vector<128x1xi32>
    %select_n3A_418 = arith.select %eq3A_417, %broadcast_in_dim3A_48, %broadcast_in_dim3A_414 : vector<128x1xi1>, vector<128x1xi32>
    %concatenate3A_419 = tpu.concatenate %broadcast_in_dim3A_48, %select_n3A_58, %select_n3A_70, %select_n3A_82, %select_n3A_94, %select_n3A_106, %select_n3A_118, %select_n3A_130, %select_n3A_142, %select_n3A_154, %select_n3A_166, %select_n3A_178, %select_n3A_190, %select_n3A_202, %select_n3A_214, %select_n3A_226, %select_n3A_238, %select_n3A_250, %select_n3A_262, %select_n3A_274, %select_n3A_286, %select_n3A_298, %select_n3A_310, %select_n3A_322, %select_n3A_334, %select_n3A_346, %select_n3A_358, %select_n3A_370, %select_n3A_382, %select_n3A_394, %select_n3A_406, %select_n3A_418 in 1 : vector<128x1xi32>, vector<128x1xi32>, vector<128x1xi32>, vector<128x1xi32>, vector<128x1xi32>, vector<128x1xi32>, vector<128x1xi32>, vector<128x1xi32>, vector<128x1xi32>, vector<128x1xi32>, vector<128x1xi32>, vector<128x1xi32>, vector<128x1xi32>, vector<128x1xi32>, vector<128x1xi32>, vector<128x1xi32>, vector<128x1xi32>, vector<128x1xi32>, vector<128x1xi32>, vector<128x1xi32>, vector<128x1xi32>, vector<128x1xi32>, vector<128x1xi32>, vector<128x1xi32>, vector<128x1xi32>, vector<128x1xi32>, vector<128x1xi32>, vector<128x1xi32>, vector<128x1xi32>, vector<128x1xi32>, vector<128x1xi32>, vector<128x1xi32> -> vector<128x32xi32>
    %mul3A_420 = arith.constant 4096 : i32
    %mul3A_421 = arith.muli %arg0, %mul3A_420 : i32
    %add3A_422 = vector.broadcast %mul3A_421 : i32 to vector<128x32xi32>
    %add3A_423 = arith.addi %concatenate3A_419, %add3A_422 : vector<128x32xi32>
    %swap3A = arith.constant 0 : index
    %swap3A_424 = arith.constant 0 : index
    %swap3A_425 = arith.constant 0 : index
    %swap3A_426 = vector.load %arg8[%swap3A, %swap3A_424, %swap3A_425] : memref<1x128x32xi32, #tpu.memory_space<vmem>>, vector<1x128x32xi32>
    %swap3A_427 = vector.shape_cast %swap3A_426 : vector<1x128x32xi32> to vector<128x32xi32>
    %swap3A_428 = vector.shape_cast %add3A_423 : vector<128x32xi32> to vector<1x128x32xi32>
    tpu.vector_store %arg8[%swap3A, %swap3A_424, %swap3A_425], %swap3A_428 {strides = array<i32>} : memref<1x128x32xi32, #tpu.memory_space<vmem>>, vector<1x128x32xi32>,
    return
  }
  func.func @transform_0(%arg0: i32, %arg1: i32) -> (i32, i32, i32) {
    %c0_i32 = arith.constant 0 : i32
    %c0_i32_0 = arith.constant 0 : i32
    %c0_i32_1 = arith.constant 0 : i32
    return %arg0, %c0_i32, %c0_i32_0 : i32, i32, i32
  }
  func.func @transform_1(%arg0: i32, %arg1: i32) -> (i32, i32, i32) {
    %c0_i32 = arith.constant 0 : i32
    %c0_i32_0 = arith.constant 0 : i32
    %c0_i32_1 = arith.constant 0 : i32
    return %arg0, %c0_i32, %c0_i32_0 : i32, i32, i32
  }
  func.func @transform_2(%arg0: i32, %arg1: i32) -> (i32, i32, i32) {
    %c0_i32 = arith.constant 0 : i32
    %c0_i32_0 = arith.constant 0 : i32
    %c0_i32_1 = arith.constant 0 : i32
    return %arg0, %c0_i32, %c0_i32_0 : i32, i32, i32
  }
  func.func @transform_3(%arg0: i32, %arg1: i32) -> (i32, i32, i32) {
    %c0_i32 = arith.constant 0 : i32
    %c0_i32_0 = arith.constant 0 : i32
    return %arg0, %arg1, %c0_i32 : i32, i32, i32
  }
  func.func @transform_4(%arg0: i32, %arg1: i32) -> (i32, i32, i32) {
    %c0_i32 = arith.constant 0 : i32
    %c0_i32_0 = arith.constant 0 : i32
    return %arg0, %arg1, %c0_i32 : i32, i32, i32
  }
  func.func @transform_5(%arg0: i32, %arg1: i32) -> (i32, i32, i32) {
    %c0_i32 = arith.constant 0 : i32
    %c0_i32_0 = arith.constant 0 : i32
    return %arg0, %arg1, %c0_i32 : i32, i32, i32
  }
  func.func @transform_6(%arg0: i32, %arg1: i32) -> (i32, i32, i32) {
    %c0_i32 = arith.constant 0 : i32
    %c0_i32_0 = arith.constant 0 : i32
    return %arg0, %arg1, %c0_i32 : i32, i32, i32
  }
}

module attributes {stable_mosaic.version = 14 : i64} {
  func.func @_fps_body(%arg0: memref<8x512xf32, #tpu.memory_space<vmem>>, %arg1: memref<8x512xf32, #tpu.memory_space<vmem>>, %arg2: memref<8x512xf32, #tpu.memory_space<vmem>>, %arg3: memref<8x128xf32, #tpu.memory_space<vmem>>, %arg4: memref<8x128xf32, #tpu.memory_space<vmem>>, %arg5: memref<8x128xf32, #tpu.memory_space<vmem>>) attributes {dimension_semantics = [], scalar_prefetch = 0 : i64, scratch_operands = 0 : i64, tpu.core_type = #tpu.core_type<tc>} {
    %get3A = arith.constant 0 : index
    %get3A_0 = arith.constant 0 : index
    %get3A_1 = vector.load %arg0[%get3A, %get3A_0] : memref<8x512xf32, #tpu.memory_space<vmem>>, vector<8x512xf32>
    %get3A_2 = arith.constant 0 : index
    %get3A_3 = arith.constant 0 : index
    %get3A_4 = vector.load %arg1[%get3A_2, %get3A_3] : memref<8x512xf32, #tpu.memory_space<vmem>>, vector<8x512xf32>
    %get3A_5 = arith.constant 0 : index
    %get3A_6 = arith.constant 0 : index
    %get3A_7 = vector.load %arg2[%get3A_5, %get3A_6] : memref<8x512xf32, #tpu.memory_space<vmem>>, vector<8x512xf32>
    %iota3A = tpu.iota {dimensions = array<i32: 1>} : vector<8x512xi32>
    %iota3A_8 = tpu.iota {dimensions = array<i32: 1>} : vector<8x128xi32>
    %broadcast_in_dim3A = arith.constant 1.000000e+10 : f32
    %broadcast_in_dim3A_9 = vector.broadcast %broadcast_in_dim3A : f32 to vector<8x512xf32>
    %broadcast_in_dim3A_10 = arith.constant 0 : i32
    %broadcast_in_dim3A_11 = vector.broadcast %broadcast_in_dim3A_10 : i32 to vector<8x1xi32>
    %broadcast_in_dim3A_12 = arith.constant 0.000000e+00 : f32
    %broadcast_in_dim3A_13 = vector.broadcast %broadcast_in_dim3A_12 : f32 to vector<8x128xf32>
    %scan3A = arith.constant 0 : i32
    %scan3A_14 = arith.constant 128 : i32
    %scan3A_15 = arith.addi %scan3A, %scan3A_14 : i32
    %scan3A_16 = arith.constant 1 : i32
    %scan3A_17:5 = scf.for %scan3A_27 = %scan3A to %scan3A_15 step %scan3A_16 iter_args(%scan3A_28 = %broadcast_in_dim3A_9, %scan3A_29 = %broadcast_in_dim3A_11, %scan3A_30 = %broadcast_in_dim3A_13, %scan3A_31 = %broadcast_in_dim3A_13, %scan3A_32 = %broadcast_in_dim3A_13) -> (vector<8x512xf32>, vector<8x1xi32>, vector<8x128xf32>, vector<8x128xf32>, vector<8x128xf32>)  : i32 {
      %eq3A = vector.broadcast %scan3A_29 : vector<8x1xi32> to vector<8x512xi32>
      %eq3A_33 = arith.cmpi eq, %iota3A, %eq3A : vector<8x512xi32>
      %jit3A = arith.constant 0.000000e+00 : f32
      %broadcast_in_dim3A_34 = vector.broadcast %jit3A : f32 to vector<8x512xf32>
      %select_n3A = arith.select %eq3A_33, %get3A_1, %broadcast_in_dim3A_34 : vector<8x512xi1>, vector<8x512xf32>
      %reduce_sum3A = arith.constant dense<0.000000e+00> : vector<8xf32>
      %reduce_sum3A_35 = vector.multi_reduction <add>, %select_n3A, %reduce_sum3A [1] : vector<8x512xf32> to vector<8xf32>
      %broadcast_in_dim3A_36 = vector.shape_cast %reduce_sum3A_35 : vector<8xf32> to vector<8x1xf32>
      %jit3A_37 = arith.constant 0.000000e+00 : f32
      %broadcast_in_dim3A_38 = vector.broadcast %jit3A_37 : f32 to vector<8x512xf32>
      %select_n3A_39 = arith.select %eq3A_33, %get3A_4, %broadcast_in_dim3A_38 : vector<8x512xi1>, vector<8x512xf32>
      %reduce_sum3A_40 = arith.constant dense<0.000000e+00> : vector<8xf32>
      %reduce_sum3A_41 = vector.multi_reduction <add>, %select_n3A_39, %reduce_sum3A_40 [1] : vector<8x512xf32> to vector<8xf32>
      %broadcast_in_dim3A_42 = vector.shape_cast %reduce_sum3A_41 : vector<8xf32> to vector<8x1xf32>
      %jit3A_43 = arith.constant 0.000000e+00 : f32
      %broadcast_in_dim3A_44 = vector.broadcast %jit3A_43 : f32 to vector<8x512xf32>
      %select_n3A_45 = arith.select %eq3A_33, %get3A_7, %broadcast_in_dim3A_44 : vector<8x512xi1>, vector<8x512xf32>
      %reduce_sum3A_46 = arith.constant dense<0.000000e+00> : vector<8xf32>
      %reduce_sum3A_47 = vector.multi_reduction <add>, %select_n3A_45, %reduce_sum3A_46 [1] : vector<8x512xf32> to vector<8xf32>
      %broadcast_in_dim3A_48 = vector.shape_cast %reduce_sum3A_47 : vector<8xf32> to vector<8x1xf32>
      %eq3A_49 = vector.broadcast %scan3A_27 : i32 to vector<8x128xi32>
      %eq3A_50 = arith.cmpi eq, %iota3A_8, %eq3A_49 : vector<8x128xi32>
      %broadcast_in_dim3A_51 = vector.shape_cast %broadcast_in_dim3A_36 : vector<8x1xf32> to vector<8x1xf32>
      %broadcast_in_dim3A_52 = vector.broadcast %broadcast_in_dim3A_51 : vector<8x1xf32> to vector<8x128xf32>
      %select_n3A_53 = arith.select %eq3A_50, %broadcast_in_dim3A_52, %scan3A_30 : vector<8x128xi1>, vector<8x128xf32>
      %broadcast_in_dim3A_54 = vector.shape_cast %broadcast_in_dim3A_42 : vector<8x1xf32> to vector<8x1xf32>
      %broadcast_in_dim3A_55 = vector.broadcast %broadcast_in_dim3A_54 : vector<8x1xf32> to vector<8x128xf32>
      %select_n3A_56 = arith.select %eq3A_50, %broadcast_in_dim3A_55, %scan3A_31 : vector<8x128xi1>, vector<8x128xf32>
      %broadcast_in_dim3A_57 = vector.shape_cast %broadcast_in_dim3A_48 : vector<8x1xf32> to vector<8x1xf32>
      %broadcast_in_dim3A_58 = vector.broadcast %broadcast_in_dim3A_57 : vector<8x1xf32> to vector<8x128xf32>
      %select_n3A_59 = arith.select %eq3A_50, %broadcast_in_dim3A_58, %scan3A_32 : vector<8x128xi1>, vector<8x128xf32>
      %sub3A = vector.broadcast %broadcast_in_dim3A_36 : vector<8x1xf32> to vector<8x512xf32>
      %sub3A_60 = arith.subf %get3A_1, %sub3A : vector<8x512xf32>
      %integer_pow3A = arith.mulf %sub3A_60, %sub3A_60 : vector<8x512xf32>
      %sub3A_61 = vector.broadcast %broadcast_in_dim3A_42 : vector<8x1xf32> to vector<8x512xf32>
      %sub3A_62 = arith.subf %get3A_4, %sub3A_61 : vector<8x512xf32>
      %integer_pow3A_63 = arith.mulf %sub3A_62, %sub3A_62 : vector<8x512xf32>
      %add3A = arith.addf %integer_pow3A, %integer_pow3A_63 : vector<8x512xf32>
      %sub3A_64 = vector.broadcast %broadcast_in_dim3A_48 : vector<8x1xf32> to vector<8x512xf32>
      %sub3A_65 = arith.subf %get3A_7, %sub3A_64 : vector<8x512xf32>
      %integer_pow3A_66 = arith.mulf %sub3A_65, %sub3A_65 : vector<8x512xf32>
      %add3A_67 = arith.addf %add3A, %integer_pow3A_66 : vector<8x512xf32>
      %min3A = arith.minimumf %scan3A_28, %add3A_67 : vector<8x512xf32>
      %reduce_max3A = arith.constant dense<0xFF800000> : vector<8xf32>
      %reduce_max3A_68 = vector.multi_reduction <maximumf>, %min3A, %reduce_max3A [1] : vector<8x512xf32> to vector<8xf32>
      %broadcast_in_dim3A_69 = vector.shape_cast %reduce_max3A_68 : vector<8xf32> to vector<8x1xf32>
      %eq3A_70 = vector.broadcast %broadcast_in_dim3A_69 : vector<8x1xf32> to vector<8x512xf32>
      %eq3A_71 = arith.cmpf oeq, %min3A, %eq3A_70 : vector<8x512xf32>
      %jit3A_72 = arith.constant 512 : i32
      %broadcast_in_dim3A_73 = vector.broadcast %jit3A_72 : i32 to vector<8x512xi32>
      %select_n3A_74 = arith.select %eq3A_71, %iota3A, %broadcast_in_dim3A_73 : vector<8x512xi1>, vector<8x512xi32>
      %reduce_min3A = arith.constant dense<2147483647> : vector<8xi32>
      %reduce_min3A_75 = vector.multi_reduction <minsi>, %select_n3A_74, %reduce_min3A [1] : vector<8x512xi32> to vector<8xi32>
      %broadcast_in_dim3A_76 = vector.shape_cast %reduce_min3A_75 : vector<8xi32> to vector<8x1xi32>
      scf.yield %min3A, %broadcast_in_dim3A_76, %select_n3A_53, %select_n3A_56, %select_n3A_59 : vector<8x512xf32>, vector<8x1xi32>, vector<8x128xf32>, vector<8x128xf32>, vector<8x128xf32>
    }
    %scan3A_18 = arith.constant 128 : i32
    %swap3A = arith.constant 0 : index
    %swap3A_19 = arith.constant 0 : index
    %swap3A_20 = vector.load %arg3[%swap3A, %swap3A_19] : memref<8x128xf32, #tpu.memory_space<vmem>>, vector<8x128xf32>
    tpu.vector_store %arg3[%swap3A, %swap3A_19], %scan3A_17#2 {strides = array<i32>} : memref<8x128xf32, #tpu.memory_space<vmem>>, vector<8x128xf32>,
    %swap3A_21 = arith.constant 0 : index
    %swap3A_22 = arith.constant 0 : index
    %swap3A_23 = vector.load %arg4[%swap3A_21, %swap3A_22] : memref<8x128xf32, #tpu.memory_space<vmem>>, vector<8x128xf32>
    tpu.vector_store %arg4[%swap3A_21, %swap3A_22], %scan3A_17#3 {strides = array<i32>} : memref<8x128xf32, #tpu.memory_space<vmem>>, vector<8x128xf32>,
    %swap3A_24 = arith.constant 0 : index
    %swap3A_25 = arith.constant 0 : index
    %swap3A_26 = vector.load %arg5[%swap3A_24, %swap3A_25] : memref<8x128xf32, #tpu.memory_space<vmem>>, vector<8x128xf32>
    tpu.vector_store %arg5[%swap3A_24, %swap3A_25], %scan3A_17#4 {strides = array<i32>} : memref<8x128xf32, #tpu.memory_space<vmem>>, vector<8x128xf32>,
    return
  }
}

module attributes {stable_mosaic.version = 14 : i64} {
  func.func @_bq_body(%arg0: i32, %arg1: i32, %arg2: memref<1x1x512xf32, #tpu.memory_space<vmem>>, %arg3: memref<1x1x512xf32, #tpu.memory_space<vmem>>, %arg4: memref<1x1x512xf32, #tpu.memory_space<vmem>>, %arg5: memref<1x128x1xf32, #tpu.memory_space<vmem>>, %arg6: memref<1x128x1xf32, #tpu.memory_space<vmem>>, %arg7: memref<1x128x1xf32, #tpu.memory_space<vmem>>, %arg8: memref<1x128x64xi32, #tpu.memory_space<vmem>>) attributes {dimension_semantics = [#tpu.dimension_semantics<arbitrary>, #tpu.dimension_semantics<arbitrary>], iteration_bounds = array<i64: 8, 1>, scalar_prefetch = 0 : i64, scratch_operands = 0 : i64, tpu.core_type = #tpu.core_type<tc>, window_params = [{transform_indices = @transform_0, window_bounds = array<i64: 1, 1, 512>}, {transform_indices = @transform_1, window_bounds = array<i64: 1, 1, 512>}, {transform_indices = @transform_2, window_bounds = array<i64: 1, 1, 512>}, {transform_indices = @transform_3, window_bounds = array<i64: 1, 128, 1>}, {transform_indices = @transform_4, window_bounds = array<i64: 1, 128, 1>}, {transform_indices = @transform_5, window_bounds = array<i64: 1, 128, 1>}, {transform_indices = @transform_6, window_bounds = array<i64: 1, 128, 64>}]} {
    %get3A = arith.constant 0 : index
    %get3A_0 = arith.constant 0 : index
    %get3A_1 = arith.constant 0 : index
    %get3A_2 = vector.load %arg2[%get3A, %get3A_0, %get3A_1] : memref<1x1x512xf32, #tpu.memory_space<vmem>>, vector<1x1x512xf32>
    %get3A_3 = vector.shape_cast %get3A_2 : vector<1x1x512xf32> to vector<1x512xf32>
    %get3A_4 = arith.constant 0 : index
    %get3A_5 = arith.constant 0 : index
    %get3A_6 = arith.constant 0 : index
    %get3A_7 = vector.load %arg3[%get3A_4, %get3A_5, %get3A_6] : memref<1x1x512xf32, #tpu.memory_space<vmem>>, vector<1x1x512xf32>
    %get3A_8 = vector.shape_cast %get3A_7 : vector<1x1x512xf32> to vector<1x512xf32>
    %get3A_9 = arith.constant 0 : index
    %get3A_10 = arith.constant 0 : index
    %get3A_11 = arith.constant 0 : index
    %get3A_12 = vector.load %arg4[%get3A_9, %get3A_10, %get3A_11] : memref<1x1x512xf32, #tpu.memory_space<vmem>>, vector<1x1x512xf32>
    %get3A_13 = vector.shape_cast %get3A_12 : vector<1x1x512xf32> to vector<1x512xf32>
    %get3A_14 = arith.constant 0 : index
    %get3A_15 = arith.constant 0 : index
    %get3A_16 = arith.constant 0 : index
    %get3A_17 = vector.load %arg5[%get3A_14, %get3A_15, %get3A_16] : memref<1x128x1xf32, #tpu.memory_space<vmem>>, vector<1x128x1xf32>
    %get3A_18 = vector.shape_cast %get3A_17 : vector<1x128x1xf32> to vector<128x1xf32>
    %get3A_19 = arith.constant 0 : index
    %get3A_20 = arith.constant 0 : index
    %get3A_21 = arith.constant 0 : index
    %get3A_22 = vector.load %arg6[%get3A_19, %get3A_20, %get3A_21] : memref<1x128x1xf32, #tpu.memory_space<vmem>>, vector<1x128x1xf32>
    %get3A_23 = vector.shape_cast %get3A_22 : vector<1x128x1xf32> to vector<128x1xf32>
    %get3A_24 = arith.constant 0 : index
    %get3A_25 = arith.constant 0 : index
    %get3A_26 = arith.constant 0 : index
    %get3A_27 = vector.load %arg7[%get3A_24, %get3A_25, %get3A_26] : memref<1x128x1xf32, #tpu.memory_space<vmem>>, vector<1x128x1xf32>
    %get3A_28 = vector.shape_cast %get3A_27 : vector<1x128x1xf32> to vector<128x1xf32>
    %mul3A = arith.mulf %get3A_3, %get3A_3 : vector<1x512xf32>
    %mul3A_29 = arith.mulf %get3A_8, %get3A_8 : vector<1x512xf32>
    %add3A = arith.addf %mul3A, %mul3A_29 : vector<1x512xf32>
    %mul3A_30 = arith.mulf %get3A_13, %get3A_13 : vector<1x512xf32>
    %add3A_31 = arith.addf %add3A, %mul3A_30 : vector<1x512xf32>
    %mul3A_32 = arith.mulf %get3A_18, %get3A_18 : vector<128x1xf32>
    %mul3A_33 = arith.mulf %get3A_23, %get3A_23 : vector<128x1xf32>
    %add3A_34 = arith.addf %mul3A_32, %mul3A_33 : vector<128x1xf32>
    %mul3A_35 = arith.mulf %get3A_28, %get3A_28 : vector<128x1xf32>
    %add3A_36 = arith.addf %add3A_34, %mul3A_35 : vector<128x1xf32>
    %concatenate3A = tpu.concatenate %get3A_18, %get3A_23, %get3A_28 in 1 : vector<128x1xf32>, vector<128x1xf32>, vector<128x1xf32> -> vector<128x3xf32>
    %concatenate3A_37 = tpu.concatenate %get3A_3, %get3A_8, %get3A_13 in 0 : vector<1x512xf32>, vector<1x512xf32>, vector<1x512xf32> -> vector<3x512xf32>
    %dot_general3A = arith.constant dense<0.000000e+00> : vector<128x512xf32>
    %dot_general3A_38 = tpu.matmul %concatenate3A, %concatenate3A_37, %dot_general3A {dimension_numbers = #tpu.dot_dimension_numbers<[1], [0], [0], [1], [0, 0, 1, 1], [], []>, transpose_lhs_hint = false} : vector<128x3xf32>, vector<3x512xf32>, vector<128x512xf32> -> vector<128x512xf32>
    %add3A_39 = vector.broadcast %add3A_36 : vector<128x1xf32> to vector<128x512xf32>
    %add3A_40 = vector.broadcast %add3A_31 : vector<1x512xf32> to vector<128x512xf32>
    %add3A_41 = arith.addf %add3A_39, %add3A_40 : vector<128x512xf32>
    %mul3A_42 = arith.constant 2.000000e+00 : f32
    %mul3A_43 = vector.broadcast %mul3A_42 : f32 to vector<128x512xf32>
    %mul3A_44 = arith.mulf %mul3A_43, %dot_general3A_38 : vector<128x512xf32>
    %sub3A = arith.subf %add3A_41, %mul3A_44 : vector<128x512xf32>
    %iota3A = tpu.iota {dimensions = array<i32: 1>} : vector<128x512xi32>
    %le3A = arith.constant 1.600000e-01 : f32
    %le3A_45 = vector.broadcast %le3A : f32 to vector<128x512xf32>
    %le3A_46 = arith.cmpf ole, %sub3A, %le3A_45 : vector<128x512xf32>
    %jit3A = arith.constant 512 : i32
    %broadcast_in_dim3A = vector.broadcast %jit3A : i32 to vector<128x512xi32>
    %select_n3A = arith.select %le3A_46, %iota3A, %broadcast_in_dim3A : vector<128x512xi1>, vector<128x512xi32>
    %reduce_min3A = arith.constant dense<2147483647> : vector<128xi32>
    %reduce_min3A_47 = vector.multi_reduction <minsi>, %select_n3A, %reduce_min3A [1] : vector<128x512xi32> to vector<128xi32>
    %broadcast_in_dim3A_48 = vector.shape_cast %reduce_min3A_47 : vector<128xi32> to vector<128x1xi32>
    %gt3A = vector.broadcast %broadcast_in_dim3A_48 : vector<128x1xi32> to vector<128x512xi32>
    %gt3A_49 = arith.cmpi sgt, %select_n3A, %gt3A : vector<128x512xi32>
    %jit3A_50 = arith.constant 512 : i32
    %broadcast_in_dim3A_51 = vector.broadcast %jit3A_50 : i32 to vector<128x512xi32>
    %select_n3A_52 = arith.select %gt3A_49, %select_n3A, %broadcast_in_dim3A_51 : vector<128x512xi1>, vector<128x512xi32>
    %reduce_min3A_53 = arith.constant dense<2147483647> : vector<128xi32>
    %reduce_min3A_54 = vector.multi_reduction <minsi>, %select_n3A_52, %reduce_min3A_53 [1] : vector<128x512xi32> to vector<128xi32>
    %broadcast_in_dim3A_55 = vector.shape_cast %reduce_min3A_54 : vector<128xi32> to vector<128x1xi32>
    %eq3A = arith.constant 512 : i32
    %eq3A_56 = vector.broadcast %eq3A : i32 to vector<128x1xi32>
    %eq3A_57 = arith.cmpi eq, %broadcast_in_dim3A_55, %eq3A_56 : vector<128x1xi32>
    %select_n3A_58 = arith.select %eq3A_57, %broadcast_in_dim3A_48, %broadcast_in_dim3A_55 : vector<128x1xi1>, vector<128x1xi32>
    %gt3A_59 = vector.broadcast %broadcast_in_dim3A_55 : vector<128x1xi32> to vector<128x512xi32>
    %gt3A_60 = arith.cmpi sgt, %select_n3A, %gt3A_59 : vector<128x512xi32>
    %jit3A_61 = arith.constant 512 : i32
    %broadcast_in_dim3A_62 = vector.broadcast %jit3A_61 : i32 to vector<128x512xi32>
    %select_n3A_63 = arith.select %gt3A_60, %select_n3A, %broadcast_in_dim3A_62 : vector<128x512xi1>, vector<128x512xi32>
    %reduce_min3A_64 = arith.constant dense<2147483647> : vector<128xi32>
    %reduce_min3A_65 = vector.multi_reduction <minsi>, %select_n3A_63, %reduce_min3A_64 [1] : vector<128x512xi32> to vector<128xi32>
    %broadcast_in_dim3A_66 = vector.shape_cast %reduce_min3A_65 : vector<128xi32> to vector<128x1xi32>
    %eq3A_67 = arith.constant 512 : i32
    %eq3A_68 = vector.broadcast %eq3A_67 : i32 to vector<128x1xi32>
    %eq3A_69 = arith.cmpi eq, %broadcast_in_dim3A_66, %eq3A_68 : vector<128x1xi32>
    %select_n3A_70 = arith.select %eq3A_69, %broadcast_in_dim3A_48, %broadcast_in_dim3A_66 : vector<128x1xi1>, vector<128x1xi32>
    %gt3A_71 = vector.broadcast %broadcast_in_dim3A_66 : vector<128x1xi32> to vector<128x512xi32>
    %gt3A_72 = arith.cmpi sgt, %select_n3A, %gt3A_71 : vector<128x512xi32>
    %jit3A_73 = arith.constant 512 : i32
    %broadcast_in_dim3A_74 = vector.broadcast %jit3A_73 : i32 to vector<128x512xi32>
    %select_n3A_75 = arith.select %gt3A_72, %select_n3A, %broadcast_in_dim3A_74 : vector<128x512xi1>, vector<128x512xi32>
    %reduce_min3A_76 = arith.constant dense<2147483647> : vector<128xi32>
    %reduce_min3A_77 = vector.multi_reduction <minsi>, %select_n3A_75, %reduce_min3A_76 [1] : vector<128x512xi32> to vector<128xi32>
    %broadcast_in_dim3A_78 = vector.shape_cast %reduce_min3A_77 : vector<128xi32> to vector<128x1xi32>
    %eq3A_79 = arith.constant 512 : i32
    %eq3A_80 = vector.broadcast %eq3A_79 : i32 to vector<128x1xi32>
    %eq3A_81 = arith.cmpi eq, %broadcast_in_dim3A_78, %eq3A_80 : vector<128x1xi32>
    %select_n3A_82 = arith.select %eq3A_81, %broadcast_in_dim3A_48, %broadcast_in_dim3A_78 : vector<128x1xi1>, vector<128x1xi32>
    %gt3A_83 = vector.broadcast %broadcast_in_dim3A_78 : vector<128x1xi32> to vector<128x512xi32>
    %gt3A_84 = arith.cmpi sgt, %select_n3A, %gt3A_83 : vector<128x512xi32>
    %jit3A_85 = arith.constant 512 : i32
    %broadcast_in_dim3A_86 = vector.broadcast %jit3A_85 : i32 to vector<128x512xi32>
    %select_n3A_87 = arith.select %gt3A_84, %select_n3A, %broadcast_in_dim3A_86 : vector<128x512xi1>, vector<128x512xi32>
    %reduce_min3A_88 = arith.constant dense<2147483647> : vector<128xi32>
    %reduce_min3A_89 = vector.multi_reduction <minsi>, %select_n3A_87, %reduce_min3A_88 [1] : vector<128x512xi32> to vector<128xi32>
    %broadcast_in_dim3A_90 = vector.shape_cast %reduce_min3A_89 : vector<128xi32> to vector<128x1xi32>
    %eq3A_91 = arith.constant 512 : i32
    %eq3A_92 = vector.broadcast %eq3A_91 : i32 to vector<128x1xi32>
    %eq3A_93 = arith.cmpi eq, %broadcast_in_dim3A_90, %eq3A_92 : vector<128x1xi32>
    %select_n3A_94 = arith.select %eq3A_93, %broadcast_in_dim3A_48, %broadcast_in_dim3A_90 : vector<128x1xi1>, vector<128x1xi32>
    %gt3A_95 = vector.broadcast %broadcast_in_dim3A_90 : vector<128x1xi32> to vector<128x512xi32>
    %gt3A_96 = arith.cmpi sgt, %select_n3A, %gt3A_95 : vector<128x512xi32>
    %jit3A_97 = arith.constant 512 : i32
    %broadcast_in_dim3A_98 = vector.broadcast %jit3A_97 : i32 to vector<128x512xi32>
    %select_n3A_99 = arith.select %gt3A_96, %select_n3A, %broadcast_in_dim3A_98 : vector<128x512xi1>, vector<128x512xi32>
    %reduce_min3A_100 = arith.constant dense<2147483647> : vector<128xi32>
    %reduce_min3A_101 = vector.multi_reduction <minsi>, %select_n3A_99, %reduce_min3A_100 [1] : vector<128x512xi32> to vector<128xi32>
    %broadcast_in_dim3A_102 = vector.shape_cast %reduce_min3A_101 : vector<128xi32> to vector<128x1xi32>
    %eq3A_103 = arith.constant 512 : i32
    %eq3A_104 = vector.broadcast %eq3A_103 : i32 to vector<128x1xi32>
    %eq3A_105 = arith.cmpi eq, %broadcast_in_dim3A_102, %eq3A_104 : vector<128x1xi32>
    %select_n3A_106 = arith.select %eq3A_105, %broadcast_in_dim3A_48, %broadcast_in_dim3A_102 : vector<128x1xi1>, vector<128x1xi32>
    %gt3A_107 = vector.broadcast %broadcast_in_dim3A_102 : vector<128x1xi32> to vector<128x512xi32>
    %gt3A_108 = arith.cmpi sgt, %select_n3A, %gt3A_107 : vector<128x512xi32>
    %jit3A_109 = arith.constant 512 : i32
    %broadcast_in_dim3A_110 = vector.broadcast %jit3A_109 : i32 to vector<128x512xi32>
    %select_n3A_111 = arith.select %gt3A_108, %select_n3A, %broadcast_in_dim3A_110 : vector<128x512xi1>, vector<128x512xi32>
    %reduce_min3A_112 = arith.constant dense<2147483647> : vector<128xi32>
    %reduce_min3A_113 = vector.multi_reduction <minsi>, %select_n3A_111, %reduce_min3A_112 [1] : vector<128x512xi32> to vector<128xi32>
    %broadcast_in_dim3A_114 = vector.shape_cast %reduce_min3A_113 : vector<128xi32> to vector<128x1xi32>
    %eq3A_115 = arith.constant 512 : i32
    %eq3A_116 = vector.broadcast %eq3A_115 : i32 to vector<128x1xi32>
    %eq3A_117 = arith.cmpi eq, %broadcast_in_dim3A_114, %eq3A_116 : vector<128x1xi32>
    %select_n3A_118 = arith.select %eq3A_117, %broadcast_in_dim3A_48, %broadcast_in_dim3A_114 : vector<128x1xi1>, vector<128x1xi32>
    %gt3A_119 = vector.broadcast %broadcast_in_dim3A_114 : vector<128x1xi32> to vector<128x512xi32>
    %gt3A_120 = arith.cmpi sgt, %select_n3A, %gt3A_119 : vector<128x512xi32>
    %jit3A_121 = arith.constant 512 : i32
    %broadcast_in_dim3A_122 = vector.broadcast %jit3A_121 : i32 to vector<128x512xi32>
    %select_n3A_123 = arith.select %gt3A_120, %select_n3A, %broadcast_in_dim3A_122 : vector<128x512xi1>, vector<128x512xi32>
    %reduce_min3A_124 = arith.constant dense<2147483647> : vector<128xi32>
    %reduce_min3A_125 = vector.multi_reduction <minsi>, %select_n3A_123, %reduce_min3A_124 [1] : vector<128x512xi32> to vector<128xi32>
    %broadcast_in_dim3A_126 = vector.shape_cast %reduce_min3A_125 : vector<128xi32> to vector<128x1xi32>
    %eq3A_127 = arith.constant 512 : i32
    %eq3A_128 = vector.broadcast %eq3A_127 : i32 to vector<128x1xi32>
    %eq3A_129 = arith.cmpi eq, %broadcast_in_dim3A_126, %eq3A_128 : vector<128x1xi32>
    %select_n3A_130 = arith.select %eq3A_129, %broadcast_in_dim3A_48, %broadcast_in_dim3A_126 : vector<128x1xi1>, vector<128x1xi32>
    %gt3A_131 = vector.broadcast %broadcast_in_dim3A_126 : vector<128x1xi32> to vector<128x512xi32>
    %gt3A_132 = arith.cmpi sgt, %select_n3A, %gt3A_131 : vector<128x512xi32>
    %jit3A_133 = arith.constant 512 : i32
    %broadcast_in_dim3A_134 = vector.broadcast %jit3A_133 : i32 to vector<128x512xi32>
    %select_n3A_135 = arith.select %gt3A_132, %select_n3A, %broadcast_in_dim3A_134 : vector<128x512xi1>, vector<128x512xi32>
    %reduce_min3A_136 = arith.constant dense<2147483647> : vector<128xi32>
    %reduce_min3A_137 = vector.multi_reduction <minsi>, %select_n3A_135, %reduce_min3A_136 [1] : vector<128x512xi32> to vector<128xi32>
    %broadcast_in_dim3A_138 = vector.shape_cast %reduce_min3A_137 : vector<128xi32> to vector<128x1xi32>
    %eq3A_139 = arith.constant 512 : i32
    %eq3A_140 = vector.broadcast %eq3A_139 : i32 to vector<128x1xi32>
    %eq3A_141 = arith.cmpi eq, %broadcast_in_dim3A_138, %eq3A_140 : vector<128x1xi32>
    %select_n3A_142 = arith.select %eq3A_141, %broadcast_in_dim3A_48, %broadcast_in_dim3A_138 : vector<128x1xi1>, vector<128x1xi32>
    %gt3A_143 = vector.broadcast %broadcast_in_dim3A_138 : vector<128x1xi32> to vector<128x512xi32>
    %gt3A_144 = arith.cmpi sgt, %select_n3A, %gt3A_143 : vector<128x512xi32>
    %jit3A_145 = arith.constant 512 : i32
    %broadcast_in_dim3A_146 = vector.broadcast %jit3A_145 : i32 to vector<128x512xi32>
    %select_n3A_147 = arith.select %gt3A_144, %select_n3A, %broadcast_in_dim3A_146 : vector<128x512xi1>, vector<128x512xi32>
    %reduce_min3A_148 = arith.constant dense<2147483647> : vector<128xi32>
    %reduce_min3A_149 = vector.multi_reduction <minsi>, %select_n3A_147, %reduce_min3A_148 [1] : vector<128x512xi32> to vector<128xi32>
    %broadcast_in_dim3A_150 = vector.shape_cast %reduce_min3A_149 : vector<128xi32> to vector<128x1xi32>
    %eq3A_151 = arith.constant 512 : i32
    %eq3A_152 = vector.broadcast %eq3A_151 : i32 to vector<128x1xi32>
    %eq3A_153 = arith.cmpi eq, %broadcast_in_dim3A_150, %eq3A_152 : vector<128x1xi32>
    %select_n3A_154 = arith.select %eq3A_153, %broadcast_in_dim3A_48, %broadcast_in_dim3A_150 : vector<128x1xi1>, vector<128x1xi32>
    %gt3A_155 = vector.broadcast %broadcast_in_dim3A_150 : vector<128x1xi32> to vector<128x512xi32>
    %gt3A_156 = arith.cmpi sgt, %select_n3A, %gt3A_155 : vector<128x512xi32>
    %jit3A_157 = arith.constant 512 : i32
    %broadcast_in_dim3A_158 = vector.broadcast %jit3A_157 : i32 to vector<128x512xi32>
    %select_n3A_159 = arith.select %gt3A_156, %select_n3A, %broadcast_in_dim3A_158 : vector<128x512xi1>, vector<128x512xi32>
    %reduce_min3A_160 = arith.constant dense<2147483647> : vector<128xi32>
    %reduce_min3A_161 = vector.multi_reduction <minsi>, %select_n3A_159, %reduce_min3A_160 [1] : vector<128x512xi32> to vector<128xi32>
    %broadcast_in_dim3A_162 = vector.shape_cast %reduce_min3A_161 : vector<128xi32> to vector<128x1xi32>
    %eq3A_163 = arith.constant 512 : i32
    %eq3A_164 = vector.broadcast %eq3A_163 : i32 to vector<128x1xi32>
    %eq3A_165 = arith.cmpi eq, %broadcast_in_dim3A_162, %eq3A_164 : vector<128x1xi32>
    %select_n3A_166 = arith.select %eq3A_165, %broadcast_in_dim3A_48, %broadcast_in_dim3A_162 : vector<128x1xi1>, vector<128x1xi32>
    %gt3A_167 = vector.broadcast %broadcast_in_dim3A_162 : vector<128x1xi32> to vector<128x512xi32>
    %gt3A_168 = arith.cmpi sgt, %select_n3A, %gt3A_167 : vector<128x512xi32>
    %jit3A_169 = arith.constant 512 : i32
    %broadcast_in_dim3A_170 = vector.broadcast %jit3A_169 : i32 to vector<128x512xi32>
    %select_n3A_171 = arith.select %gt3A_168, %select_n3A, %broadcast_in_dim3A_170 : vector<128x512xi1>, vector<128x512xi32>
    %reduce_min3A_172 = arith.constant dense<2147483647> : vector<128xi32>
    %reduce_min3A_173 = vector.multi_reduction <minsi>, %select_n3A_171, %reduce_min3A_172 [1] : vector<128x512xi32> to vector<128xi32>
    %broadcast_in_dim3A_174 = vector.shape_cast %reduce_min3A_173 : vector<128xi32> to vector<128x1xi32>
    %eq3A_175 = arith.constant 512 : i32
    %eq3A_176 = vector.broadcast %eq3A_175 : i32 to vector<128x1xi32>
    %eq3A_177 = arith.cmpi eq, %broadcast_in_dim3A_174, %eq3A_176 : vector<128x1xi32>
    %select_n3A_178 = arith.select %eq3A_177, %broadcast_in_dim3A_48, %broadcast_in_dim3A_174 : vector<128x1xi1>, vector<128x1xi32>
    %gt3A_179 = vector.broadcast %broadcast_in_dim3A_174 : vector<128x1xi32> to vector<128x512xi32>
    %gt3A_180 = arith.cmpi sgt, %select_n3A, %gt3A_179 : vector<128x512xi32>
    %jit3A_181 = arith.constant 512 : i32
    %broadcast_in_dim3A_182 = vector.broadcast %jit3A_181 : i32 to vector<128x512xi32>
    %select_n3A_183 = arith.select %gt3A_180, %select_n3A, %broadcast_in_dim3A_182 : vector<128x512xi1>, vector<128x512xi32>
    %reduce_min3A_184 = arith.constant dense<2147483647> : vector<128xi32>
    %reduce_min3A_185 = vector.multi_reduction <minsi>, %select_n3A_183, %reduce_min3A_184 [1] : vector<128x512xi32> to vector<128xi32>
    %broadcast_in_dim3A_186 = vector.shape_cast %reduce_min3A_185 : vector<128xi32> to vector<128x1xi32>
    %eq3A_187 = arith.constant 512 : i32
    %eq3A_188 = vector.broadcast %eq3A_187 : i32 to vector<128x1xi32>
    %eq3A_189 = arith.cmpi eq, %broadcast_in_dim3A_186, %eq3A_188 : vector<128x1xi32>
    %select_n3A_190 = arith.select %eq3A_189, %broadcast_in_dim3A_48, %broadcast_in_dim3A_186 : vector<128x1xi1>, vector<128x1xi32>
    %gt3A_191 = vector.broadcast %broadcast_in_dim3A_186 : vector<128x1xi32> to vector<128x512xi32>
    %gt3A_192 = arith.cmpi sgt, %select_n3A, %gt3A_191 : vector<128x512xi32>
    %jit3A_193 = arith.constant 512 : i32
    %broadcast_in_dim3A_194 = vector.broadcast %jit3A_193 : i32 to vector<128x512xi32>
    %select_n3A_195 = arith.select %gt3A_192, %select_n3A, %broadcast_in_dim3A_194 : vector<128x512xi1>, vector<128x512xi32>
    %reduce_min3A_196 = arith.constant dense<2147483647> : vector<128xi32>
    %reduce_min3A_197 = vector.multi_reduction <minsi>, %select_n3A_195, %reduce_min3A_196 [1] : vector<128x512xi32> to vector<128xi32>
    %broadcast_in_dim3A_198 = vector.shape_cast %reduce_min3A_197 : vector<128xi32> to vector<128x1xi32>
    %eq3A_199 = arith.constant 512 : i32
    %eq3A_200 = vector.broadcast %eq3A_199 : i32 to vector<128x1xi32>
    %eq3A_201 = arith.cmpi eq, %broadcast_in_dim3A_198, %eq3A_200 : vector<128x1xi32>
    %select_n3A_202 = arith.select %eq3A_201, %broadcast_in_dim3A_48, %broadcast_in_dim3A_198 : vector<128x1xi1>, vector<128x1xi32>
    %gt3A_203 = vector.broadcast %broadcast_in_dim3A_198 : vector<128x1xi32> to vector<128x512xi32>
    %gt3A_204 = arith.cmpi sgt, %select_n3A, %gt3A_203 : vector<128x512xi32>
    %jit3A_205 = arith.constant 512 : i32
    %broadcast_in_dim3A_206 = vector.broadcast %jit3A_205 : i32 to vector<128x512xi32>
    %select_n3A_207 = arith.select %gt3A_204, %select_n3A, %broadcast_in_dim3A_206 : vector<128x512xi1>, vector<128x512xi32>
    %reduce_min3A_208 = arith.constant dense<2147483647> : vector<128xi32>
    %reduce_min3A_209 = vector.multi_reduction <minsi>, %select_n3A_207, %reduce_min3A_208 [1] : vector<128x512xi32> to vector<128xi32>
    %broadcast_in_dim3A_210 = vector.shape_cast %reduce_min3A_209 : vector<128xi32> to vector<128x1xi32>
    %eq3A_211 = arith.constant 512 : i32
    %eq3A_212 = vector.broadcast %eq3A_211 : i32 to vector<128x1xi32>
    %eq3A_213 = arith.cmpi eq, %broadcast_in_dim3A_210, %eq3A_212 : vector<128x1xi32>
    %select_n3A_214 = arith.select %eq3A_213, %broadcast_in_dim3A_48, %broadcast_in_dim3A_210 : vector<128x1xi1>, vector<128x1xi32>
    %gt3A_215 = vector.broadcast %broadcast_in_dim3A_210 : vector<128x1xi32> to vector<128x512xi32>
    %gt3A_216 = arith.cmpi sgt, %select_n3A, %gt3A_215 : vector<128x512xi32>
    %jit3A_217 = arith.constant 512 : i32
    %broadcast_in_dim3A_218 = vector.broadcast %jit3A_217 : i32 to vector<128x512xi32>
    %select_n3A_219 = arith.select %gt3A_216, %select_n3A, %broadcast_in_dim3A_218 : vector<128x512xi1>, vector<128x512xi32>
    %reduce_min3A_220 = arith.constant dense<2147483647> : vector<128xi32>
    %reduce_min3A_221 = vector.multi_reduction <minsi>, %select_n3A_219, %reduce_min3A_220 [1] : vector<128x512xi32> to vector<128xi32>
    %broadcast_in_dim3A_222 = vector.shape_cast %reduce_min3A_221 : vector<128xi32> to vector<128x1xi32>
    %eq3A_223 = arith.constant 512 : i32
    %eq3A_224 = vector.broadcast %eq3A_223 : i32 to vector<128x1xi32>
    %eq3A_225 = arith.cmpi eq, %broadcast_in_dim3A_222, %eq3A_224 : vector<128x1xi32>
    %select_n3A_226 = arith.select %eq3A_225, %broadcast_in_dim3A_48, %broadcast_in_dim3A_222 : vector<128x1xi1>, vector<128x1xi32>
    %gt3A_227 = vector.broadcast %broadcast_in_dim3A_222 : vector<128x1xi32> to vector<128x512xi32>
    %gt3A_228 = arith.cmpi sgt, %select_n3A, %gt3A_227 : vector<128x512xi32>
    %jit3A_229 = arith.constant 512 : i32
    %broadcast_in_dim3A_230 = vector.broadcast %jit3A_229 : i32 to vector<128x512xi32>
    %select_n3A_231 = arith.select %gt3A_228, %select_n3A, %broadcast_in_dim3A_230 : vector<128x512xi1>, vector<128x512xi32>
    %reduce_min3A_232 = arith.constant dense<2147483647> : vector<128xi32>
    %reduce_min3A_233 = vector.multi_reduction <minsi>, %select_n3A_231, %reduce_min3A_232 [1] : vector<128x512xi32> to vector<128xi32>
    %broadcast_in_dim3A_234 = vector.shape_cast %reduce_min3A_233 : vector<128xi32> to vector<128x1xi32>
    %eq3A_235 = arith.constant 512 : i32
    %eq3A_236 = vector.broadcast %eq3A_235 : i32 to vector<128x1xi32>
    %eq3A_237 = arith.cmpi eq, %broadcast_in_dim3A_234, %eq3A_236 : vector<128x1xi32>
    %select_n3A_238 = arith.select %eq3A_237, %broadcast_in_dim3A_48, %broadcast_in_dim3A_234 : vector<128x1xi1>, vector<128x1xi32>
    %gt3A_239 = vector.broadcast %broadcast_in_dim3A_234 : vector<128x1xi32> to vector<128x512xi32>
    %gt3A_240 = arith.cmpi sgt, %select_n3A, %gt3A_239 : vector<128x512xi32>
    %jit3A_241 = arith.constant 512 : i32
    %broadcast_in_dim3A_242 = vector.broadcast %jit3A_241 : i32 to vector<128x512xi32>
    %select_n3A_243 = arith.select %gt3A_240, %select_n3A, %broadcast_in_dim3A_242 : vector<128x512xi1>, vector<128x512xi32>
    %reduce_min3A_244 = arith.constant dense<2147483647> : vector<128xi32>
    %reduce_min3A_245 = vector.multi_reduction <minsi>, %select_n3A_243, %reduce_min3A_244 [1] : vector<128x512xi32> to vector<128xi32>
    %broadcast_in_dim3A_246 = vector.shape_cast %reduce_min3A_245 : vector<128xi32> to vector<128x1xi32>
    %eq3A_247 = arith.constant 512 : i32
    %eq3A_248 = vector.broadcast %eq3A_247 : i32 to vector<128x1xi32>
    %eq3A_249 = arith.cmpi eq, %broadcast_in_dim3A_246, %eq3A_248 : vector<128x1xi32>
    %select_n3A_250 = arith.select %eq3A_249, %broadcast_in_dim3A_48, %broadcast_in_dim3A_246 : vector<128x1xi1>, vector<128x1xi32>
    %gt3A_251 = vector.broadcast %broadcast_in_dim3A_246 : vector<128x1xi32> to vector<128x512xi32>
    %gt3A_252 = arith.cmpi sgt, %select_n3A, %gt3A_251 : vector<128x512xi32>
    %jit3A_253 = arith.constant 512 : i32
    %broadcast_in_dim3A_254 = vector.broadcast %jit3A_253 : i32 to vector<128x512xi32>
    %select_n3A_255 = arith.select %gt3A_252, %select_n3A, %broadcast_in_dim3A_254 : vector<128x512xi1>, vector<128x512xi32>
    %reduce_min3A_256 = arith.constant dense<2147483647> : vector<128xi32>
    %reduce_min3A_257 = vector.multi_reduction <minsi>, %select_n3A_255, %reduce_min3A_256 [1] : vector<128x512xi32> to vector<128xi32>
    %broadcast_in_dim3A_258 = vector.shape_cast %reduce_min3A_257 : vector<128xi32> to vector<128x1xi32>
    %eq3A_259 = arith.constant 512 : i32
    %eq3A_260 = vector.broadcast %eq3A_259 : i32 to vector<128x1xi32>
    %eq3A_261 = arith.cmpi eq, %broadcast_in_dim3A_258, %eq3A_260 : vector<128x1xi32>
    %select_n3A_262 = arith.select %eq3A_261, %broadcast_in_dim3A_48, %broadcast_in_dim3A_258 : vector<128x1xi1>, vector<128x1xi32>
    %gt3A_263 = vector.broadcast %broadcast_in_dim3A_258 : vector<128x1xi32> to vector<128x512xi32>
    %gt3A_264 = arith.cmpi sgt, %select_n3A, %gt3A_263 : vector<128x512xi32>
    %jit3A_265 = arith.constant 512 : i32
    %broadcast_in_dim3A_266 = vector.broadcast %jit3A_265 : i32 to vector<128x512xi32>
    %select_n3A_267 = arith.select %gt3A_264, %select_n3A, %broadcast_in_dim3A_266 : vector<128x512xi1>, vector<128x512xi32>
    %reduce_min3A_268 = arith.constant dense<2147483647> : vector<128xi32>
    %reduce_min3A_269 = vector.multi_reduction <minsi>, %select_n3A_267, %reduce_min3A_268 [1] : vector<128x512xi32> to vector<128xi32>
    %broadcast_in_dim3A_270 = vector.shape_cast %reduce_min3A_269 : vector<128xi32> to vector<128x1xi32>
    %eq3A_271 = arith.constant 512 : i32
    %eq3A_272 = vector.broadcast %eq3A_271 : i32 to vector<128x1xi32>
    %eq3A_273 = arith.cmpi eq, %broadcast_in_dim3A_270, %eq3A_272 : vector<128x1xi32>
    %select_n3A_274 = arith.select %eq3A_273, %broadcast_in_dim3A_48, %broadcast_in_dim3A_270 : vector<128x1xi1>, vector<128x1xi32>
    %gt3A_275 = vector.broadcast %broadcast_in_dim3A_270 : vector<128x1xi32> to vector<128x512xi32>
    %gt3A_276 = arith.cmpi sgt, %select_n3A, %gt3A_275 : vector<128x512xi32>
    %jit3A_277 = arith.constant 512 : i32
    %broadcast_in_dim3A_278 = vector.broadcast %jit3A_277 : i32 to vector<128x512xi32>
    %select_n3A_279 = arith.select %gt3A_276, %select_n3A, %broadcast_in_dim3A_278 : vector<128x512xi1>, vector<128x512xi32>
    %reduce_min3A_280 = arith.constant dense<2147483647> : vector<128xi32>
    %reduce_min3A_281 = vector.multi_reduction <minsi>, %select_n3A_279, %reduce_min3A_280 [1] : vector<128x512xi32> to vector<128xi32>
    %broadcast_in_dim3A_282 = vector.shape_cast %reduce_min3A_281 : vector<128xi32> to vector<128x1xi32>
    %eq3A_283 = arith.constant 512 : i32
    %eq3A_284 = vector.broadcast %eq3A_283 : i32 to vector<128x1xi32>
    %eq3A_285 = arith.cmpi eq, %broadcast_in_dim3A_282, %eq3A_284 : vector<128x1xi32>
    %select_n3A_286 = arith.select %eq3A_285, %broadcast_in_dim3A_48, %broadcast_in_dim3A_282 : vector<128x1xi1>, vector<128x1xi32>
    %gt3A_287 = vector.broadcast %broadcast_in_dim3A_282 : vector<128x1xi32> to vector<128x512xi32>
    %gt3A_288 = arith.cmpi sgt, %select_n3A, %gt3A_287 : vector<128x512xi32>
    %jit3A_289 = arith.constant 512 : i32
    %broadcast_in_dim3A_290 = vector.broadcast %jit3A_289 : i32 to vector<128x512xi32>
    %select_n3A_291 = arith.select %gt3A_288, %select_n3A, %broadcast_in_dim3A_290 : vector<128x512xi1>, vector<128x512xi32>
    %reduce_min3A_292 = arith.constant dense<2147483647> : vector<128xi32>
    %reduce_min3A_293 = vector.multi_reduction <minsi>, %select_n3A_291, %reduce_min3A_292 [1] : vector<128x512xi32> to vector<128xi32>
    %broadcast_in_dim3A_294 = vector.shape_cast %reduce_min3A_293 : vector<128xi32> to vector<128x1xi32>
    %eq3A_295 = arith.constant 512 : i32
    %eq3A_296 = vector.broadcast %eq3A_295 : i32 to vector<128x1xi32>
    %eq3A_297 = arith.cmpi eq, %broadcast_in_dim3A_294, %eq3A_296 : vector<128x1xi32>
    %select_n3A_298 = arith.select %eq3A_297, %broadcast_in_dim3A_48, %broadcast_in_dim3A_294 : vector<128x1xi1>, vector<128x1xi32>
    %gt3A_299 = vector.broadcast %broadcast_in_dim3A_294 : vector<128x1xi32> to vector<128x512xi32>
    %gt3A_300 = arith.cmpi sgt, %select_n3A, %gt3A_299 : vector<128x512xi32>
    %jit3A_301 = arith.constant 512 : i32
    %broadcast_in_dim3A_302 = vector.broadcast %jit3A_301 : i32 to vector<128x512xi32>
    %select_n3A_303 = arith.select %gt3A_300, %select_n3A, %broadcast_in_dim3A_302 : vector<128x512xi1>, vector<128x512xi32>
    %reduce_min3A_304 = arith.constant dense<2147483647> : vector<128xi32>
    %reduce_min3A_305 = vector.multi_reduction <minsi>, %select_n3A_303, %reduce_min3A_304 [1] : vector<128x512xi32> to vector<128xi32>
    %broadcast_in_dim3A_306 = vector.shape_cast %reduce_min3A_305 : vector<128xi32> to vector<128x1xi32>
    %eq3A_307 = arith.constant 512 : i32
    %eq3A_308 = vector.broadcast %eq3A_307 : i32 to vector<128x1xi32>
    %eq3A_309 = arith.cmpi eq, %broadcast_in_dim3A_306, %eq3A_308 : vector<128x1xi32>
    %select_n3A_310 = arith.select %eq3A_309, %broadcast_in_dim3A_48, %broadcast_in_dim3A_306 : vector<128x1xi1>, vector<128x1xi32>
    %gt3A_311 = vector.broadcast %broadcast_in_dim3A_306 : vector<128x1xi32> to vector<128x512xi32>
    %gt3A_312 = arith.cmpi sgt, %select_n3A, %gt3A_311 : vector<128x512xi32>
    %jit3A_313 = arith.constant 512 : i32
    %broadcast_in_dim3A_314 = vector.broadcast %jit3A_313 : i32 to vector<128x512xi32>
    %select_n3A_315 = arith.select %gt3A_312, %select_n3A, %broadcast_in_dim3A_314 : vector<128x512xi1>, vector<128x512xi32>
    %reduce_min3A_316 = arith.constant dense<2147483647> : vector<128xi32>
    %reduce_min3A_317 = vector.multi_reduction <minsi>, %select_n3A_315, %reduce_min3A_316 [1] : vector<128x512xi32> to vector<128xi32>
    %broadcast_in_dim3A_318 = vector.shape_cast %reduce_min3A_317 : vector<128xi32> to vector<128x1xi32>
    %eq3A_319 = arith.constant 512 : i32
    %eq3A_320 = vector.broadcast %eq3A_319 : i32 to vector<128x1xi32>
    %eq3A_321 = arith.cmpi eq, %broadcast_in_dim3A_318, %eq3A_320 : vector<128x1xi32>
    %select_n3A_322 = arith.select %eq3A_321, %broadcast_in_dim3A_48, %broadcast_in_dim3A_318 : vector<128x1xi1>, vector<128x1xi32>
    %gt3A_323 = vector.broadcast %broadcast_in_dim3A_318 : vector<128x1xi32> to vector<128x512xi32>
    %gt3A_324 = arith.cmpi sgt, %select_n3A, %gt3A_323 : vector<128x512xi32>
    %jit3A_325 = arith.constant 512 : i32
    %broadcast_in_dim3A_326 = vector.broadcast %jit3A_325 : i32 to vector<128x512xi32>
    %select_n3A_327 = arith.select %gt3A_324, %select_n3A, %broadcast_in_dim3A_326 : vector<128x512xi1>, vector<128x512xi32>
    %reduce_min3A_328 = arith.constant dense<2147483647> : vector<128xi32>
    %reduce_min3A_329 = vector.multi_reduction <minsi>, %select_n3A_327, %reduce_min3A_328 [1] : vector<128x512xi32> to vector<128xi32>
    %broadcast_in_dim3A_330 = vector.shape_cast %reduce_min3A_329 : vector<128xi32> to vector<128x1xi32>
    %eq3A_331 = arith.constant 512 : i32
    %eq3A_332 = vector.broadcast %eq3A_331 : i32 to vector<128x1xi32>
    %eq3A_333 = arith.cmpi eq, %broadcast_in_dim3A_330, %eq3A_332 : vector<128x1xi32>
    %select_n3A_334 = arith.select %eq3A_333, %broadcast_in_dim3A_48, %broadcast_in_dim3A_330 : vector<128x1xi1>, vector<128x1xi32>
    %gt3A_335 = vector.broadcast %broadcast_in_dim3A_330 : vector<128x1xi32> to vector<128x512xi32>
    %gt3A_336 = arith.cmpi sgt, %select_n3A, %gt3A_335 : vector<128x512xi32>
    %jit3A_337 = arith.constant 512 : i32
    %broadcast_in_dim3A_338 = vector.broadcast %jit3A_337 : i32 to vector<128x512xi32>
    %select_n3A_339 = arith.select %gt3A_336, %select_n3A, %broadcast_in_dim3A_338 : vector<128x512xi1>, vector<128x512xi32>
    %reduce_min3A_340 = arith.constant dense<2147483647> : vector<128xi32>
    %reduce_min3A_341 = vector.multi_reduction <minsi>, %select_n3A_339, %reduce_min3A_340 [1] : vector<128x512xi32> to vector<128xi32>
    %broadcast_in_dim3A_342 = vector.shape_cast %reduce_min3A_341 : vector<128xi32> to vector<128x1xi32>
    %eq3A_343 = arith.constant 512 : i32
    %eq3A_344 = vector.broadcast %eq3A_343 : i32 to vector<128x1xi32>
    %eq3A_345 = arith.cmpi eq, %broadcast_in_dim3A_342, %eq3A_344 : vector<128x1xi32>
    %select_n3A_346 = arith.select %eq3A_345, %broadcast_in_dim3A_48, %broadcast_in_dim3A_342 : vector<128x1xi1>, vector<128x1xi32>
    %gt3A_347 = vector.broadcast %broadcast_in_dim3A_342 : vector<128x1xi32> to vector<128x512xi32>
    %gt3A_348 = arith.cmpi sgt, %select_n3A, %gt3A_347 : vector<128x512xi32>
    %jit3A_349 = arith.constant 512 : i32
    %broadcast_in_dim3A_350 = vector.broadcast %jit3A_349 : i32 to vector<128x512xi32>
    %select_n3A_351 = arith.select %gt3A_348, %select_n3A, %broadcast_in_dim3A_350 : vector<128x512xi1>, vector<128x512xi32>
    %reduce_min3A_352 = arith.constant dense<2147483647> : vector<128xi32>
    %reduce_min3A_353 = vector.multi_reduction <minsi>, %select_n3A_351, %reduce_min3A_352 [1] : vector<128x512xi32> to vector<128xi32>
    %broadcast_in_dim3A_354 = vector.shape_cast %reduce_min3A_353 : vector<128xi32> to vector<128x1xi32>
    %eq3A_355 = arith.constant 512 : i32
    %eq3A_356 = vector.broadcast %eq3A_355 : i32 to vector<128x1xi32>
    %eq3A_357 = arith.cmpi eq, %broadcast_in_dim3A_354, %eq3A_356 : vector<128x1xi32>
    %select_n3A_358 = arith.select %eq3A_357, %broadcast_in_dim3A_48, %broadcast_in_dim3A_354 : vector<128x1xi1>, vector<128x1xi32>
    %gt3A_359 = vector.broadcast %broadcast_in_dim3A_354 : vector<128x1xi32> to vector<128x512xi32>
    %gt3A_360 = arith.cmpi sgt, %select_n3A, %gt3A_359 : vector<128x512xi32>
    %jit3A_361 = arith.constant 512 : i32
    %broadcast_in_dim3A_362 = vector.broadcast %jit3A_361 : i32 to vector<128x512xi32>
    %select_n3A_363 = arith.select %gt3A_360, %select_n3A, %broadcast_in_dim3A_362 : vector<128x512xi1>, vector<128x512xi32>
    %reduce_min3A_364 = arith.constant dense<2147483647> : vector<128xi32>
    %reduce_min3A_365 = vector.multi_reduction <minsi>, %select_n3A_363, %reduce_min3A_364 [1] : vector<128x512xi32> to vector<128xi32>
    %broadcast_in_dim3A_366 = vector.shape_cast %reduce_min3A_365 : vector<128xi32> to vector<128x1xi32>
    %eq3A_367 = arith.constant 512 : i32
    %eq3A_368 = vector.broadcast %eq3A_367 : i32 to vector<128x1xi32>
    %eq3A_369 = arith.cmpi eq, %broadcast_in_dim3A_366, %eq3A_368 : vector<128x1xi32>
    %select_n3A_370 = arith.select %eq3A_369, %broadcast_in_dim3A_48, %broadcast_in_dim3A_366 : vector<128x1xi1>, vector<128x1xi32>
    %gt3A_371 = vector.broadcast %broadcast_in_dim3A_366 : vector<128x1xi32> to vector<128x512xi32>
    %gt3A_372 = arith.cmpi sgt, %select_n3A, %gt3A_371 : vector<128x512xi32>
    %jit3A_373 = arith.constant 512 : i32
    %broadcast_in_dim3A_374 = vector.broadcast %jit3A_373 : i32 to vector<128x512xi32>
    %select_n3A_375 = arith.select %gt3A_372, %select_n3A, %broadcast_in_dim3A_374 : vector<128x512xi1>, vector<128x512xi32>
    %reduce_min3A_376 = arith.constant dense<2147483647> : vector<128xi32>
    %reduce_min3A_377 = vector.multi_reduction <minsi>, %select_n3A_375, %reduce_min3A_376 [1] : vector<128x512xi32> to vector<128xi32>
    %broadcast_in_dim3A_378 = vector.shape_cast %reduce_min3A_377 : vector<128xi32> to vector<128x1xi32>
    %eq3A_379 = arith.constant 512 : i32
    %eq3A_380 = vector.broadcast %eq3A_379 : i32 to vector<128x1xi32>
    %eq3A_381 = arith.cmpi eq, %broadcast_in_dim3A_378, %eq3A_380 : vector<128x1xi32>
    %select_n3A_382 = arith.select %eq3A_381, %broadcast_in_dim3A_48, %broadcast_in_dim3A_378 : vector<128x1xi1>, vector<128x1xi32>
    %gt3A_383 = vector.broadcast %broadcast_in_dim3A_378 : vector<128x1xi32> to vector<128x512xi32>
    %gt3A_384 = arith.cmpi sgt, %select_n3A, %gt3A_383 : vector<128x512xi32>
    %jit3A_385 = arith.constant 512 : i32
    %broadcast_in_dim3A_386 = vector.broadcast %jit3A_385 : i32 to vector<128x512xi32>
    %select_n3A_387 = arith.select %gt3A_384, %select_n3A, %broadcast_in_dim3A_386 : vector<128x512xi1>, vector<128x512xi32>
    %reduce_min3A_388 = arith.constant dense<2147483647> : vector<128xi32>
    %reduce_min3A_389 = vector.multi_reduction <minsi>, %select_n3A_387, %reduce_min3A_388 [1] : vector<128x512xi32> to vector<128xi32>
    %broadcast_in_dim3A_390 = vector.shape_cast %reduce_min3A_389 : vector<128xi32> to vector<128x1xi32>
    %eq3A_391 = arith.constant 512 : i32
    %eq3A_392 = vector.broadcast %eq3A_391 : i32 to vector<128x1xi32>
    %eq3A_393 = arith.cmpi eq, %broadcast_in_dim3A_390, %eq3A_392 : vector<128x1xi32>
    %select_n3A_394 = arith.select %eq3A_393, %broadcast_in_dim3A_48, %broadcast_in_dim3A_390 : vector<128x1xi1>, vector<128x1xi32>
    %gt3A_395 = vector.broadcast %broadcast_in_dim3A_390 : vector<128x1xi32> to vector<128x512xi32>
    %gt3A_396 = arith.cmpi sgt, %select_n3A, %gt3A_395 : vector<128x512xi32>
    %jit3A_397 = arith.constant 512 : i32
    %broadcast_in_dim3A_398 = vector.broadcast %jit3A_397 : i32 to vector<128x512xi32>
    %select_n3A_399 = arith.select %gt3A_396, %select_n3A, %broadcast_in_dim3A_398 : vector<128x512xi1>, vector<128x512xi32>
    %reduce_min3A_400 = arith.constant dense<2147483647> : vector<128xi32>
    %reduce_min3A_401 = vector.multi_reduction <minsi>, %select_n3A_399, %reduce_min3A_400 [1] : vector<128x512xi32> to vector<128xi32>
    %broadcast_in_dim3A_402 = vector.shape_cast %reduce_min3A_401 : vector<128xi32> to vector<128x1xi32>
    %eq3A_403 = arith.constant 512 : i32
    %eq3A_404 = vector.broadcast %eq3A_403 : i32 to vector<128x1xi32>
    %eq3A_405 = arith.cmpi eq, %broadcast_in_dim3A_402, %eq3A_404 : vector<128x1xi32>
    %select_n3A_406 = arith.select %eq3A_405, %broadcast_in_dim3A_48, %broadcast_in_dim3A_402 : vector<128x1xi1>, vector<128x1xi32>
    %gt3A_407 = vector.broadcast %broadcast_in_dim3A_402 : vector<128x1xi32> to vector<128x512xi32>
    %gt3A_408 = arith.cmpi sgt, %select_n3A, %gt3A_407 : vector<128x512xi32>
    %jit3A_409 = arith.constant 512 : i32
    %broadcast_in_dim3A_410 = vector.broadcast %jit3A_409 : i32 to vector<128x512xi32>
    %select_n3A_411 = arith.select %gt3A_408, %select_n3A, %broadcast_in_dim3A_410 : vector<128x512xi1>, vector<128x512xi32>
    %reduce_min3A_412 = arith.constant dense<2147483647> : vector<128xi32>
    %reduce_min3A_413 = vector.multi_reduction <minsi>, %select_n3A_411, %reduce_min3A_412 [1] : vector<128x512xi32> to vector<128xi32>
    %broadcast_in_dim3A_414 = vector.shape_cast %reduce_min3A_413 : vector<128xi32> to vector<128x1xi32>
    %eq3A_415 = arith.constant 512 : i32
    %eq3A_416 = vector.broadcast %eq3A_415 : i32 to vector<128x1xi32>
    %eq3A_417 = arith.cmpi eq, %broadcast_in_dim3A_414, %eq3A_416 : vector<128x1xi32>
    %select_n3A_418 = arith.select %eq3A_417, %broadcast_in_dim3A_48, %broadcast_in_dim3A_414 : vector<128x1xi1>, vector<128x1xi32>
    %gt3A_419 = vector.broadcast %broadcast_in_dim3A_414 : vector<128x1xi32> to vector<128x512xi32>
    %gt3A_420 = arith.cmpi sgt, %select_n3A, %gt3A_419 : vector<128x512xi32>
    %jit3A_421 = arith.constant 512 : i32
    %broadcast_in_dim3A_422 = vector.broadcast %jit3A_421 : i32 to vector<128x512xi32>
    %select_n3A_423 = arith.select %gt3A_420, %select_n3A, %broadcast_in_dim3A_422 : vector<128x512xi1>, vector<128x512xi32>
    %reduce_min3A_424 = arith.constant dense<2147483647> : vector<128xi32>
    %reduce_min3A_425 = vector.multi_reduction <minsi>, %select_n3A_423, %reduce_min3A_424 [1] : vector<128x512xi32> to vector<128xi32>
    %broadcast_in_dim3A_426 = vector.shape_cast %reduce_min3A_425 : vector<128xi32> to vector<128x1xi32>
    %eq3A_427 = arith.constant 512 : i32
    %eq3A_428 = vector.broadcast %eq3A_427 : i32 to vector<128x1xi32>
    %eq3A_429 = arith.cmpi eq, %broadcast_in_dim3A_426, %eq3A_428 : vector<128x1xi32>
    %select_n3A_430 = arith.select %eq3A_429, %broadcast_in_dim3A_48, %broadcast_in_dim3A_426 : vector<128x1xi1>, vector<128x1xi32>
    %gt3A_431 = vector.broadcast %broadcast_in_dim3A_426 : vector<128x1xi32> to vector<128x512xi32>
    %gt3A_432 = arith.cmpi sgt, %select_n3A, %gt3A_431 : vector<128x512xi32>
    %jit3A_433 = arith.constant 512 : i32
    %broadcast_in_dim3A_434 = vector.broadcast %jit3A_433 : i32 to vector<128x512xi32>
    %select_n3A_435 = arith.select %gt3A_432, %select_n3A, %broadcast_in_dim3A_434 : vector<128x512xi1>, vector<128x512xi32>
    %reduce_min3A_436 = arith.constant dense<2147483647> : vector<128xi32>
    %reduce_min3A_437 = vector.multi_reduction <minsi>, %select_n3A_435, %reduce_min3A_436 [1] : vector<128x512xi32> to vector<128xi32>
    %broadcast_in_dim3A_438 = vector.shape_cast %reduce_min3A_437 : vector<128xi32> to vector<128x1xi32>
    %eq3A_439 = arith.constant 512 : i32
    %eq3A_440 = vector.broadcast %eq3A_439 : i32 to vector<128x1xi32>
    %eq3A_441 = arith.cmpi eq, %broadcast_in_dim3A_438, %eq3A_440 : vector<128x1xi32>
    %select_n3A_442 = arith.select %eq3A_441, %broadcast_in_dim3A_48, %broadcast_in_dim3A_438 : vector<128x1xi1>, vector<128x1xi32>
    %gt3A_443 = vector.broadcast %broadcast_in_dim3A_438 : vector<128x1xi32> to vector<128x512xi32>
    %gt3A_444 = arith.cmpi sgt, %select_n3A, %gt3A_443 : vector<128x512xi32>
    %jit3A_445 = arith.constant 512 : i32
    %broadcast_in_dim3A_446 = vector.broadcast %jit3A_445 : i32 to vector<128x512xi32>
    %select_n3A_447 = arith.select %gt3A_444, %select_n3A, %broadcast_in_dim3A_446 : vector<128x512xi1>, vector<128x512xi32>
    %reduce_min3A_448 = arith.constant dense<2147483647> : vector<128xi32>
    %reduce_min3A_449 = vector.multi_reduction <minsi>, %select_n3A_447, %reduce_min3A_448 [1] : vector<128x512xi32> to vector<128xi32>
    %broadcast_in_dim3A_450 = vector.shape_cast %reduce_min3A_449 : vector<128xi32> to vector<128x1xi32>
    %eq3A_451 = arith.constant 512 : i32
    %eq3A_452 = vector.broadcast %eq3A_451 : i32 to vector<128x1xi32>
    %eq3A_453 = arith.cmpi eq, %broadcast_in_dim3A_450, %eq3A_452 : vector<128x1xi32>
    %select_n3A_454 = arith.select %eq3A_453, %broadcast_in_dim3A_48, %broadcast_in_dim3A_450 : vector<128x1xi1>, vector<128x1xi32>
    %gt3A_455 = vector.broadcast %broadcast_in_dim3A_450 : vector<128x1xi32> to vector<128x512xi32>
    %gt3A_456 = arith.cmpi sgt, %select_n3A, %gt3A_455 : vector<128x512xi32>
    %jit3A_457 = arith.constant 512 : i32
    %broadcast_in_dim3A_458 = vector.broadcast %jit3A_457 : i32 to vector<128x512xi32>
    %select_n3A_459 = arith.select %gt3A_456, %select_n3A, %broadcast_in_dim3A_458 : vector<128x512xi1>, vector<128x512xi32>
    %reduce_min3A_460 = arith.constant dense<2147483647> : vector<128xi32>
    %reduce_min3A_461 = vector.multi_reduction <minsi>, %select_n3A_459, %reduce_min3A_460 [1] : vector<128x512xi32> to vector<128xi32>
    %broadcast_in_dim3A_462 = vector.shape_cast %reduce_min3A_461 : vector<128xi32> to vector<128x1xi32>
    %eq3A_463 = arith.constant 512 : i32
    %eq3A_464 = vector.broadcast %eq3A_463 : i32 to vector<128x1xi32>
    %eq3A_465 = arith.cmpi eq, %broadcast_in_dim3A_462, %eq3A_464 : vector<128x1xi32>
    %select_n3A_466 = arith.select %eq3A_465, %broadcast_in_dim3A_48, %broadcast_in_dim3A_462 : vector<128x1xi1>, vector<128x1xi32>
    %gt3A_467 = vector.broadcast %broadcast_in_dim3A_462 : vector<128x1xi32> to vector<128x512xi32>
    %gt3A_468 = arith.cmpi sgt, %select_n3A, %gt3A_467 : vector<128x512xi32>
    %jit3A_469 = arith.constant 512 : i32
    %broadcast_in_dim3A_470 = vector.broadcast %jit3A_469 : i32 to vector<128x512xi32>
    %select_n3A_471 = arith.select %gt3A_468, %select_n3A, %broadcast_in_dim3A_470 : vector<128x512xi1>, vector<128x512xi32>
    %reduce_min3A_472 = arith.constant dense<2147483647> : vector<128xi32>
    %reduce_min3A_473 = vector.multi_reduction <minsi>, %select_n3A_471, %reduce_min3A_472 [1] : vector<128x512xi32> to vector<128xi32>
    %broadcast_in_dim3A_474 = vector.shape_cast %reduce_min3A_473 : vector<128xi32> to vector<128x1xi32>
    %eq3A_475 = arith.constant 512 : i32
    %eq3A_476 = vector.broadcast %eq3A_475 : i32 to vector<128x1xi32>
    %eq3A_477 = arith.cmpi eq, %broadcast_in_dim3A_474, %eq3A_476 : vector<128x1xi32>
    %select_n3A_478 = arith.select %eq3A_477, %broadcast_in_dim3A_48, %broadcast_in_dim3A_474 : vector<128x1xi1>, vector<128x1xi32>
    %gt3A_479 = vector.broadcast %broadcast_in_dim3A_474 : vector<128x1xi32> to vector<128x512xi32>
    %gt3A_480 = arith.cmpi sgt, %select_n3A, %gt3A_479 : vector<128x512xi32>
    %jit3A_481 = arith.constant 512 : i32
    %broadcast_in_dim3A_482 = vector.broadcast %jit3A_481 : i32 to vector<128x512xi32>
    %select_n3A_483 = arith.select %gt3A_480, %select_n3A, %broadcast_in_dim3A_482 : vector<128x512xi1>, vector<128x512xi32>
    %reduce_min3A_484 = arith.constant dense<2147483647> : vector<128xi32>
    %reduce_min3A_485 = vector.multi_reduction <minsi>, %select_n3A_483, %reduce_min3A_484 [1] : vector<128x512xi32> to vector<128xi32>
    %broadcast_in_dim3A_486 = vector.shape_cast %reduce_min3A_485 : vector<128xi32> to vector<128x1xi32>
    %eq3A_487 = arith.constant 512 : i32
    %eq3A_488 = vector.broadcast %eq3A_487 : i32 to vector<128x1xi32>
    %eq3A_489 = arith.cmpi eq, %broadcast_in_dim3A_486, %eq3A_488 : vector<128x1xi32>
    %select_n3A_490 = arith.select %eq3A_489, %broadcast_in_dim3A_48, %broadcast_in_dim3A_486 : vector<128x1xi1>, vector<128x1xi32>
    %gt3A_491 = vector.broadcast %broadcast_in_dim3A_486 : vector<128x1xi32> to vector<128x512xi32>
    %gt3A_492 = arith.cmpi sgt, %select_n3A, %gt3A_491 : vector<128x512xi32>
    %jit3A_493 = arith.constant 512 : i32
    %broadcast_in_dim3A_494 = vector.broadcast %jit3A_493 : i32 to vector<128x512xi32>
    %select_n3A_495 = arith.select %gt3A_492, %select_n3A, %broadcast_in_dim3A_494 : vector<128x512xi1>, vector<128x512xi32>
    %reduce_min3A_496 = arith.constant dense<2147483647> : vector<128xi32>
    %reduce_min3A_497 = vector.multi_reduction <minsi>, %select_n3A_495, %reduce_min3A_496 [1] : vector<128x512xi32> to vector<128xi32>
    %broadcast_in_dim3A_498 = vector.shape_cast %reduce_min3A_497 : vector<128xi32> to vector<128x1xi32>
    %eq3A_499 = arith.constant 512 : i32
    %eq3A_500 = vector.broadcast %eq3A_499 : i32 to vector<128x1xi32>
    %eq3A_501 = arith.cmpi eq, %broadcast_in_dim3A_498, %eq3A_500 : vector<128x1xi32>
    %select_n3A_502 = arith.select %eq3A_501, %broadcast_in_dim3A_48, %broadcast_in_dim3A_498 : vector<128x1xi1>, vector<128x1xi32>
    %gt3A_503 = vector.broadcast %broadcast_in_dim3A_498 : vector<128x1xi32> to vector<128x512xi32>
    %gt3A_504 = arith.cmpi sgt, %select_n3A, %gt3A_503 : vector<128x512xi32>
    %jit3A_505 = arith.constant 512 : i32
    %broadcast_in_dim3A_506 = vector.broadcast %jit3A_505 : i32 to vector<128x512xi32>
    %select_n3A_507 = arith.select %gt3A_504, %select_n3A, %broadcast_in_dim3A_506 : vector<128x512xi1>, vector<128x512xi32>
    %reduce_min3A_508 = arith.constant dense<2147483647> : vector<128xi32>
    %reduce_min3A_509 = vector.multi_reduction <minsi>, %select_n3A_507, %reduce_min3A_508 [1] : vector<128x512xi32> to vector<128xi32>
    %broadcast_in_dim3A_510 = vector.shape_cast %reduce_min3A_509 : vector<128xi32> to vector<128x1xi32>
    %eq3A_511 = arith.constant 512 : i32
    %eq3A_512 = vector.broadcast %eq3A_511 : i32 to vector<128x1xi32>
    %eq3A_513 = arith.cmpi eq, %broadcast_in_dim3A_510, %eq3A_512 : vector<128x1xi32>
    %select_n3A_514 = arith.select %eq3A_513, %broadcast_in_dim3A_48, %broadcast_in_dim3A_510 : vector<128x1xi1>, vector<128x1xi32>
    %gt3A_515 = vector.broadcast %broadcast_in_dim3A_510 : vector<128x1xi32> to vector<128x512xi32>
    %gt3A_516 = arith.cmpi sgt, %select_n3A, %gt3A_515 : vector<128x512xi32>
    %jit3A_517 = arith.constant 512 : i32
    %broadcast_in_dim3A_518 = vector.broadcast %jit3A_517 : i32 to vector<128x512xi32>
    %select_n3A_519 = arith.select %gt3A_516, %select_n3A, %broadcast_in_dim3A_518 : vector<128x512xi1>, vector<128x512xi32>
    %reduce_min3A_520 = arith.constant dense<2147483647> : vector<128xi32>
    %reduce_min3A_521 = vector.multi_reduction <minsi>, %select_n3A_519, %reduce_min3A_520 [1] : vector<128x512xi32> to vector<128xi32>
    %broadcast_in_dim3A_522 = vector.shape_cast %reduce_min3A_521 : vector<128xi32> to vector<128x1xi32>
    %eq3A_523 = arith.constant 512 : i32
    %eq3A_524 = vector.broadcast %eq3A_523 : i32 to vector<128x1xi32>
    %eq3A_525 = arith.cmpi eq, %broadcast_in_dim3A_522, %eq3A_524 : vector<128x1xi32>
    %select_n3A_526 = arith.select %eq3A_525, %broadcast_in_dim3A_48, %broadcast_in_dim3A_522 : vector<128x1xi1>, vector<128x1xi32>
    %gt3A_527 = vector.broadcast %broadcast_in_dim3A_522 : vector<128x1xi32> to vector<128x512xi32>
    %gt3A_528 = arith.cmpi sgt, %select_n3A, %gt3A_527 : vector<128x512xi32>
    %jit3A_529 = arith.constant 512 : i32
    %broadcast_in_dim3A_530 = vector.broadcast %jit3A_529 : i32 to vector<128x512xi32>
    %select_n3A_531 = arith.select %gt3A_528, %select_n3A, %broadcast_in_dim3A_530 : vector<128x512xi1>, vector<128x512xi32>
    %reduce_min3A_532 = arith.constant dense<2147483647> : vector<128xi32>
    %reduce_min3A_533 = vector.multi_reduction <minsi>, %select_n3A_531, %reduce_min3A_532 [1] : vector<128x512xi32> to vector<128xi32>
    %broadcast_in_dim3A_534 = vector.shape_cast %reduce_min3A_533 : vector<128xi32> to vector<128x1xi32>
    %eq3A_535 = arith.constant 512 : i32
    %eq3A_536 = vector.broadcast %eq3A_535 : i32 to vector<128x1xi32>
    %eq3A_537 = arith.cmpi eq, %broadcast_in_dim3A_534, %eq3A_536 : vector<128x1xi32>
    %select_n3A_538 = arith.select %eq3A_537, %broadcast_in_dim3A_48, %broadcast_in_dim3A_534 : vector<128x1xi1>, vector<128x1xi32>
    %gt3A_539 = vector.broadcast %broadcast_in_dim3A_534 : vector<128x1xi32> to vector<128x512xi32>
    %gt3A_540 = arith.cmpi sgt, %select_n3A, %gt3A_539 : vector<128x512xi32>
    %jit3A_541 = arith.constant 512 : i32
    %broadcast_in_dim3A_542 = vector.broadcast %jit3A_541 : i32 to vector<128x512xi32>
    %select_n3A_543 = arith.select %gt3A_540, %select_n3A, %broadcast_in_dim3A_542 : vector<128x512xi1>, vector<128x512xi32>
    %reduce_min3A_544 = arith.constant dense<2147483647> : vector<128xi32>
    %reduce_min3A_545 = vector.multi_reduction <minsi>, %select_n3A_543, %reduce_min3A_544 [1] : vector<128x512xi32> to vector<128xi32>
    %broadcast_in_dim3A_546 = vector.shape_cast %reduce_min3A_545 : vector<128xi32> to vector<128x1xi32>
    %eq3A_547 = arith.constant 512 : i32
    %eq3A_548 = vector.broadcast %eq3A_547 : i32 to vector<128x1xi32>
    %eq3A_549 = arith.cmpi eq, %broadcast_in_dim3A_546, %eq3A_548 : vector<128x1xi32>
    %select_n3A_550 = arith.select %eq3A_549, %broadcast_in_dim3A_48, %broadcast_in_dim3A_546 : vector<128x1xi1>, vector<128x1xi32>
    %gt3A_551 = vector.broadcast %broadcast_in_dim3A_546 : vector<128x1xi32> to vector<128x512xi32>
    %gt3A_552 = arith.cmpi sgt, %select_n3A, %gt3A_551 : vector<128x512xi32>
    %jit3A_553 = arith.constant 512 : i32
    %broadcast_in_dim3A_554 = vector.broadcast %jit3A_553 : i32 to vector<128x512xi32>
    %select_n3A_555 = arith.select %gt3A_552, %select_n3A, %broadcast_in_dim3A_554 : vector<128x512xi1>, vector<128x512xi32>
    %reduce_min3A_556 = arith.constant dense<2147483647> : vector<128xi32>
    %reduce_min3A_557 = vector.multi_reduction <minsi>, %select_n3A_555, %reduce_min3A_556 [1] : vector<128x512xi32> to vector<128xi32>
    %broadcast_in_dim3A_558 = vector.shape_cast %reduce_min3A_557 : vector<128xi32> to vector<128x1xi32>
    %eq3A_559 = arith.constant 512 : i32
    %eq3A_560 = vector.broadcast %eq3A_559 : i32 to vector<128x1xi32>
    %eq3A_561 = arith.cmpi eq, %broadcast_in_dim3A_558, %eq3A_560 : vector<128x1xi32>
    %select_n3A_562 = arith.select %eq3A_561, %broadcast_in_dim3A_48, %broadcast_in_dim3A_558 : vector<128x1xi1>, vector<128x1xi32>
    %gt3A_563 = vector.broadcast %broadcast_in_dim3A_558 : vector<128x1xi32> to vector<128x512xi32>
    %gt3A_564 = arith.cmpi sgt, %select_n3A, %gt3A_563 : vector<128x512xi32>
    %jit3A_565 = arith.constant 512 : i32
    %broadcast_in_dim3A_566 = vector.broadcast %jit3A_565 : i32 to vector<128x512xi32>
    %select_n3A_567 = arith.select %gt3A_564, %select_n3A, %broadcast_in_dim3A_566 : vector<128x512xi1>, vector<128x512xi32>
    %reduce_min3A_568 = arith.constant dense<2147483647> : vector<128xi32>
    %reduce_min3A_569 = vector.multi_reduction <minsi>, %select_n3A_567, %reduce_min3A_568 [1] : vector<128x512xi32> to vector<128xi32>
    %broadcast_in_dim3A_570 = vector.shape_cast %reduce_min3A_569 : vector<128xi32> to vector<128x1xi32>
    %eq3A_571 = arith.constant 512 : i32
    %eq3A_572 = vector.broadcast %eq3A_571 : i32 to vector<128x1xi32>
    %eq3A_573 = arith.cmpi eq, %broadcast_in_dim3A_570, %eq3A_572 : vector<128x1xi32>
    %select_n3A_574 = arith.select %eq3A_573, %broadcast_in_dim3A_48, %broadcast_in_dim3A_570 : vector<128x1xi1>, vector<128x1xi32>
    %gt3A_575 = vector.broadcast %broadcast_in_dim3A_570 : vector<128x1xi32> to vector<128x512xi32>
    %gt3A_576 = arith.cmpi sgt, %select_n3A, %gt3A_575 : vector<128x512xi32>
    %jit3A_577 = arith.constant 512 : i32
    %broadcast_in_dim3A_578 = vector.broadcast %jit3A_577 : i32 to vector<128x512xi32>
    %select_n3A_579 = arith.select %gt3A_576, %select_n3A, %broadcast_in_dim3A_578 : vector<128x512xi1>, vector<128x512xi32>
    %reduce_min3A_580 = arith.constant dense<2147483647> : vector<128xi32>
    %reduce_min3A_581 = vector.multi_reduction <minsi>, %select_n3A_579, %reduce_min3A_580 [1] : vector<128x512xi32> to vector<128xi32>
    %broadcast_in_dim3A_582 = vector.shape_cast %reduce_min3A_581 : vector<128xi32> to vector<128x1xi32>
    %eq3A_583 = arith.constant 512 : i32
    %eq3A_584 = vector.broadcast %eq3A_583 : i32 to vector<128x1xi32>
    %eq3A_585 = arith.cmpi eq, %broadcast_in_dim3A_582, %eq3A_584 : vector<128x1xi32>
    %select_n3A_586 = arith.select %eq3A_585, %broadcast_in_dim3A_48, %broadcast_in_dim3A_582 : vector<128x1xi1>, vector<128x1xi32>
    %gt3A_587 = vector.broadcast %broadcast_in_dim3A_582 : vector<128x1xi32> to vector<128x512xi32>
    %gt3A_588 = arith.cmpi sgt, %select_n3A, %gt3A_587 : vector<128x512xi32>
    %jit3A_589 = arith.constant 512 : i32
    %broadcast_in_dim3A_590 = vector.broadcast %jit3A_589 : i32 to vector<128x512xi32>
    %select_n3A_591 = arith.select %gt3A_588, %select_n3A, %broadcast_in_dim3A_590 : vector<128x512xi1>, vector<128x512xi32>
    %reduce_min3A_592 = arith.constant dense<2147483647> : vector<128xi32>
    %reduce_min3A_593 = vector.multi_reduction <minsi>, %select_n3A_591, %reduce_min3A_592 [1] : vector<128x512xi32> to vector<128xi32>
    %broadcast_in_dim3A_594 = vector.shape_cast %reduce_min3A_593 : vector<128xi32> to vector<128x1xi32>
    %eq3A_595 = arith.constant 512 : i32
    %eq3A_596 = vector.broadcast %eq3A_595 : i32 to vector<128x1xi32>
    %eq3A_597 = arith.cmpi eq, %broadcast_in_dim3A_594, %eq3A_596 : vector<128x1xi32>
    %select_n3A_598 = arith.select %eq3A_597, %broadcast_in_dim3A_48, %broadcast_in_dim3A_594 : vector<128x1xi1>, vector<128x1xi32>
    %gt3A_599 = vector.broadcast %broadcast_in_dim3A_594 : vector<128x1xi32> to vector<128x512xi32>
    %gt3A_600 = arith.cmpi sgt, %select_n3A, %gt3A_599 : vector<128x512xi32>
    %jit3A_601 = arith.constant 512 : i32
    %broadcast_in_dim3A_602 = vector.broadcast %jit3A_601 : i32 to vector<128x512xi32>
    %select_n3A_603 = arith.select %gt3A_600, %select_n3A, %broadcast_in_dim3A_602 : vector<128x512xi1>, vector<128x512xi32>
    %reduce_min3A_604 = arith.constant dense<2147483647> : vector<128xi32>
    %reduce_min3A_605 = vector.multi_reduction <minsi>, %select_n3A_603, %reduce_min3A_604 [1] : vector<128x512xi32> to vector<128xi32>
    %broadcast_in_dim3A_606 = vector.shape_cast %reduce_min3A_605 : vector<128xi32> to vector<128x1xi32>
    %eq3A_607 = arith.constant 512 : i32
    %eq3A_608 = vector.broadcast %eq3A_607 : i32 to vector<128x1xi32>
    %eq3A_609 = arith.cmpi eq, %broadcast_in_dim3A_606, %eq3A_608 : vector<128x1xi32>
    %select_n3A_610 = arith.select %eq3A_609, %broadcast_in_dim3A_48, %broadcast_in_dim3A_606 : vector<128x1xi1>, vector<128x1xi32>
    %gt3A_611 = vector.broadcast %broadcast_in_dim3A_606 : vector<128x1xi32> to vector<128x512xi32>
    %gt3A_612 = arith.cmpi sgt, %select_n3A, %gt3A_611 : vector<128x512xi32>
    %jit3A_613 = arith.constant 512 : i32
    %broadcast_in_dim3A_614 = vector.broadcast %jit3A_613 : i32 to vector<128x512xi32>
    %select_n3A_615 = arith.select %gt3A_612, %select_n3A, %broadcast_in_dim3A_614 : vector<128x512xi1>, vector<128x512xi32>
    %reduce_min3A_616 = arith.constant dense<2147483647> : vector<128xi32>
    %reduce_min3A_617 = vector.multi_reduction <minsi>, %select_n3A_615, %reduce_min3A_616 [1] : vector<128x512xi32> to vector<128xi32>
    %broadcast_in_dim3A_618 = vector.shape_cast %reduce_min3A_617 : vector<128xi32> to vector<128x1xi32>
    %eq3A_619 = arith.constant 512 : i32
    %eq3A_620 = vector.broadcast %eq3A_619 : i32 to vector<128x1xi32>
    %eq3A_621 = arith.cmpi eq, %broadcast_in_dim3A_618, %eq3A_620 : vector<128x1xi32>
    %select_n3A_622 = arith.select %eq3A_621, %broadcast_in_dim3A_48, %broadcast_in_dim3A_618 : vector<128x1xi1>, vector<128x1xi32>
    %gt3A_623 = vector.broadcast %broadcast_in_dim3A_618 : vector<128x1xi32> to vector<128x512xi32>
    %gt3A_624 = arith.cmpi sgt, %select_n3A, %gt3A_623 : vector<128x512xi32>
    %jit3A_625 = arith.constant 512 : i32
    %broadcast_in_dim3A_626 = vector.broadcast %jit3A_625 : i32 to vector<128x512xi32>
    %select_n3A_627 = arith.select %gt3A_624, %select_n3A, %broadcast_in_dim3A_626 : vector<128x512xi1>, vector<128x512xi32>
    %reduce_min3A_628 = arith.constant dense<2147483647> : vector<128xi32>
    %reduce_min3A_629 = vector.multi_reduction <minsi>, %select_n3A_627, %reduce_min3A_628 [1] : vector<128x512xi32> to vector<128xi32>
    %broadcast_in_dim3A_630 = vector.shape_cast %reduce_min3A_629 : vector<128xi32> to vector<128x1xi32>
    %eq3A_631 = arith.constant 512 : i32
    %eq3A_632 = vector.broadcast %eq3A_631 : i32 to vector<128x1xi32>
    %eq3A_633 = arith.cmpi eq, %broadcast_in_dim3A_630, %eq3A_632 : vector<128x1xi32>
    %select_n3A_634 = arith.select %eq3A_633, %broadcast_in_dim3A_48, %broadcast_in_dim3A_630 : vector<128x1xi1>, vector<128x1xi32>
    %gt3A_635 = vector.broadcast %broadcast_in_dim3A_630 : vector<128x1xi32> to vector<128x512xi32>
    %gt3A_636 = arith.cmpi sgt, %select_n3A, %gt3A_635 : vector<128x512xi32>
    %jit3A_637 = arith.constant 512 : i32
    %broadcast_in_dim3A_638 = vector.broadcast %jit3A_637 : i32 to vector<128x512xi32>
    %select_n3A_639 = arith.select %gt3A_636, %select_n3A, %broadcast_in_dim3A_638 : vector<128x512xi1>, vector<128x512xi32>
    %reduce_min3A_640 = arith.constant dense<2147483647> : vector<128xi32>
    %reduce_min3A_641 = vector.multi_reduction <minsi>, %select_n3A_639, %reduce_min3A_640 [1] : vector<128x512xi32> to vector<128xi32>
    %broadcast_in_dim3A_642 = vector.shape_cast %reduce_min3A_641 : vector<128xi32> to vector<128x1xi32>
    %eq3A_643 = arith.constant 512 : i32
    %eq3A_644 = vector.broadcast %eq3A_643 : i32 to vector<128x1xi32>
    %eq3A_645 = arith.cmpi eq, %broadcast_in_dim3A_642, %eq3A_644 : vector<128x1xi32>
    %select_n3A_646 = arith.select %eq3A_645, %broadcast_in_dim3A_48, %broadcast_in_dim3A_642 : vector<128x1xi1>, vector<128x1xi32>
    %gt3A_647 = vector.broadcast %broadcast_in_dim3A_642 : vector<128x1xi32> to vector<128x512xi32>
    %gt3A_648 = arith.cmpi sgt, %select_n3A, %gt3A_647 : vector<128x512xi32>
    %jit3A_649 = arith.constant 512 : i32
    %broadcast_in_dim3A_650 = vector.broadcast %jit3A_649 : i32 to vector<128x512xi32>
    %select_n3A_651 = arith.select %gt3A_648, %select_n3A, %broadcast_in_dim3A_650 : vector<128x512xi1>, vector<128x512xi32>
    %reduce_min3A_652 = arith.constant dense<2147483647> : vector<128xi32>
    %reduce_min3A_653 = vector.multi_reduction <minsi>, %select_n3A_651, %reduce_min3A_652 [1] : vector<128x512xi32> to vector<128xi32>
    %broadcast_in_dim3A_654 = vector.shape_cast %reduce_min3A_653 : vector<128xi32> to vector<128x1xi32>
    %eq3A_655 = arith.constant 512 : i32
    %eq3A_656 = vector.broadcast %eq3A_655 : i32 to vector<128x1xi32>
    %eq3A_657 = arith.cmpi eq, %broadcast_in_dim3A_654, %eq3A_656 : vector<128x1xi32>
    %select_n3A_658 = arith.select %eq3A_657, %broadcast_in_dim3A_48, %broadcast_in_dim3A_654 : vector<128x1xi1>, vector<128x1xi32>
    %gt3A_659 = vector.broadcast %broadcast_in_dim3A_654 : vector<128x1xi32> to vector<128x512xi32>
    %gt3A_660 = arith.cmpi sgt, %select_n3A, %gt3A_659 : vector<128x512xi32>
    %jit3A_661 = arith.constant 512 : i32
    %broadcast_in_dim3A_662 = vector.broadcast %jit3A_661 : i32 to vector<128x512xi32>
    %select_n3A_663 = arith.select %gt3A_660, %select_n3A, %broadcast_in_dim3A_662 : vector<128x512xi1>, vector<128x512xi32>
    %reduce_min3A_664 = arith.constant dense<2147483647> : vector<128xi32>
    %reduce_min3A_665 = vector.multi_reduction <minsi>, %select_n3A_663, %reduce_min3A_664 [1] : vector<128x512xi32> to vector<128xi32>
    %broadcast_in_dim3A_666 = vector.shape_cast %reduce_min3A_665 : vector<128xi32> to vector<128x1xi32>
    %eq3A_667 = arith.constant 512 : i32
    %eq3A_668 = vector.broadcast %eq3A_667 : i32 to vector<128x1xi32>
    %eq3A_669 = arith.cmpi eq, %broadcast_in_dim3A_666, %eq3A_668 : vector<128x1xi32>
    %select_n3A_670 = arith.select %eq3A_669, %broadcast_in_dim3A_48, %broadcast_in_dim3A_666 : vector<128x1xi1>, vector<128x1xi32>
    %gt3A_671 = vector.broadcast %broadcast_in_dim3A_666 : vector<128x1xi32> to vector<128x512xi32>
    %gt3A_672 = arith.cmpi sgt, %select_n3A, %gt3A_671 : vector<128x512xi32>
    %jit3A_673 = arith.constant 512 : i32
    %broadcast_in_dim3A_674 = vector.broadcast %jit3A_673 : i32 to vector<128x512xi32>
    %select_n3A_675 = arith.select %gt3A_672, %select_n3A, %broadcast_in_dim3A_674 : vector<128x512xi1>, vector<128x512xi32>
    %reduce_min3A_676 = arith.constant dense<2147483647> : vector<128xi32>
    %reduce_min3A_677 = vector.multi_reduction <minsi>, %select_n3A_675, %reduce_min3A_676 [1] : vector<128x512xi32> to vector<128xi32>
    %broadcast_in_dim3A_678 = vector.shape_cast %reduce_min3A_677 : vector<128xi32> to vector<128x1xi32>
    %eq3A_679 = arith.constant 512 : i32
    %eq3A_680 = vector.broadcast %eq3A_679 : i32 to vector<128x1xi32>
    %eq3A_681 = arith.cmpi eq, %broadcast_in_dim3A_678, %eq3A_680 : vector<128x1xi32>
    %select_n3A_682 = arith.select %eq3A_681, %broadcast_in_dim3A_48, %broadcast_in_dim3A_678 : vector<128x1xi1>, vector<128x1xi32>
    %gt3A_683 = vector.broadcast %broadcast_in_dim3A_678 : vector<128x1xi32> to vector<128x512xi32>
    %gt3A_684 = arith.cmpi sgt, %select_n3A, %gt3A_683 : vector<128x512xi32>
    %jit3A_685 = arith.constant 512 : i32
    %broadcast_in_dim3A_686 = vector.broadcast %jit3A_685 : i32 to vector<128x512xi32>
    %select_n3A_687 = arith.select %gt3A_684, %select_n3A, %broadcast_in_dim3A_686 : vector<128x512xi1>, vector<128x512xi32>
    %reduce_min3A_688 = arith.constant dense<2147483647> : vector<128xi32>
    %reduce_min3A_689 = vector.multi_reduction <minsi>, %select_n3A_687, %reduce_min3A_688 [1] : vector<128x512xi32> to vector<128xi32>
    %broadcast_in_dim3A_690 = vector.shape_cast %reduce_min3A_689 : vector<128xi32> to vector<128x1xi32>
    %eq3A_691 = arith.constant 512 : i32
    %eq3A_692 = vector.broadcast %eq3A_691 : i32 to vector<128x1xi32>
    %eq3A_693 = arith.cmpi eq, %broadcast_in_dim3A_690, %eq3A_692 : vector<128x1xi32>
    %select_n3A_694 = arith.select %eq3A_693, %broadcast_in_dim3A_48, %broadcast_in_dim3A_690 : vector<128x1xi1>, vector<128x1xi32>
    %gt3A_695 = vector.broadcast %broadcast_in_dim3A_690 : vector<128x1xi32> to vector<128x512xi32>
    %gt3A_696 = arith.cmpi sgt, %select_n3A, %gt3A_695 : vector<128x512xi32>
    %jit3A_697 = arith.constant 512 : i32
    %broadcast_in_dim3A_698 = vector.broadcast %jit3A_697 : i32 to vector<128x512xi32>
    %select_n3A_699 = arith.select %gt3A_696, %select_n3A, %broadcast_in_dim3A_698 : vector<128x512xi1>, vector<128x512xi32>
    %reduce_min3A_700 = arith.constant dense<2147483647> : vector<128xi32>
    %reduce_min3A_701 = vector.multi_reduction <minsi>, %select_n3A_699, %reduce_min3A_700 [1] : vector<128x512xi32> to vector<128xi32>
    %broadcast_in_dim3A_702 = vector.shape_cast %reduce_min3A_701 : vector<128xi32> to vector<128x1xi32>
    %eq3A_703 = arith.constant 512 : i32
    %eq3A_704 = vector.broadcast %eq3A_703 : i32 to vector<128x1xi32>
    %eq3A_705 = arith.cmpi eq, %broadcast_in_dim3A_702, %eq3A_704 : vector<128x1xi32>
    %select_n3A_706 = arith.select %eq3A_705, %broadcast_in_dim3A_48, %broadcast_in_dim3A_702 : vector<128x1xi1>, vector<128x1xi32>
    %gt3A_707 = vector.broadcast %broadcast_in_dim3A_702 : vector<128x1xi32> to vector<128x512xi32>
    %gt3A_708 = arith.cmpi sgt, %select_n3A, %gt3A_707 : vector<128x512xi32>
    %jit3A_709 = arith.constant 512 : i32
    %broadcast_in_dim3A_710 = vector.broadcast %jit3A_709 : i32 to vector<128x512xi32>
    %select_n3A_711 = arith.select %gt3A_708, %select_n3A, %broadcast_in_dim3A_710 : vector<128x512xi1>, vector<128x512xi32>
    %reduce_min3A_712 = arith.constant dense<2147483647> : vector<128xi32>
    %reduce_min3A_713 = vector.multi_reduction <minsi>, %select_n3A_711, %reduce_min3A_712 [1] : vector<128x512xi32> to vector<128xi32>
    %broadcast_in_dim3A_714 = vector.shape_cast %reduce_min3A_713 : vector<128xi32> to vector<128x1xi32>
    %eq3A_715 = arith.constant 512 : i32
    %eq3A_716 = vector.broadcast %eq3A_715 : i32 to vector<128x1xi32>
    %eq3A_717 = arith.cmpi eq, %broadcast_in_dim3A_714, %eq3A_716 : vector<128x1xi32>
    %select_n3A_718 = arith.select %eq3A_717, %broadcast_in_dim3A_48, %broadcast_in_dim3A_714 : vector<128x1xi1>, vector<128x1xi32>
    %gt3A_719 = vector.broadcast %broadcast_in_dim3A_714 : vector<128x1xi32> to vector<128x512xi32>
    %gt3A_720 = arith.cmpi sgt, %select_n3A, %gt3A_719 : vector<128x512xi32>
    %jit3A_721 = arith.constant 512 : i32
    %broadcast_in_dim3A_722 = vector.broadcast %jit3A_721 : i32 to vector<128x512xi32>
    %select_n3A_723 = arith.select %gt3A_720, %select_n3A, %broadcast_in_dim3A_722 : vector<128x512xi1>, vector<128x512xi32>
    %reduce_min3A_724 = arith.constant dense<2147483647> : vector<128xi32>
    %reduce_min3A_725 = vector.multi_reduction <minsi>, %select_n3A_723, %reduce_min3A_724 [1] : vector<128x512xi32> to vector<128xi32>
    %broadcast_in_dim3A_726 = vector.shape_cast %reduce_min3A_725 : vector<128xi32> to vector<128x1xi32>
    %eq3A_727 = arith.constant 512 : i32
    %eq3A_728 = vector.broadcast %eq3A_727 : i32 to vector<128x1xi32>
    %eq3A_729 = arith.cmpi eq, %broadcast_in_dim3A_726, %eq3A_728 : vector<128x1xi32>
    %select_n3A_730 = arith.select %eq3A_729, %broadcast_in_dim3A_48, %broadcast_in_dim3A_726 : vector<128x1xi1>, vector<128x1xi32>
    %gt3A_731 = vector.broadcast %broadcast_in_dim3A_726 : vector<128x1xi32> to vector<128x512xi32>
    %gt3A_732 = arith.cmpi sgt, %select_n3A, %gt3A_731 : vector<128x512xi32>
    %jit3A_733 = arith.constant 512 : i32
    %broadcast_in_dim3A_734 = vector.broadcast %jit3A_733 : i32 to vector<128x512xi32>
    %select_n3A_735 = arith.select %gt3A_732, %select_n3A, %broadcast_in_dim3A_734 : vector<128x512xi1>, vector<128x512xi32>
    %reduce_min3A_736 = arith.constant dense<2147483647> : vector<128xi32>
    %reduce_min3A_737 = vector.multi_reduction <minsi>, %select_n3A_735, %reduce_min3A_736 [1] : vector<128x512xi32> to vector<128xi32>
    %broadcast_in_dim3A_738 = vector.shape_cast %reduce_min3A_737 : vector<128xi32> to vector<128x1xi32>
    %eq3A_739 = arith.constant 512 : i32
    %eq3A_740 = vector.broadcast %eq3A_739 : i32 to vector<128x1xi32>
    %eq3A_741 = arith.cmpi eq, %broadcast_in_dim3A_738, %eq3A_740 : vector<128x1xi32>
    %select_n3A_742 = arith.select %eq3A_741, %broadcast_in_dim3A_48, %broadcast_in_dim3A_738 : vector<128x1xi1>, vector<128x1xi32>
    %gt3A_743 = vector.broadcast %broadcast_in_dim3A_738 : vector<128x1xi32> to vector<128x512xi32>
    %gt3A_744 = arith.cmpi sgt, %select_n3A, %gt3A_743 : vector<128x512xi32>
    %jit3A_745 = arith.constant 512 : i32
    %broadcast_in_dim3A_746 = vector.broadcast %jit3A_745 : i32 to vector<128x512xi32>
    %select_n3A_747 = arith.select %gt3A_744, %select_n3A, %broadcast_in_dim3A_746 : vector<128x512xi1>, vector<128x512xi32>
    %reduce_min3A_748 = arith.constant dense<2147483647> : vector<128xi32>
    %reduce_min3A_749 = vector.multi_reduction <minsi>, %select_n3A_747, %reduce_min3A_748 [1] : vector<128x512xi32> to vector<128xi32>
    %broadcast_in_dim3A_750 = vector.shape_cast %reduce_min3A_749 : vector<128xi32> to vector<128x1xi32>
    %eq3A_751 = arith.constant 512 : i32
    %eq3A_752 = vector.broadcast %eq3A_751 : i32 to vector<128x1xi32>
    %eq3A_753 = arith.cmpi eq, %broadcast_in_dim3A_750, %eq3A_752 : vector<128x1xi32>
    %select_n3A_754 = arith.select %eq3A_753, %broadcast_in_dim3A_48, %broadcast_in_dim3A_750 : vector<128x1xi1>, vector<128x1xi32>
    %gt3A_755 = vector.broadcast %broadcast_in_dim3A_750 : vector<128x1xi32> to vector<128x512xi32>
    %gt3A_756 = arith.cmpi sgt, %select_n3A, %gt3A_755 : vector<128x512xi32>
    %jit3A_757 = arith.constant 512 : i32
    %broadcast_in_dim3A_758 = vector.broadcast %jit3A_757 : i32 to vector<128x512xi32>
    %select_n3A_759 = arith.select %gt3A_756, %select_n3A, %broadcast_in_dim3A_758 : vector<128x512xi1>, vector<128x512xi32>
    %reduce_min3A_760 = arith.constant dense<2147483647> : vector<128xi32>
    %reduce_min3A_761 = vector.multi_reduction <minsi>, %select_n3A_759, %reduce_min3A_760 [1] : vector<128x512xi32> to vector<128xi32>
    %broadcast_in_dim3A_762 = vector.shape_cast %reduce_min3A_761 : vector<128xi32> to vector<128x1xi32>
    %eq3A_763 = arith.constant 512 : i32
    %eq3A_764 = vector.broadcast %eq3A_763 : i32 to vector<128x1xi32>
    %eq3A_765 = arith.cmpi eq, %broadcast_in_dim3A_762, %eq3A_764 : vector<128x1xi32>
    %select_n3A_766 = arith.select %eq3A_765, %broadcast_in_dim3A_48, %broadcast_in_dim3A_762 : vector<128x1xi1>, vector<128x1xi32>
    %gt3A_767 = vector.broadcast %broadcast_in_dim3A_762 : vector<128x1xi32> to vector<128x512xi32>
    %gt3A_768 = arith.cmpi sgt, %select_n3A, %gt3A_767 : vector<128x512xi32>
    %jit3A_769 = arith.constant 512 : i32
    %broadcast_in_dim3A_770 = vector.broadcast %jit3A_769 : i32 to vector<128x512xi32>
    %select_n3A_771 = arith.select %gt3A_768, %select_n3A, %broadcast_in_dim3A_770 : vector<128x512xi1>, vector<128x512xi32>
    %reduce_min3A_772 = arith.constant dense<2147483647> : vector<128xi32>
    %reduce_min3A_773 = vector.multi_reduction <minsi>, %select_n3A_771, %reduce_min3A_772 [1] : vector<128x512xi32> to vector<128xi32>
    %broadcast_in_dim3A_774 = vector.shape_cast %reduce_min3A_773 : vector<128xi32> to vector<128x1xi32>
    %eq3A_775 = arith.constant 512 : i32
    %eq3A_776 = vector.broadcast %eq3A_775 : i32 to vector<128x1xi32>
    %eq3A_777 = arith.cmpi eq, %broadcast_in_dim3A_774, %eq3A_776 : vector<128x1xi32>
    %select_n3A_778 = arith.select %eq3A_777, %broadcast_in_dim3A_48, %broadcast_in_dim3A_774 : vector<128x1xi1>, vector<128x1xi32>
    %gt3A_779 = vector.broadcast %broadcast_in_dim3A_774 : vector<128x1xi32> to vector<128x512xi32>
    %gt3A_780 = arith.cmpi sgt, %select_n3A, %gt3A_779 : vector<128x512xi32>
    %jit3A_781 = arith.constant 512 : i32
    %broadcast_in_dim3A_782 = vector.broadcast %jit3A_781 : i32 to vector<128x512xi32>
    %select_n3A_783 = arith.select %gt3A_780, %select_n3A, %broadcast_in_dim3A_782 : vector<128x512xi1>, vector<128x512xi32>
    %reduce_min3A_784 = arith.constant dense<2147483647> : vector<128xi32>
    %reduce_min3A_785 = vector.multi_reduction <minsi>, %select_n3A_783, %reduce_min3A_784 [1] : vector<128x512xi32> to vector<128xi32>
    %broadcast_in_dim3A_786 = vector.shape_cast %reduce_min3A_785 : vector<128xi32> to vector<128x1xi32>
    %eq3A_787 = arith.constant 512 : i32
    %eq3A_788 = vector.broadcast %eq3A_787 : i32 to vector<128x1xi32>
    %eq3A_789 = arith.cmpi eq, %broadcast_in_dim3A_786, %eq3A_788 : vector<128x1xi32>
    %select_n3A_790 = arith.select %eq3A_789, %broadcast_in_dim3A_48, %broadcast_in_dim3A_786 : vector<128x1xi1>, vector<128x1xi32>
    %gt3A_791 = vector.broadcast %broadcast_in_dim3A_786 : vector<128x1xi32> to vector<128x512xi32>
    %gt3A_792 = arith.cmpi sgt, %select_n3A, %gt3A_791 : vector<128x512xi32>
    %jit3A_793 = arith.constant 512 : i32
    %broadcast_in_dim3A_794 = vector.broadcast %jit3A_793 : i32 to vector<128x512xi32>
    %select_n3A_795 = arith.select %gt3A_792, %select_n3A, %broadcast_in_dim3A_794 : vector<128x512xi1>, vector<128x512xi32>
    %reduce_min3A_796 = arith.constant dense<2147483647> : vector<128xi32>
    %reduce_min3A_797 = vector.multi_reduction <minsi>, %select_n3A_795, %reduce_min3A_796 [1] : vector<128x512xi32> to vector<128xi32>
    %broadcast_in_dim3A_798 = vector.shape_cast %reduce_min3A_797 : vector<128xi32> to vector<128x1xi32>
    %eq3A_799 = arith.constant 512 : i32
    %eq3A_800 = vector.broadcast %eq3A_799 : i32 to vector<128x1xi32>
    %eq3A_801 = arith.cmpi eq, %broadcast_in_dim3A_798, %eq3A_800 : vector<128x1xi32>
    %select_n3A_802 = arith.select %eq3A_801, %broadcast_in_dim3A_48, %broadcast_in_dim3A_798 : vector<128x1xi1>, vector<128x1xi32>
    %concatenate3A_803 = tpu.concatenate %broadcast_in_dim3A_48, %select_n3A_58, %select_n3A_70, %select_n3A_82, %select_n3A_94, %select_n3A_106, %select_n3A_118, %select_n3A_130, %select_n3A_142, %select_n3A_154, %select_n3A_166, %select_n3A_178, %select_n3A_190, %select_n3A_202, %select_n3A_214, %select_n3A_226, %select_n3A_238, %select_n3A_250, %select_n3A_262, %select_n3A_274, %select_n3A_286, %select_n3A_298, %select_n3A_310, %select_n3A_322, %select_n3A_334, %select_n3A_346, %select_n3A_358, %select_n3A_370, %select_n3A_382, %select_n3A_394, %select_n3A_406, %select_n3A_418, %select_n3A_430, %select_n3A_442, %select_n3A_454, %select_n3A_466, %select_n3A_478, %select_n3A_490, %select_n3A_502, %select_n3A_514, %select_n3A_526, %select_n3A_538, %select_n3A_550, %select_n3A_562, %select_n3A_574, %select_n3A_586, %select_n3A_598, %select_n3A_610, %select_n3A_622, %select_n3A_634, %select_n3A_646, %select_n3A_658, %select_n3A_670, %select_n3A_682, %select_n3A_694, %select_n3A_706, %select_n3A_718, %select_n3A_730, %select_n3A_742, %select_n3A_754, %select_n3A_766, %select_n3A_778, %select_n3A_790, %select_n3A_802 in 1 : vector<128x1xi32>, vector<128x1xi32>, vector<128x1xi32>, vector<128x1xi32>, vector<128x1xi32>, vector<128x1xi32>, vector<128x1xi32>, vector<128x1xi32>, vector<128x1xi32>, vector<128x1xi32>, vector<128x1xi32>, vector<128x1xi32>, vector<128x1xi32>, vector<128x1xi32>, vector<128x1xi32>, vector<128x1xi32>, vector<128x1xi32>, vector<128x1xi32>, vector<128x1xi32>, vector<128x1xi32>, vector<128x1xi32>, vector<128x1xi32>, vector<128x1xi32>, vector<128x1xi32>, vector<128x1xi32>, vector<128x1xi32>, vector<128x1xi32>, vector<128x1xi32>, vector<128x1xi32>, vector<128x1xi32>, vector<128x1xi32>, vector<128x1xi32>, vector<128x1xi32>, vector<128x1xi32>, vector<128x1xi32>, vector<128x1xi32>, vector<128x1xi32>, vector<128x1xi32>, vector<128x1xi32>, vector<128x1xi32>, vector<128x1xi32>, vector<128x1xi32>, vector<128x1xi32>, vector<128x1xi32>, vector<128x1xi32>, vector<128x1xi32>, vector<128x1xi32>, vector<128x1xi32>, vector<128x1xi32>, vector<128x1xi32>, vector<128x1xi32>, vector<128x1xi32>, vector<128x1xi32>, vector<128x1xi32>, vector<128x1xi32>, vector<128x1xi32>, vector<128x1xi32>, vector<128x1xi32>, vector<128x1xi32>, vector<128x1xi32>, vector<128x1xi32>, vector<128x1xi32>, vector<128x1xi32>, vector<128x1xi32> -> vector<128x64xi32>
    %mul3A_804 = arith.constant 512 : i32
    %mul3A_805 = arith.muli %arg0, %mul3A_804 : i32
    %add3A_806 = vector.broadcast %mul3A_805 : i32 to vector<128x64xi32>
    %add3A_807 = arith.addi %concatenate3A_803, %add3A_806 : vector<128x64xi32>
    %swap3A = arith.constant 0 : index
    %swap3A_808 = arith.constant 0 : index
    %swap3A_809 = arith.constant 0 : index
    %swap3A_810 = vector.load %arg8[%swap3A, %swap3A_808, %swap3A_809] : memref<1x128x64xi32, #tpu.memory_space<vmem>>, vector<1x128x64xi32>
    %swap3A_811 = vector.shape_cast %swap3A_810 : vector<1x128x64xi32> to vector<128x64xi32>
    %swap3A_812 = vector.shape_cast %add3A_807 : vector<128x64xi32> to vector<1x128x64xi32>
    tpu.vector_store %arg8[%swap3A, %swap3A_808, %swap3A_809], %swap3A_812 {strides = array<i32>} : memref<1x128x64xi32, #tpu.memory_space<vmem>>, vector<1x128x64xi32>,
    return
  }
  func.func @transform_0(%arg0: i32, %arg1: i32) -> (i32, i32, i32) {
    %c0_i32 = arith.constant 0 : i32
    %c0_i32_0 = arith.constant 0 : i32
    %c0_i32_1 = arith.constant 0 : i32
    return %arg0, %c0_i32, %c0_i32_0 : i32, i32, i32
  }
  func.func @transform_1(%arg0: i32, %arg1: i32) -> (i32, i32, i32) {
    %c0_i32 = arith.constant 0 : i32
    %c0_i32_0 = arith.constant 0 : i32
    %c0_i32_1 = arith.constant 0 : i32
    return %arg0, %c0_i32, %c0_i32_0 : i32, i32, i32
  }
  func.func @transform_2(%arg0: i32, %arg1: i32) -> (i32, i32, i32) {
    %c0_i32 = arith.constant 0 : i32
    %c0_i32_0 = arith.constant 0 : i32
    %c0_i32_1 = arith.constant 0 : i32
    return %arg0, %c0_i32, %c0_i32_0 : i32, i32, i32
  }
  func.func @transform_3(%arg0: i32, %arg1: i32) -> (i32, i32, i32) {
    %c0_i32 = arith.constant 0 : i32
    %c0_i32_0 = arith.constant 0 : i32
    return %arg0, %arg1, %c0_i32 : i32, i32, i32
  }
  func.func @transform_4(%arg0: i32, %arg1: i32) -> (i32, i32, i32) {
    %c0_i32 = arith.constant 0 : i32
    %c0_i32_0 = arith.constant 0 : i32
    return %arg0, %arg1, %c0_i32 : i32, i32, i32
  }
  func.func @transform_5(%arg0: i32, %arg1: i32) -> (i32, i32, i32) {
    %c0_i32 = arith.constant 0 : i32
    %c0_i32_0 = arith.constant 0 : i32
    return %arg0, %arg1, %c0_i32 : i32, i32, i32
  }
  func.func @transform_6(%arg0: i32, %arg1: i32) -> (i32, i32, i32) {
    %c0_i32 = arith.constant 0 : i32
    %c0_i32_0 = arith.constant 0 : i32
    return %arg0, %arg1, %c0_i32 : i32, i32, i32
  }
}

module attributes {stable_mosaic.version = 14 : i64} {
  func.func @_mlp1_body(%arg0: i32, %arg1: memref<2048x16xf32, #tpu.memory_space<vmem>>, %arg2: memref<64x16xf32, #tpu.memory_space<vmem>>, %arg3: memref<16x64xf32, #tpu.memory_space<vmem>>, %arg4: memref<64x64xf32, #tpu.memory_space<vmem>>, %arg5: memref<64x128xf32, #tpu.memory_space<vmem>>, %arg6: memref<1x64xf32, #tpu.memory_space<vmem>>, %arg7: memref<1x64xf32, #tpu.memory_space<vmem>>, %arg8: memref<1x64xf32, #tpu.memory_space<vmem>>, %arg9: memref<1x64xf32, #tpu.memory_space<vmem>>, %arg10: memref<1x64xf32, #tpu.memory_space<vmem>>, %arg11: memref<1x64xf32, #tpu.memory_space<vmem>>, %arg12: memref<1x128xf32, #tpu.memory_space<vmem>>, %arg13: memref<1x128xf32, #tpu.memory_space<vmem>>, %arg14: memref<1x128xf32, #tpu.memory_space<vmem>>, %arg15: memref<64x128xf32, #tpu.memory_space<vmem>>) attributes {dimension_semantics = [#tpu.dimension_semantics<arbitrary>], iteration_bounds = array<i64: 64>, scalar_prefetch = 0 : i64, scratch_operands = 0 : i64, tpu.core_type = #tpu.core_type<tc>, window_params = [{transform_indices = @transform_0, window_bounds = array<i64: 2048, 16>}, {transform_indices = @transform_1, window_bounds = array<i64: 64, 16>}, {pipeline_mode = #tpu.pipeline_mode<synchronous>, transform_indices = @transform_2, window_bounds = array<i64: 16, 64>}, {pipeline_mode = #tpu.pipeline_mode<synchronous>, transform_indices = @transform_3, window_bounds = array<i64: 64, 64>}, {pipeline_mode = #tpu.pipeline_mode<synchronous>, transform_indices = @transform_4, window_bounds = array<i64: 64, 128>}, {pipeline_mode = #tpu.pipeline_mode<synchronous>, transform_indices = @transform_5, window_bounds = array<i64: 1, 64>}, {pipeline_mode = #tpu.pipeline_mode<synchronous>, transform_indices = @transform_6, window_bounds = array<i64: 1, 64>}, {pipeline_mode = #tpu.pipeline_mode<synchronous>, transform_indices = @transform_7, window_bounds = array<i64: 1, 64>}, {pipeline_mode = #tpu.pipeline_mode<synchronous>, transform_indices = @transform_8, window_bounds = array<i64: 1, 64>}, {pipeline_mode = #tpu.pipeline_mode<synchronous>, transform_indices = @transform_9, window_bounds = array<i64: 1, 64>}, {pipeline_mode = #tpu.pipeline_mode<synchronous>, transform_indices = @transform_10, window_bounds = array<i64: 1, 64>}, {pipeline_mode = #tpu.pipeline_mode<synchronous>, transform_indices = @transform_11, window_bounds = array<i64: 1, 128>}, {pipeline_mode = #tpu.pipeline_mode<synchronous>, transform_indices = @transform_12, window_bounds = array<i64: 1, 128>}, {pipeline_mode = #tpu.pipeline_mode<synchronous>, transform_indices = @transform_13, window_bounds = array<i64: 1, 128>}, {transform_indices = @transform_14, window_bounds = array<i64: 64, 128>}]} {
    %get3A = arith.constant 0 : index
    %get3A_0 = arith.constant 0 : index
    %get3A_1 = vector.load %arg1[%get3A, %get3A_0] : memref<2048x16xf32, #tpu.memory_space<vmem>>, vector<2048x16xf32>
    %get3A_2 = arith.constant 0 : index
    %get3A_3 = arith.constant 0 : index
    %get3A_4 = vector.load %arg2[%get3A_2, %get3A_3] : memref<64x16xf32, #tpu.memory_space<vmem>>, vector<64x16xf32>
    %broadcast_in_dim3A = vector.shape_cast %get3A_4 : vector<64x16xf32> to vector<64x1x16xf32>
    %broadcast_in_dim3A_5 = vector.shape_cast %broadcast_in_dim3A : vector<64x1x16xf32> to vector<64x1x16xf32>
    %broadcast_in_dim3A_6 = vector.broadcast %broadcast_in_dim3A_5 : vector<64x1x16xf32> to vector<64x32x16xf32>
    %reshape3A = vector.shape_cast %broadcast_in_dim3A_6 : vector<64x32x16xf32> to vector<2048x16xf32>
    %sub3A = arith.subf %get3A_1, %reshape3A : vector<2048x16xf32>
    %get3A_7 = arith.constant 0 : index
    %get3A_8 = arith.constant 0 : index
    %get3A_9 = vector.load %arg3[%get3A_7, %get3A_8] : memref<16x64xf32, #tpu.memory_space<vmem>>, vector<16x64xf32>
    %dot_general3A = arith.constant dense<0.000000e+00> : vector<2048x64xf32>
    %dot_general3A_10 = tpu.matmul %sub3A, %get3A_9, %dot_general3A {dimension_numbers = #tpu.dot_dimension_numbers<[1], [0], [0], [1], [0, 0, 1, 1], [], []>, transpose_lhs_hint = false} : vector<2048x16xf32>, vector<16x64xf32>, vector<2048x64xf32> -> vector<2048x64xf32>
    %get3A_11 = arith.constant 0 : index
    %get3A_12 = arith.constant 0 : index
    %get3A_13 = vector.load %arg6[%get3A_11, %get3A_12] : memref<1x64xf32, #tpu.memory_space<vmem>>, vector<1x64xf32>
    %add3A = vector.broadcast %get3A_13 : vector<1x64xf32> to vector<2048x64xf32>
    %add3A_14 = arith.addf %dot_general3A_10, %add3A : vector<2048x64xf32>
    %get3A_15 = arith.constant 0 : index
    %get3A_16 = arith.constant 0 : index
    %get3A_17 = vector.load %arg7[%get3A_15, %get3A_16] : memref<1x64xf32, #tpu.memory_space<vmem>>, vector<1x64xf32>
    %get3A_18 = arith.constant 0 : index
    %get3A_19 = arith.constant 0 : index
    %get3A_20 = vector.load %arg8[%get3A_18, %get3A_19] : memref<1x64xf32, #tpu.memory_space<vmem>>, vector<1x64xf32>
    %sqrt3A = arith.constant 1.000010e+00 : f32
    %sqrt3A_21 = math.sqrt %sqrt3A : f32
    %div3A = vector.broadcast %sqrt3A_21 : f32 to vector<2048x64xf32>
    %div3A_22 = arith.divf %add3A_14, %div3A : vector<2048x64xf32>
    %mul3A = vector.broadcast %get3A_17 : vector<1x64xf32> to vector<2048x64xf32>
    %mul3A_23 = arith.mulf %mul3A, %div3A_22 : vector<2048x64xf32>
    %add3A_24 = vector.broadcast %get3A_20 : vector<1x64xf32> to vector<2048x64xf32>
    %add3A_25 = arith.addf %mul3A_23, %add3A_24 : vector<2048x64xf32>
    %max3A = arith.constant 0.000000e+00 : f32
    %max3A_26 = vector.broadcast %max3A : f32 to vector<2048x64xf32>
    %max3A_27 = arith.maximumf %add3A_25, %max3A_26 : vector<2048x64xf32>
    %get3A_28 = arith.constant 0 : index
    %get3A_29 = arith.constant 0 : index
    %get3A_30 = vector.load %arg4[%get3A_28, %get3A_29] : memref<64x64xf32, #tpu.memory_space<vmem>>, vector<64x64xf32>
    %dot_general3A_31 = arith.constant dense<0.000000e+00> : vector<2048x64xf32>
    %dot_general3A_32 = tpu.matmul %max3A_27, %get3A_30, %dot_general3A_31 {dimension_numbers = #tpu.dot_dimension_numbers<[1], [0], [0], [1], [0, 0, 1, 1], [], []>, transpose_lhs_hint = false} : vector<2048x64xf32>, vector<64x64xf32>, vector<2048x64xf32> -> vector<2048x64xf32>
    %get3A_33 = arith.constant 0 : index
    %get3A_34 = arith.constant 0 : index
    %get3A_35 = vector.load %arg9[%get3A_33, %get3A_34] : memref<1x64xf32, #tpu.memory_space<vmem>>, vector<1x64xf32>
    %add3A_36 = vector.broadcast %get3A_35 : vector<1x64xf32> to vector<2048x64xf32>
    %add3A_37 = arith.addf %dot_general3A_32, %add3A_36 : vector<2048x64xf32>
    %get3A_38 = arith.constant 0 : index
    %get3A_39 = arith.constant 0 : index
    %get3A_40 = vector.load %arg10[%get3A_38, %get3A_39] : memref<1x64xf32, #tpu.memory_space<vmem>>, vector<1x64xf32>
    %get3A_41 = arith.constant 0 : index
    %get3A_42 = arith.constant 0 : index
    %get3A_43 = vector.load %arg11[%get3A_41, %get3A_42] : memref<1x64xf32, #tpu.memory_space<vmem>>, vector<1x64xf32>
    %sqrt3A_44 = arith.constant 1.000010e+00 : f32
    %sqrt3A_45 = math.sqrt %sqrt3A_44 : f32
    %div3A_46 = vector.broadcast %sqrt3A_45 : f32 to vector<2048x64xf32>
    %div3A_47 = arith.divf %add3A_37, %div3A_46 : vector<2048x64xf32>
    %mul3A_48 = vector.broadcast %get3A_40 : vector<1x64xf32> to vector<2048x64xf32>
    %mul3A_49 = arith.mulf %mul3A_48, %div3A_47 : vector<2048x64xf32>
    %add3A_50 = vector.broadcast %get3A_43 : vector<1x64xf32> to vector<2048x64xf32>
    %add3A_51 = arith.addf %mul3A_49, %add3A_50 : vector<2048x64xf32>
    %max3A_52 = arith.constant 0.000000e+00 : f32
    %max3A_53 = vector.broadcast %max3A_52 : f32 to vector<2048x64xf32>
    %max3A_54 = arith.maximumf %add3A_51, %max3A_53 : vector<2048x64xf32>
    %get3A_55 = arith.constant 0 : index
    %get3A_56 = arith.constant 0 : index
    %get3A_57 = vector.load %arg5[%get3A_55, %get3A_56] : memref<64x128xf32, #tpu.memory_space<vmem>>, vector<64x128xf32>
    %dot_general3A_58 = arith.constant dense<0.000000e+00> : vector<2048x128xf32>
    %dot_general3A_59 = tpu.matmul %max3A_54, %get3A_57, %dot_general3A_58 {dimension_numbers = #tpu.dot_dimension_numbers<[1], [0], [0], [1], [0, 0, 1, 1], [], []>, transpose_lhs_hint = false} : vector<2048x64xf32>, vector<64x128xf32>, vector<2048x128xf32> -> vector<2048x128xf32>
    %get3A_60 = arith.constant 0 : index
    %get3A_61 = arith.constant 0 : index
    %get3A_62 = vector.load %arg12[%get3A_60, %get3A_61] : memref<1x128xf32, #tpu.memory_space<vmem>>, vector<1x128xf32>
    %add3A_63 = vector.broadcast %get3A_62 : vector<1x128xf32> to vector<2048x128xf32>
    %add3A_64 = arith.addf %dot_general3A_59, %add3A_63 : vector<2048x128xf32>
    %get3A_65 = arith.constant 0 : index
    %get3A_66 = arith.constant 0 : index
    %get3A_67 = vector.load %arg13[%get3A_65, %get3A_66] : memref<1x128xf32, #tpu.memory_space<vmem>>, vector<1x128xf32>
    %get3A_68 = arith.constant 0 : index
    %get3A_69 = arith.constant 0 : index
    %get3A_70 = vector.load %arg14[%get3A_68, %get3A_69] : memref<1x128xf32, #tpu.memory_space<vmem>>, vector<1x128xf32>
    %sqrt3A_71 = arith.constant 1.000010e+00 : f32
    %sqrt3A_72 = math.sqrt %sqrt3A_71 : f32
    %div3A_73 = vector.broadcast %sqrt3A_72 : f32 to vector<2048x128xf32>
    %div3A_74 = arith.divf %add3A_64, %div3A_73 : vector<2048x128xf32>
    %mul3A_75 = vector.broadcast %get3A_67 : vector<1x128xf32> to vector<2048x128xf32>
    %mul3A_76 = arith.mulf %mul3A_75, %div3A_74 : vector<2048x128xf32>
    %add3A_77 = vector.broadcast %get3A_70 : vector<1x128xf32> to vector<2048x128xf32>
    %add3A_78 = arith.addf %mul3A_76, %add3A_77 : vector<2048x128xf32>
    %max3A_79 = arith.constant 0.000000e+00 : f32
    %max3A_80 = vector.broadcast %max3A_79 : f32 to vector<2048x128xf32>
    %max3A_81 = arith.maximumf %add3A_78, %max3A_80 : vector<2048x128xf32>
    %reshape3A_82 = vector.shape_cast %max3A_81 : vector<2048x128xf32> to vector<64x32x128xf32>
    %reduce_max3A = arith.constant dense<0xFF800000> : vector<64x128xf32>
    %reduce_max3A_83 = vector.multi_reduction <maximumf>, %reshape3A_82, %reduce_max3A [1] : vector<64x32x128xf32> to vector<64x128xf32>
    %swap3A = arith.constant 0 : index
    %swap3A_84 = arith.constant 0 : index
    %swap3A_85 = vector.load %arg15[%swap3A, %swap3A_84] : memref<64x128xf32, #tpu.memory_space<vmem>>, vector<64x128xf32>
    tpu.vector_store %arg15[%swap3A, %swap3A_84], %reduce_max3A_83 {strides = array<i32>} : memref<64x128xf32, #tpu.memory_space<vmem>>, vector<64x128xf32>,
    return
  }
  func.func @transform_0(%arg0: i32) -> (i32, i32) {
    %c0_i32 = arith.constant 0 : i32
    %c0_i32_0 = arith.constant 0 : i32
    return %arg0, %c0_i32 : i32, i32
  }
  func.func @transform_1(%arg0: i32) -> (i32, i32) {
    %c0_i32 = arith.constant 0 : i32
    %c0_i32_0 = arith.constant 0 : i32
    return %arg0, %c0_i32 : i32, i32
  }
  func.func @transform_2(%arg0: i32) -> (i32, i32) {
    %c0_i32 = arith.constant 0 : i32
    %c0_i32_0 = arith.constant 0 : i32
    %c0_i32_1 = arith.constant 0 : i32
    return %c0_i32, %c0_i32_0 : i32, i32
  }
  func.func @transform_3(%arg0: i32) -> (i32, i32) {
    %c0_i32 = arith.constant 0 : i32
    %c0_i32_0 = arith.constant 0 : i32
    %c0_i32_1 = arith.constant 0 : i32
    return %c0_i32, %c0_i32_0 : i32, i32
  }
  func.func @transform_4(%arg0: i32) -> (i32, i32) {
    %c0_i32 = arith.constant 0 : i32
    %c0_i32_0 = arith.constant 0 : i32
    %c0_i32_1 = arith.constant 0 : i32
    return %c0_i32, %c0_i32_0 : i32, i32
  }
  func.func @transform_5(%arg0: i32) -> (i32, i32) {
    %c0_i32 = arith.constant 0 : i32
    %c0_i32_0 = arith.constant 0 : i32
    %c0_i32_1 = arith.constant 0 : i32
    return %c0_i32, %c0_i32_0 : i32, i32
  }
  func.func @transform_6(%arg0: i32) -> (i32, i32) {
    %c0_i32 = arith.constant 0 : i32
    %c0_i32_0 = arith.constant 0 : i32
    %c0_i32_1 = arith.constant 0 : i32
    return %c0_i32, %c0_i32_0 : i32, i32
  }
  func.func @transform_7(%arg0: i32) -> (i32, i32) {
    %c0_i32 = arith.constant 0 : i32
    %c0_i32_0 = arith.constant 0 : i32
    %c0_i32_1 = arith.constant 0 : i32
    return %c0_i32, %c0_i32_0 : i32, i32
  }
  func.func @transform_8(%arg0: i32) -> (i32, i32) {
    %c0_i32 = arith.constant 0 : i32
    %c0_i32_0 = arith.constant 0 : i32
    %c0_i32_1 = arith.constant 0 : i32
    return %c0_i32, %c0_i32_0 : i32, i32
  }
  func.func @transform_9(%arg0: i32) -> (i32, i32) {
    %c0_i32 = arith.constant 0 : i32
    %c0_i32_0 = arith.constant 0 : i32
    %c0_i32_1 = arith.constant 0 : i32
    return %c0_i32, %c0_i32_0 : i32, i32
  }
  func.func @transform_10(%arg0: i32) -> (i32, i32) {
    %c0_i32 = arith.constant 0 : i32
    %c0_i32_0 = arith.constant 0 : i32
    %c0_i32_1 = arith.constant 0 : i32
    return %c0_i32, %c0_i32_0 : i32, i32
  }
  func.func @transform_11(%arg0: i32) -> (i32, i32) {
    %c0_i32 = arith.constant 0 : i32
    %c0_i32_0 = arith.constant 0 : i32
    %c0_i32_1 = arith.constant 0 : i32
    return %c0_i32, %c0_i32_0 : i32, i32
  }
  func.func @transform_12(%arg0: i32) -> (i32, i32) {
    %c0_i32 = arith.constant 0 : i32
    %c0_i32_0 = arith.constant 0 : i32
    %c0_i32_1 = arith.constant 0 : i32
    return %c0_i32, %c0_i32_0 : i32, i32
  }
  func.func @transform_13(%arg0: i32) -> (i32, i32) {
    %c0_i32 = arith.constant 0 : i32
    %c0_i32_0 = arith.constant 0 : i32
    %c0_i32_1 = arith.constant 0 : i32
    return %c0_i32, %c0_i32_0 : i32, i32
  }
  func.func @transform_14(%arg0: i32) -> (i32, i32) {
    %c0_i32 = arith.constant 0 : i32
    %c0_i32_0 = arith.constant 0 : i32
    return %arg0, %c0_i32 : i32, i32
  }
}

module attributes {stable_mosaic.version = 14 : i64} {
  func.func @_mlp2_body(%arg0: i32, %arg1: memref<2048x16xf32, #tpu.memory_space<vmem>>, %arg2: memref<2048x128xf32, #tpu.memory_space<vmem>>, %arg3: memref<32x16xf32, #tpu.memory_space<vmem>>, %arg4: memref<16x128xf32, #tpu.memory_space<vmem>>, %arg5: memref<128x128xf32, #tpu.memory_space<vmem>>, %arg6: memref<128x128xf32, #tpu.memory_space<vmem>>, %arg7: memref<128x256xf32, #tpu.memory_space<vmem>>, %arg8: memref<1x128xf32, #tpu.memory_space<vmem>>, %arg9: memref<1x128xf32, #tpu.memory_space<vmem>>, %arg10: memref<1x128xf32, #tpu.memory_space<vmem>>, %arg11: memref<1x128xf32, #tpu.memory_space<vmem>>, %arg12: memref<1x128xf32, #tpu.memory_space<vmem>>, %arg13: memref<1x128xf32, #tpu.memory_space<vmem>>, %arg14: memref<1x256xf32, #tpu.memory_space<vmem>>, %arg15: memref<1x256xf32, #tpu.memory_space<vmem>>, %arg16: memref<1x256xf32, #tpu.memory_space<vmem>>, %arg17: memref<32x256xf32, #tpu.memory_space<vmem>>) attributes {dimension_semantics = [#tpu.dimension_semantics<arbitrary>], iteration_bounds = array<i64: 32>, scalar_prefetch = 0 : i64, scratch_operands = 0 : i64, tpu.core_type = #tpu.core_type<tc>, window_params = [{transform_indices = @transform_0, window_bounds = array<i64: 2048, 16>}, {transform_indices = @transform_1, window_bounds = array<i64: 2048, 128>}, {transform_indices = @transform_2, window_bounds = array<i64: 32, 16>}, {pipeline_mode = #tpu.pipeline_mode<synchronous>, transform_indices = @transform_3, window_bounds = array<i64: 16, 128>}, {pipeline_mode = #tpu.pipeline_mode<synchronous>, transform_indices = @transform_4, window_bounds = array<i64: 128, 128>}, {pipeline_mode = #tpu.pipeline_mode<synchronous>, transform_indices = @transform_5, window_bounds = array<i64: 128, 128>}, {pipeline_mode = #tpu.pipeline_mode<synchronous>, transform_indices = @transform_6, window_bounds = array<i64: 128, 256>}, {pipeline_mode = #tpu.pipeline_mode<synchronous>, transform_indices = @transform_7, window_bounds = array<i64: 1, 128>}, {pipeline_mode = #tpu.pipeline_mode<synchronous>, transform_indices = @transform_8, window_bounds = array<i64: 1, 128>}, {pipeline_mode = #tpu.pipeline_mode<synchronous>, transform_indices = @transform_9, window_bounds = array<i64: 1, 128>}, {pipeline_mode = #tpu.pipeline_mode<synchronous>, transform_indices = @transform_10, window_bounds = array<i64: 1, 128>}, {pipeline_mode = #tpu.pipeline_mode<synchronous>, transform_indices = @transform_11, window_bounds = array<i64: 1, 128>}, {pipeline_mode = #tpu.pipeline_mode<synchronous>, transform_indices = @transform_12, window_bounds = array<i64: 1, 128>}, {pipeline_mode = #tpu.pipeline_mode<synchronous>, transform_indices = @transform_13, window_bounds = array<i64: 1, 256>}, {pipeline_mode = #tpu.pipeline_mode<synchronous>, transform_indices = @transform_14, window_bounds = array<i64: 1, 256>}, {pipeline_mode = #tpu.pipeline_mode<synchronous>, transform_indices = @transform_15, window_bounds = array<i64: 1, 256>}, {transform_indices = @transform_16, window_bounds = array<i64: 32, 256>}]} {
    %get3A = arith.constant 0 : index
    %get3A_0 = arith.constant 0 : index
    %get3A_1 = vector.load %arg3[%get3A, %get3A_0] : memref<32x16xf32, #tpu.memory_space<vmem>>, vector<32x16xf32>
    %broadcast_in_dim3A = vector.shape_cast %get3A_1 : vector<32x16xf32> to vector<32x1x16xf32>
    %broadcast_in_dim3A_2 = vector.shape_cast %broadcast_in_dim3A : vector<32x1x16xf32> to vector<32x1x16xf32>
    %broadcast_in_dim3A_3 = vector.broadcast %broadcast_in_dim3A_2 : vector<32x1x16xf32> to vector<32x64x16xf32>
    %reshape3A = vector.shape_cast %broadcast_in_dim3A_3 : vector<32x64x16xf32> to vector<2048x16xf32>
    %get3A_4 = arith.constant 0 : index
    %get3A_5 = arith.constant 0 : index
    %get3A_6 = vector.load %arg1[%get3A_4, %get3A_5] : memref<2048x16xf32, #tpu.memory_space<vmem>>, vector<2048x16xf32>
    %sub3A = arith.subf %get3A_6, %reshape3A : vector<2048x16xf32>
    %get3A_7 = arith.constant 0 : index
    %get3A_8 = arith.constant 0 : index
    %get3A_9 = vector.load %arg2[%get3A_7, %get3A_8] : memref<2048x128xf32, #tpu.memory_space<vmem>>, vector<2048x128xf32>
    %concatenate3A = tpu.concatenate %sub3A, %get3A_9 in 1 : vector<2048x16xf32>, vector<2048x128xf32> -> vector<2048x144xf32>
    %get3A_10 = arith.constant 0 : index
    %get3A_11 = arith.constant 0 : index
    %get3A_12 = vector.load %arg4[%get3A_10, %get3A_11] : memref<16x128xf32, #tpu.memory_space<vmem>>, vector<16x128xf32>
    %get3A_13 = arith.constant 0 : index
    %get3A_14 = arith.constant 0 : index
    %get3A_15 = vector.load %arg5[%get3A_13, %get3A_14] : memref<128x128xf32, #tpu.memory_space<vmem>>, vector<128x128xf32>
    %concatenate3A_16 = tpu.concatenate %get3A_12, %get3A_15 in 0 : vector<16x128xf32>, vector<128x128xf32> -> vector<144x128xf32>
    %dot_general3A = arith.constant dense<0.000000e+00> : vector<2048x128xf32>
    %dot_general3A_17 = tpu.matmul %concatenate3A, %concatenate3A_16, %dot_general3A {dimension_numbers = #tpu.dot_dimension_numbers<[1], [0], [0], [1], [0, 0, 1, 1], [], []>, transpose_lhs_hint = false} : vector<2048x144xf32>, vector<144x128xf32>, vector<2048x128xf32> -> vector<2048x128xf32>
    %get3A_18 = arith.constant 0 : index
    %get3A_19 = arith.constant 0 : index
    %get3A_20 = vector.load %arg8[%get3A_18, %get3A_19] : memref<1x128xf32, #tpu.memory_space<vmem>>, vector<1x128xf32>
    %add3A = vector.broadcast %get3A_20 : vector<1x128xf32> to vector<2048x128xf32>
    %add3A_21 = arith.addf %dot_general3A_17, %add3A : vector<2048x128xf32>
    %get3A_22 = arith.constant 0 : index
    %get3A_23 = arith.constant 0 : index
    %get3A_24 = vector.load %arg9[%get3A_22, %get3A_23] : memref<1x128xf32, #tpu.memory_space<vmem>>, vector<1x128xf32>
    %get3A_25 = arith.constant 0 : index
    %get3A_26 = arith.constant 0 : index
    %get3A_27 = vector.load %arg10[%get3A_25, %get3A_26] : memref<1x128xf32, #tpu.memory_space<vmem>>, vector<1x128xf32>
    %sqrt3A = arith.constant 1.000010e+00 : f32
    %sqrt3A_28 = math.sqrt %sqrt3A : f32
    %div3A = vector.broadcast %sqrt3A_28 : f32 to vector<2048x128xf32>
    %div3A_29 = arith.divf %add3A_21, %div3A : vector<2048x128xf32>
    %mul3A = vector.broadcast %get3A_24 : vector<1x128xf32> to vector<2048x128xf32>
    %mul3A_30 = arith.mulf %mul3A, %div3A_29 : vector<2048x128xf32>
    %add3A_31 = vector.broadcast %get3A_27 : vector<1x128xf32> to vector<2048x128xf32>
    %add3A_32 = arith.addf %mul3A_30, %add3A_31 : vector<2048x128xf32>
    %max3A = arith.constant 0.000000e+00 : f32
    %max3A_33 = vector.broadcast %max3A : f32 to vector<2048x128xf32>
    %max3A_34 = arith.maximumf %add3A_32, %max3A_33 : vector<2048x128xf32>
    %get3A_35 = arith.constant 0 : index
    %get3A_36 = arith.constant 0 : index
    %get3A_37 = vector.load %arg6[%get3A_35, %get3A_36] : memref<128x128xf32, #tpu.memory_space<vmem>>, vector<128x128xf32>
    %dot_general3A_38 = arith.constant dense<0.000000e+00> : vector<2048x128xf32>
    %dot_general3A_39 = tpu.matmul %max3A_34, %get3A_37, %dot_general3A_38 {dimension_numbers = #tpu.dot_dimension_numbers<[1], [0], [0], [1], [0, 0, 1, 1], [], []>, transpose_lhs_hint = false} : vector<2048x128xf32>, vector<128x128xf32>, vector<2048x128xf32> -> vector<2048x128xf32>
    %get3A_40 = arith.constant 0 : index
    %get3A_41 = arith.constant 0 : index
    %get3A_42 = vector.load %arg11[%get3A_40, %get3A_41] : memref<1x128xf32, #tpu.memory_space<vmem>>, vector<1x128xf32>
    %add3A_43 = vector.broadcast %get3A_42 : vector<1x128xf32> to vector<2048x128xf32>
    %add3A_44 = arith.addf %dot_general3A_39, %add3A_43 : vector<2048x128xf32>
    %get3A_45 = arith.constant 0 : index
    %get3A_46 = arith.constant 0 : index
    %get3A_47 = vector.load %arg12[%get3A_45, %get3A_46] : memref<1x128xf32, #tpu.memory_space<vmem>>, vector<1x128xf32>
    %get3A_48 = arith.constant 0 : index
    %get3A_49 = arith.constant 0 : index
    %get3A_50 = vector.load %arg13[%get3A_48, %get3A_49] : memref<1x128xf32, #tpu.memory_space<vmem>>, vector<1x128xf32>
    %sqrt3A_51 = arith.constant 1.000010e+00 : f32
    %sqrt3A_52 = math.sqrt %sqrt3A_51 : f32
    %div3A_53 = vector.broadcast %sqrt3A_52 : f32 to vector<2048x128xf32>
    %div3A_54 = arith.divf %add3A_44, %div3A_53 : vector<2048x128xf32>
    %mul3A_55 = vector.broadcast %get3A_47 : vector<1x128xf32> to vector<2048x128xf32>
    %mul3A_56 = arith.mulf %mul3A_55, %div3A_54 : vector<2048x128xf32>
    %add3A_57 = vector.broadcast %get3A_50 : vector<1x128xf32> to vector<2048x128xf32>
    %add3A_58 = arith.addf %mul3A_56, %add3A_57 : vector<2048x128xf32>
    %max3A_59 = arith.constant 0.000000e+00 : f32
    %max3A_60 = vector.broadcast %max3A_59 : f32 to vector<2048x128xf32>
    %max3A_61 = arith.maximumf %add3A_58, %max3A_60 : vector<2048x128xf32>
    %get3A_62 = arith.constant 0 : index
    %get3A_63 = arith.constant 0 : index
    %get3A_64 = vector.load %arg7[%get3A_62, %get3A_63] : memref<128x256xf32, #tpu.memory_space<vmem>>, vector<128x256xf32>
    %dot_general3A_65 = arith.constant dense<0.000000e+00> : vector<2048x256xf32>
    %dot_general3A_66 = tpu.matmul %max3A_61, %get3A_64, %dot_general3A_65 {dimension_numbers = #tpu.dot_dimension_numbers<[1], [0], [0], [1], [0, 0, 1, 1], [], []>, transpose_lhs_hint = false} : vector<2048x128xf32>, vector<128x256xf32>, vector<2048x256xf32> -> vector<2048x256xf32>
    %get3A_67 = arith.constant 0 : index
    %get3A_68 = arith.constant 0 : index
    %get3A_69 = vector.load %arg14[%get3A_67, %get3A_68] : memref<1x256xf32, #tpu.memory_space<vmem>>, vector<1x256xf32>
    %add3A_70 = vector.broadcast %get3A_69 : vector<1x256xf32> to vector<2048x256xf32>
    %add3A_71 = arith.addf %dot_general3A_66, %add3A_70 : vector<2048x256xf32>
    %get3A_72 = arith.constant 0 : index
    %get3A_73 = arith.constant 0 : index
    %get3A_74 = vector.load %arg15[%get3A_72, %get3A_73] : memref<1x256xf32, #tpu.memory_space<vmem>>, vector<1x256xf32>
    %get3A_75 = arith.constant 0 : index
    %get3A_76 = arith.constant 0 : index
    %get3A_77 = vector.load %arg16[%get3A_75, %get3A_76] : memref<1x256xf32, #tpu.memory_space<vmem>>, vector<1x256xf32>
    %sqrt3A_78 = arith.constant 1.000010e+00 : f32
    %sqrt3A_79 = math.sqrt %sqrt3A_78 : f32
    %div3A_80 = vector.broadcast %sqrt3A_79 : f32 to vector<2048x256xf32>
    %div3A_81 = arith.divf %add3A_71, %div3A_80 : vector<2048x256xf32>
    %mul3A_82 = vector.broadcast %get3A_74 : vector<1x256xf32> to vector<2048x256xf32>
    %mul3A_83 = arith.mulf %mul3A_82, %div3A_81 : vector<2048x256xf32>
    %add3A_84 = vector.broadcast %get3A_77 : vector<1x256xf32> to vector<2048x256xf32>
    %add3A_85 = arith.addf %mul3A_83, %add3A_84 : vector<2048x256xf32>
    %max3A_86 = arith.constant 0.000000e+00 : f32
    %max3A_87 = vector.broadcast %max3A_86 : f32 to vector<2048x256xf32>
    %max3A_88 = arith.maximumf %add3A_85, %max3A_87 : vector<2048x256xf32>
    %reshape3A_89 = vector.shape_cast %max3A_88 : vector<2048x256xf32> to vector<32x64x256xf32>
    %reduce_max3A = arith.constant dense<0xFF800000> : vector<32x256xf32>
    %reduce_max3A_90 = vector.multi_reduction <maximumf>, %reshape3A_89, %reduce_max3A [1] : vector<32x64x256xf32> to vector<32x256xf32>
    %swap3A = arith.constant 0 : index
    %swap3A_91 = arith.constant 0 : index
    %swap3A_92 = vector.load %arg17[%swap3A, %swap3A_91] : memref<32x256xf32, #tpu.memory_space<vmem>>, vector<32x256xf32>
    tpu.vector_store %arg17[%swap3A, %swap3A_91], %reduce_max3A_90 {strides = array<i32>} : memref<32x256xf32, #tpu.memory_space<vmem>>, vector<32x256xf32>,
    return
  }
  func.func @transform_0(%arg0: i32) -> (i32, i32) {
    %c0_i32 = arith.constant 0 : i32
    %c0_i32_0 = arith.constant 0 : i32
    return %arg0, %c0_i32 : i32, i32
  }
  func.func @transform_1(%arg0: i32) -> (i32, i32) {
    %c0_i32 = arith.constant 0 : i32
    %c0_i32_0 = arith.constant 0 : i32
    return %arg0, %c0_i32 : i32, i32
  }
  func.func @transform_2(%arg0: i32) -> (i32, i32) {
    %c0_i32 = arith.constant 0 : i32
    %c0_i32_0 = arith.constant 0 : i32
    return %arg0, %c0_i32 : i32, i32
  }
  func.func @transform_3(%arg0: i32) -> (i32, i32) {
    %c0_i32 = arith.constant 0 : i32
    %c0_i32_0 = arith.constant 0 : i32
    %c0_i32_1 = arith.constant 0 : i32
    return %c0_i32, %c0_i32_0 : i32, i32
  }
  func.func @transform_4(%arg0: i32) -> (i32, i32) {
    %c0_i32 = arith.constant 0 : i32
    %c0_i32_0 = arith.constant 0 : i32
    %c0_i32_1 = arith.constant 0 : i32
    return %c0_i32, %c0_i32_0 : i32, i32
  }
  func.func @transform_5(%arg0: i32) -> (i32, i32) {
    %c0_i32 = arith.constant 0 : i32
    %c0_i32_0 = arith.constant 0 : i32
    %c0_i32_1 = arith.constant 0 : i32
    return %c0_i32, %c0_i32_0 : i32, i32
  }
  func.func @transform_6(%arg0: i32) -> (i32, i32) {
    %c0_i32 = arith.constant 0 : i32
    %c0_i32_0 = arith.constant 0 : i32
    %c0_i32_1 = arith.constant 0 : i32
    return %c0_i32, %c0_i32_0 : i32, i32
  }
  func.func @transform_7(%arg0: i32) -> (i32, i32) {
    %c0_i32 = arith.constant 0 : i32
    %c0_i32_0 = arith.constant 0 : i32
    %c0_i32_1 = arith.constant 0 : i32
    return %c0_i32, %c0_i32_0 : i32, i32
  }
  func.func @transform_8(%arg0: i32) -> (i32, i32) {
    %c0_i32 = arith.constant 0 : i32
    %c0_i32_0 = arith.constant 0 : i32
    %c0_i32_1 = arith.constant 0 : i32
    return %c0_i32, %c0_i32_0 : i32, i32
  }
  func.func @transform_9(%arg0: i32) -> (i32, i32) {
    %c0_i32 = arith.constant 0 : i32
    %c0_i32_0 = arith.constant 0 : i32
    %c0_i32_1 = arith.constant 0 : i32
    return %c0_i32, %c0_i32_0 : i32, i32
  }
  func.func @transform_10(%arg0: i32) -> (i32, i32) {
    %c0_i32 = arith.constant 0 : i32
    %c0_i32_0 = arith.constant 0 : i32
    %c0_i32_1 = arith.constant 0 : i32
    return %c0_i32, %c0_i32_0 : i32, i32
  }
  func.func @transform_11(%arg0: i32) -> (i32, i32) {
    %c0_i32 = arith.constant 0 : i32
    %c0_i32_0 = arith.constant 0 : i32
    %c0_i32_1 = arith.constant 0 : i32
    return %c0_i32, %c0_i32_0 : i32, i32
  }
  func.func @transform_12(%arg0: i32) -> (i32, i32) {
    %c0_i32 = arith.constant 0 : i32
    %c0_i32_0 = arith.constant 0 : i32
    %c0_i32_1 = arith.constant 0 : i32
    return %c0_i32, %c0_i32_0 : i32, i32
  }
  func.func @transform_13(%arg0: i32) -> (i32, i32) {
    %c0_i32 = arith.constant 0 : i32
    %c0_i32_0 = arith.constant 0 : i32
    %c0_i32_1 = arith.constant 0 : i32
    return %c0_i32, %c0_i32_0 : i32, i32
  }
  func.func @transform_14(%arg0: i32) -> (i32, i32) {
    %c0_i32 = arith.constant 0 : i32
    %c0_i32_0 = arith.constant 0 : i32
    %c0_i32_1 = arith.constant 0 : i32
    return %c0_i32, %c0_i32_0 : i32, i32
  }
  func.func @transform_15(%arg0: i32) -> (i32, i32) {
    %c0_i32 = arith.constant 0 : i32
    %c0_i32_0 = arith.constant 0 : i32
    %c0_i32_1 = arith.constant 0 : i32
    return %c0_i32, %c0_i32_0 : i32, i32
  }
  func.func @transform_16(%arg0: i32) -> (i32, i32) {
    %c0_i32 = arith.constant 0 : i32
    %c0_i32_0 = arith.constant 0 : i32
    return %arg0, %c0_i32 : i32, i32
  }
}

module attributes {stable_mosaic.version = 14 : i64} {
  func.func @_head_body(%arg0: memref<1024x16xf32, #tpu.memory_space<vmem>>, %arg1: memref<1024x256xf32, #tpu.memory_space<vmem>>, %arg2: memref<16x256xf32, #tpu.memory_space<vmem>>, %arg3: memref<256x256xf32, #tpu.memory_space<vmem>>, %arg4: memref<256x512xf32, #tpu.memory_space<vmem>>, %arg5: memref<512x1024xf32, #tpu.memory_space<vmem>>, %arg6: memref<1x256xf32, #tpu.memory_space<vmem>>, %arg7: memref<1x256xf32, #tpu.memory_space<vmem>>, %arg8: memref<1x256xf32, #tpu.memory_space<vmem>>, %arg9: memref<1x512xf32, #tpu.memory_space<vmem>>, %arg10: memref<1x512xf32, #tpu.memory_space<vmem>>, %arg11: memref<1x512xf32, #tpu.memory_space<vmem>>, %arg12: memref<1x1024xf32, #tpu.memory_space<vmem>>, %arg13: memref<1x1024xf32, #tpu.memory_space<vmem>>, %arg14: memref<1x1024xf32, #tpu.memory_space<vmem>>, %arg15: memref<1024x512xf32, #tpu.memory_space<vmem>>, %arg16: memref<1x512xf32, #tpu.memory_space<vmem>>, %arg17: memref<1x512xf32, #tpu.memory_space<vmem>>, %arg18: memref<1x512xf32, #tpu.memory_space<vmem>>, %arg19: memref<512x256xf32, #tpu.memory_space<vmem>>, %arg20: memref<1x256xf32, #tpu.memory_space<vmem>>, %arg21: memref<1x256xf32, #tpu.memory_space<vmem>>, %arg22: memref<1x256xf32, #tpu.memory_space<vmem>>, %arg23: memref<256x1xf32, #tpu.memory_space<vmem>>, %arg24: memref<1x1xf32, #tpu.memory_space<vmem>>, %arg25: memref<256x1xf32, #tpu.memory_space<vmem>>, %arg26: memref<1x1xf32, #tpu.memory_space<vmem>>, %arg27: memref<8x1xf32, #tpu.memory_space<vmem>>, %arg28: memref<8x1xf32, #tpu.memory_space<vmem>>) attributes {dimension_semantics = [], scalar_prefetch = 0 : i64, scratch_operands = 0 : i64, tpu.core_type = #tpu.core_type<tc>} {
    %get3A = arith.constant 0 : index
    %get3A_0 = arith.constant 0 : index
    %get3A_1 = vector.load %arg0[%get3A, %get3A_0] : memref<1024x16xf32, #tpu.memory_space<vmem>>, vector<1024x16xf32>
    %get3A_2 = arith.constant 0 : index
    %get3A_3 = arith.constant 0 : index
    %get3A_4 = vector.load %arg1[%get3A_2, %get3A_3] : memref<1024x256xf32, #tpu.memory_space<vmem>>, vector<1024x256xf32>
    %concatenate3A = tpu.concatenate %get3A_1, %get3A_4 in 1 : vector<1024x16xf32>, vector<1024x256xf32> -> vector<1024x272xf32>
    %get3A_5 = arith.constant 0 : index
    %get3A_6 = arith.constant 0 : index
    %get3A_7 = vector.load %arg2[%get3A_5, %get3A_6] : memref<16x256xf32, #tpu.memory_space<vmem>>, vector<16x256xf32>
    %get3A_8 = arith.constant 0 : index
    %get3A_9 = arith.constant 0 : index
    %get3A_10 = vector.load %arg3[%get3A_8, %get3A_9] : memref<256x256xf32, #tpu.memory_space<vmem>>, vector<256x256xf32>
    %concatenate3A_11 = tpu.concatenate %get3A_7, %get3A_10 in 0 : vector<16x256xf32>, vector<256x256xf32> -> vector<272x256xf32>
    %dot_general3A = arith.constant dense<0.000000e+00> : vector<1024x256xf32>
    %dot_general3A_12 = tpu.matmul %concatenate3A, %concatenate3A_11, %dot_general3A {dimension_numbers = #tpu.dot_dimension_numbers<[1], [0], [0], [1], [0, 0, 1, 1], [], []>, transpose_lhs_hint = false} : vector<1024x272xf32>, vector<272x256xf32>, vector<1024x256xf32> -> vector<1024x256xf32>
    %get3A_13 = arith.constant 0 : index
    %get3A_14 = arith.constant 0 : index
    %get3A_15 = vector.load %arg6[%get3A_13, %get3A_14] : memref<1x256xf32, #tpu.memory_space<vmem>>, vector<1x256xf32>
    %add3A = vector.broadcast %get3A_15 : vector<1x256xf32> to vector<1024x256xf32>
    %add3A_16 = arith.addf %dot_general3A_12, %add3A : vector<1024x256xf32>
    %get3A_17 = arith.constant 0 : index
    %get3A_18 = arith.constant 0 : index
    %get3A_19 = vector.load %arg7[%get3A_17, %get3A_18] : memref<1x256xf32, #tpu.memory_space<vmem>>, vector<1x256xf32>
    %get3A_20 = arith.constant 0 : index
    %get3A_21 = arith.constant 0 : index
    %get3A_22 = vector.load %arg8[%get3A_20, %get3A_21] : memref<1x256xf32, #tpu.memory_space<vmem>>, vector<1x256xf32>
    %sqrt3A = arith.constant 1.000010e+00 : f32
    %sqrt3A_23 = math.sqrt %sqrt3A : f32
    %div3A = vector.broadcast %sqrt3A_23 : f32 to vector<1024x256xf32>
    %div3A_24 = arith.divf %add3A_16, %div3A : vector<1024x256xf32>
    %mul3A = vector.broadcast %get3A_19 : vector<1x256xf32> to vector<1024x256xf32>
    %mul3A_25 = arith.mulf %mul3A, %div3A_24 : vector<1024x256xf32>
    %add3A_26 = vector.broadcast %get3A_22 : vector<1x256xf32> to vector<1024x256xf32>
    %add3A_27 = arith.addf %mul3A_25, %add3A_26 : vector<1024x256xf32>
    %max3A = arith.constant 0.000000e+00 : f32
    %max3A_28 = vector.broadcast %max3A : f32 to vector<1024x256xf32>
    %max3A_29 = arith.maximumf %add3A_27, %max3A_28 : vector<1024x256xf32>
    %get3A_30 = arith.constant 0 : index
    %get3A_31 = arith.constant 0 : index
    %get3A_32 = vector.load %arg4[%get3A_30, %get3A_31] : memref<256x512xf32, #tpu.memory_space<vmem>>, vector<256x512xf32>
    %dot_general3A_33 = arith.constant dense<0.000000e+00> : vector<1024x512xf32>
    %dot_general3A_34 = tpu.matmul %max3A_29, %get3A_32, %dot_general3A_33 {dimension_numbers = #tpu.dot_dimension_numbers<[1], [0], [0], [1], [0, 0, 1, 1], [], []>, transpose_lhs_hint = false} : vector<1024x256xf32>, vector<256x512xf32>, vector<1024x512xf32> -> vector<1024x512xf32>
    %get3A_35 = arith.constant 0 : index
    %get3A_36 = arith.constant 0 : index
    %get3A_37 = vector.load %arg9[%get3A_35, %get3A_36] : memref<1x512xf32, #tpu.memory_space<vmem>>, vector<1x512xf32>
    %add3A_38 = vector.broadcast %get3A_37 : vector<1x512xf32> to vector<1024x512xf32>
    %add3A_39 = arith.addf %dot_general3A_34, %add3A_38 : vector<1024x512xf32>
    %get3A_40 = arith.constant 0 : index
    %get3A_41 = arith.constant 0 : index
    %get3A_42 = vector.load %arg10[%get3A_40, %get3A_41] : memref<1x512xf32, #tpu.memory_space<vmem>>, vector<1x512xf32>
    %get3A_43 = arith.constant 0 : index
    %get3A_44 = arith.constant 0 : index
    %get3A_45 = vector.load %arg11[%get3A_43, %get3A_44] : memref<1x512xf32, #tpu.memory_space<vmem>>, vector<1x512xf32>
    %sqrt3A_46 = arith.constant 1.000010e+00 : f32
    %sqrt3A_47 = math.sqrt %sqrt3A_46 : f32
    %div3A_48 = vector.broadcast %sqrt3A_47 : f32 to vector<1024x512xf32>
    %div3A_49 = arith.divf %add3A_39, %div3A_48 : vector<1024x512xf32>
    %mul3A_50 = vector.broadcast %get3A_42 : vector<1x512xf32> to vector<1024x512xf32>
    %mul3A_51 = arith.mulf %mul3A_50, %div3A_49 : vector<1024x512xf32>
    %add3A_52 = vector.broadcast %get3A_45 : vector<1x512xf32> to vector<1024x512xf32>
    %add3A_53 = arith.addf %mul3A_51, %add3A_52 : vector<1024x512xf32>
    %max3A_54 = arith.constant 0.000000e+00 : f32
    %max3A_55 = vector.broadcast %max3A_54 : f32 to vector<1024x512xf32>
    %max3A_56 = arith.maximumf %add3A_53, %max3A_55 : vector<1024x512xf32>
    %get3A_57 = arith.constant 0 : index
    %get3A_58 = arith.constant 0 : index
    %get3A_59 = vector.load %arg5[%get3A_57, %get3A_58] : memref<512x1024xf32, #tpu.memory_space<vmem>>, vector<512x1024xf32>
    %dot_general3A_60 = arith.constant dense<0.000000e+00> : vector<1024x1024xf32>
    %dot_general3A_61 = tpu.matmul %max3A_56, %get3A_59, %dot_general3A_60 {dimension_numbers = #tpu.dot_dimension_numbers<[1], [0], [0], [1], [0, 0, 1, 1], [], []>, transpose_lhs_hint = false} : vector<1024x512xf32>, vector<512x1024xf32>, vector<1024x1024xf32> -> vector<1024x1024xf32>
    %get3A_62 = arith.constant 0 : index
    %get3A_63 = arith.constant 0 : index
    %get3A_64 = vector.load %arg12[%get3A_62, %get3A_63] : memref<1x1024xf32, #tpu.memory_space<vmem>>, vector<1x1024xf32>
    %add3A_65 = vector.broadcast %get3A_64 : vector<1x1024xf32> to vector<1024x1024xf32>
    %add3A_66 = arith.addf %dot_general3A_61, %add3A_65 : vector<1024x1024xf32>
    %get3A_67 = arith.constant 0 : index
    %get3A_68 = arith.constant 0 : index
    %get3A_69 = vector.load %arg13[%get3A_67, %get3A_68] : memref<1x1024xf32, #tpu.memory_space<vmem>>, vector<1x1024xf32>
    %get3A_70 = arith.constant 0 : index
    %get3A_71 = arith.constant 0 : index
    %get3A_72 = vector.load %arg14[%get3A_70, %get3A_71] : memref<1x1024xf32, #tpu.memory_space<vmem>>, vector<1x1024xf32>
    %sqrt3A_73 = arith.constant 1.000010e+00 : f32
    %sqrt3A_74 = math.sqrt %sqrt3A_73 : f32
    %div3A_75 = vector.broadcast %sqrt3A_74 : f32 to vector<1024x1024xf32>
    %div3A_76 = arith.divf %add3A_66, %div3A_75 : vector<1024x1024xf32>
    %mul3A_77 = vector.broadcast %get3A_69 : vector<1x1024xf32> to vector<1024x1024xf32>
    %mul3A_78 = arith.mulf %mul3A_77, %div3A_76 : vector<1024x1024xf32>
    %add3A_79 = vector.broadcast %get3A_72 : vector<1x1024xf32> to vector<1024x1024xf32>
    %add3A_80 = arith.addf %mul3A_78, %add3A_79 : vector<1024x1024xf32>
    %max3A_81 = arith.constant 0.000000e+00 : f32
    %max3A_82 = vector.broadcast %max3A_81 : f32 to vector<1024x1024xf32>
    %max3A_83 = arith.maximumf %add3A_80, %max3A_82 : vector<1024x1024xf32>
    %reshape3A = vector.shape_cast %max3A_83 : vector<1024x1024xf32> to vector<8x128x1024xf32>
    %reduce_max3A = arith.constant dense<0xFF800000> : vector<8x1024xf32>
    %reduce_max3A_84 = vector.multi_reduction <maximumf>, %reshape3A, %reduce_max3A [1] : vector<8x128x1024xf32> to vector<8x1024xf32>
    %get3A_85 = arith.constant 0 : index
    %get3A_86 = arith.constant 0 : index
    %get3A_87 = vector.load %arg15[%get3A_85, %get3A_86] : memref<1024x512xf32, #tpu.memory_space<vmem>>, vector<1024x512xf32>
    %dot_general3A_88 = arith.constant dense<0.000000e+00> : vector<8x512xf32>
    %dot_general3A_89 = tpu.matmul %reduce_max3A_84, %get3A_87, %dot_general3A_88 {dimension_numbers = #tpu.dot_dimension_numbers<[1], [0], [0], [1], [0, 0, 1, 1], [], []>, transpose_lhs_hint = false} : vector<8x1024xf32>, vector<1024x512xf32>, vector<8x512xf32> -> vector<8x512xf32>
    %get3A_90 = arith.constant 0 : index
    %get3A_91 = arith.constant 0 : index
    %get3A_92 = vector.load %arg16[%get3A_90, %get3A_91] : memref<1x512xf32, #tpu.memory_space<vmem>>, vector<1x512xf32>
    %add3A_93 = vector.broadcast %get3A_92 : vector<1x512xf32> to vector<8x512xf32>
    %add3A_94 = arith.addf %dot_general3A_89, %add3A_93 : vector<8x512xf32>
    %get3A_95 = arith.constant 0 : index
    %get3A_96 = arith.constant 0 : index
    %get3A_97 = vector.load %arg17[%get3A_95, %get3A_96] : memref<1x512xf32, #tpu.memory_space<vmem>>, vector<1x512xf32>
    %get3A_98 = arith.constant 0 : index
    %get3A_99 = arith.constant 0 : index
    %get3A_100 = vector.load %arg18[%get3A_98, %get3A_99] : memref<1x512xf32, #tpu.memory_space<vmem>>, vector<1x512xf32>
    %sqrt3A_101 = arith.constant 1.000010e+00 : f32
    %sqrt3A_102 = math.sqrt %sqrt3A_101 : f32
    %div3A_103 = vector.broadcast %sqrt3A_102 : f32 to vector<8x512xf32>
    %div3A_104 = arith.divf %add3A_94, %div3A_103 : vector<8x512xf32>
    %mul3A_105 = vector.broadcast %get3A_97 : vector<1x512xf32> to vector<8x512xf32>
    %mul3A_106 = arith.mulf %mul3A_105, %div3A_104 : vector<8x512xf32>
    %add3A_107 = vector.broadcast %get3A_100 : vector<1x512xf32> to vector<8x512xf32>
    %add3A_108 = arith.addf %mul3A_106, %add3A_107 : vector<8x512xf32>
    %max3A_109 = arith.constant 0.000000e+00 : f32
    %max3A_110 = vector.broadcast %max3A_109 : f32 to vector<8x512xf32>
    %max3A_111 = arith.maximumf %add3A_108, %max3A_110 : vector<8x512xf32>
    %get3A_112 = arith.constant 0 : index
    %get3A_113 = arith.constant 0 : index
    %get3A_114 = vector.load %arg19[%get3A_112, %get3A_113] : memref<512x256xf32, #tpu.memory_space<vmem>>, vector<512x256xf32>
    %dot_general3A_115 = arith.constant dense<0.000000e+00> : vector<8x256xf32>
    %dot_general3A_116 = tpu.matmul %max3A_111, %get3A_114, %dot_general3A_115 {dimension_numbers = #tpu.dot_dimension_numbers<[1], [0], [0], [1], [0, 0, 1, 1], [], []>, transpose_lhs_hint = false} : vector<8x512xf32>, vector<512x256xf32>, vector<8x256xf32> -> vector<8x256xf32>
    %get3A_117 = arith.constant 0 : index
    %get3A_118 = arith.constant 0 : index
    %get3A_119 = vector.load %arg20[%get3A_117, %get3A_118] : memref<1x256xf32, #tpu.memory_space<vmem>>, vector<1x256xf32>
    %add3A_120 = vector.broadcast %get3A_119 : vector<1x256xf32> to vector<8x256xf32>
    %add3A_121 = arith.addf %dot_general3A_116, %add3A_120 : vector<8x256xf32>
    %get3A_122 = arith.constant 0 : index
    %get3A_123 = arith.constant 0 : index
    %get3A_124 = vector.load %arg21[%get3A_122, %get3A_123] : memref<1x256xf32, #tpu.memory_space<vmem>>, vector<1x256xf32>
    %get3A_125 = arith.constant 0 : index
    %get3A_126 = arith.constant 0 : index
    %get3A_127 = vector.load %arg22[%get3A_125, %get3A_126] : memref<1x256xf32, #tpu.memory_space<vmem>>, vector<1x256xf32>
    %sqrt3A_128 = arith.constant 1.000010e+00 : f32
    %sqrt3A_129 = math.sqrt %sqrt3A_128 : f32
    %div3A_130 = vector.broadcast %sqrt3A_129 : f32 to vector<8x256xf32>
    %div3A_131 = arith.divf %add3A_121, %div3A_130 : vector<8x256xf32>
    %mul3A_132 = vector.broadcast %get3A_124 : vector<1x256xf32> to vector<8x256xf32>
    %mul3A_133 = arith.mulf %mul3A_132, %div3A_131 : vector<8x256xf32>
    %add3A_134 = vector.broadcast %get3A_127 : vector<1x256xf32> to vector<8x256xf32>
    %add3A_135 = arith.addf %mul3A_133, %add3A_134 : vector<8x256xf32>
    %max3A_136 = arith.constant 0.000000e+00 : f32
    %max3A_137 = vector.broadcast %max3A_136 : f32 to vector<8x256xf32>
    %max3A_138 = arith.maximumf %add3A_135, %max3A_137 : vector<8x256xf32>
    %get3A_139 = arith.constant 0 : index
    %get3A_140 = arith.constant 0 : index
    %get3A_141 = vector.load %arg23[%get3A_139, %get3A_140] : memref<256x1xf32, #tpu.memory_space<vmem>>, vector<256x1xf32>
    %dot_general3A_142 = arith.constant dense<0.000000e+00> : vector<8x1xf32>
    %dot_general3A_143 = tpu.matmul %max3A_138, %get3A_141, %dot_general3A_142 {dimension_numbers = #tpu.dot_dimension_numbers<[1], [0], [0], [1], [0, 0, 1, 1], [], []>, transpose_lhs_hint = false} : vector<8x256xf32>, vector<256x1xf32>, vector<8x1xf32> -> vector<8x1xf32>
    %get3A_144 = arith.constant 0 : index
    %get3A_145 = arith.constant 0 : index
    %get3A_146 = vector.load %arg24[%get3A_144, %get3A_145] : memref<1x1xf32, #tpu.memory_space<vmem>>, vector<1x1xf32>
    %add3A_147 = vector.broadcast %get3A_146 : vector<1x1xf32> to vector<8x1xf32>
    %add3A_148 = arith.addf %dot_general3A_143, %add3A_147 : vector<8x1xf32>
    %swap3A = arith.constant 0 : index
    %swap3A_149 = arith.constant 0 : index
    %swap3A_150 = vector.load %arg27[%swap3A, %swap3A_149] : memref<8x1xf32, #tpu.memory_space<vmem>>, vector<8x1xf32>
    tpu.vector_store %arg27[%swap3A, %swap3A_149], %add3A_148 {strides = array<i32>} : memref<8x1xf32, #tpu.memory_space<vmem>>, vector<8x1xf32>,
    %get3A_151 = arith.constant 0 : index
    %get3A_152 = arith.constant 0 : index
    %get3A_153 = vector.load %arg25[%get3A_151, %get3A_152] : memref<256x1xf32, #tpu.memory_space<vmem>>, vector<256x1xf32>
    %dot_general3A_154 = arith.constant dense<0.000000e+00> : vector<8x1xf32>
    %dot_general3A_155 = tpu.matmul %max3A_138, %get3A_153, %dot_general3A_154 {dimension_numbers = #tpu.dot_dimension_numbers<[1], [0], [0], [1], [0, 0, 1, 1], [], []>, transpose_lhs_hint = false} : vector<8x256xf32>, vector<256x1xf32>, vector<8x1xf32> -> vector<8x1xf32>
    %get3A_156 = arith.constant 0 : index
    %get3A_157 = arith.constant 0 : index
    %get3A_158 = vector.load %arg26[%get3A_156, %get3A_157] : memref<1x1xf32, #tpu.memory_space<vmem>>, vector<1x1xf32>
    %add3A_159 = vector.broadcast %get3A_158 : vector<1x1xf32> to vector<8x1xf32>
    %add3A_160 = arith.addf %dot_general3A_155, %add3A_159 : vector<8x1xf32>
    %swap3A_161 = arith.constant 0 : index
    %swap3A_162 = arith.constant 0 : index
    %swap3A_163 = vector.load %arg28[%swap3A_161, %swap3A_162] : memref<8x1xf32, #tpu.memory_space<vmem>>, vector<8x1xf32>
    tpu.vector_store %arg28[%swap3A_161, %swap3A_162], %add3A_160 {strides = array<i32>} : memref<8x1xf32, #tpu.memory_space<vmem>>, vector<8x1xf32>,
    return
  }
}

</mosaic_0001>

<sc_bundles>
// kernel: kernel.11.cloned.1.call-start
scs
__scs_entry_jumppad:
0x0: {  	(pc) =	sbr.rel $0x88, $3  }
0x1: {  	(tag) =	ssettag $0x0;
	lr =	simm.s32 $0x1  }
0x2: {  	[smem:$0x3F70] =	sst lr;
	_ =	strace $0xD0000000  }
0x3: {  	_ = 	snop  }
0x4: {  	_ = 	snop  }
0x5: {  	_ = 	snop  }
0x6: {  	_ = 	snop  }
0x7: {  	_ = 	snop  }
__scs_overlays_trampoline_lowered:
0x8: {  	[smem:$0x3F7F] =	sst s0  }
0x9: {  	[smem:$0x3F80] =	sst s1  }
0xa: {  	[smem:$0x3F81] =	sst s2  }
0xb: {  	[smem:$0x3F82] =	sst s3  }
0xc: {  	[smem:$0x3F83] =	sst s4  }
0xd: {  	[smem:$0x3F84] =	sst s5  }
0xe: {  	[smem:$0x3F85] =	sst s6  }
0xf: {  	[smem:$0x3F86] =	sst s7  }
0x10: {  	[smem:$0x3F87] =	sst s8  }
0x11: {  	[smem:$0x3F88] =	sst s9;
	s0 =	simm.s32 @!p0 $0x0  }
0x12: {  	s1 =	sld [smem:$0x3F6E];
	s0 =	simm.s32 @p0 $0x1  }
0x13: {  	[smem:$0x3F89] =	sst s0;
	s0 =	simm.s32 @!p1 $0x0  }
0x14: {  	s2 =	sld [smem:$0x3F6D];
	s0 =	simm.s32 @p1 $0x1  }
0x15: {  	[smem:$0x3F8A] =	sst s0;
	s0 =	simm.s32 @!p2 $0x0  }
0x16: {  	s3 =	sld [smem:$0x3FDB];
	s0 =	simm.s32 @p2 $0x1  }
0x17: {  	s4 =	simm.s32 $0x1BF5;
	[smem:$0x3F8C] =	sst s0  }
0x18: {  	s0 =	sld [smem:$0x3F6F];
	_ =	swait.ge [sflag:s4], $0x0  }
0x19: {  	s7 =	sld [smem:$0x3F70]  }
0x1a: {  	s8 =	sadd.s32 $0xFFFFE003, lr  }
0x1b: {  	s9 =	sadd.s32 $0xFFFFFEF7, lr;
	s5 =	simm.s32 $0xFFFFFFFF;
	p2 =	slt.u32 s8, $0xFFFFF086  }
0x1c: {  	p1 =	slt.u32 s9, $0xF7A;
	s5 =	simm.s32 @!p2 $0x0  }
0x1d: {  	s5 =	simm.s32 @p1 $0x1;
	p0 =	seq.s32 s7, s2  }
0x1e: {  	s7 =	smul.u32 @!p0 $0xF7A, s2;
	p2 =	seq.s32 @!p0 s5, $0x0  }
0x1f: {  	s9 =	smul.u32 $0xF7A, s1;
	s8 =	simm.s32 @!p0 $0x1BF5;
	p2 =	por !p2, p0  }
0x20: {  	[sflag:s8] =	ssyncset.s32 @!p0 $0xFFFFF086;
	s6 =	sadd.s32 @!p0 s3, s7;
	s7 =	simm.s32 @!p0 $0x108  }
0x21: {  	s3 =	sadd.s32 s3, s9;
	s6 =	sadd.s32 @!p0 $0x88, s6;
	s7 =	simm.s32 @p2 $0x1082  }
0x22: {  	[simem:s7], [sflag:s8] =	dma.local @!p0 [hbm:s6], $0xF7A  }
0x23: {  	s9 =	sor.u32 $0xD0000000, s2;
	s6 =	simm.s32 $0x108;
	_ =	swait.ge @!p0 [sflag:s8], $0x0  }
0x24: {  	s3 =	sadd.s32 $0x88, s3;
	s6 =	simm.s32 @!p1 $0x1082;
	[sflag:s4] =	ssyncset.s32 $0xFFFFF086  }
0x25: {  	[simem:s6], [sflag:s4] =	dma.local [hbm:s3], $0xF7A  }
0x26: {  	[smem:$0x3F70] =	sst s1;
	(tag) =	ssettag s2;
	_ =	strace s9  }
0x27: {  	s1 =	sld [smem:$0x3F80]  }
0x28: {  	s2 =	sld [smem:$0x3F81]  }
0x29: {  	s4 =	sld [smem:$0x3F83]  }
0x2a: {  	p0 =	seq.s32 s5, $0x0;
	s5 =	sld [smem:$0x3F84]  }
0x2b: {  	s6 =	sld [smem:$0x3F85]  }
0x2c: {  	s7 =	sld [smem:$0x3F86]  }
0x2d: {  	s3 =	simm.s32 $0x108;
	s8 =	sld [smem:$0x3F87]  }
0x2e: {  	s3 =	simm.s32 @!p0 $0x1082;
	s9 =	sld [smem:$0x3F88]  }
0x2f: {  	lr =	sadd.s32 s0, s3;
	s0 =	sld [smem:$0x3F7F]  }
0x30: {  	s3 =	sld [smem:$0x3F82]  }
0x31: {  	[smem:$0x3F8B] =	sst s10  }
0x32: {  	s10 =	sld [smem:$0x3F89];
	_ =	sdelay $0x3  }
0x33: {  	p0 =	seq.s32 s10, $0x1;
	s10 =	sld [smem:$0x3F8B];
	_ =	sdelay $0x3  }
0x34: {  	[smem:$0x3F8B] =	sst s10  }
0x35: {  	s10 =	sld [smem:$0x3F8A];
	_ =	sdelay $0x3  }
0x36: {  	p1 =	seq.s32 s10, $0x1;
	s10 =	sld [smem:$0x3F8B];
	_ =	sdelay $0x3  }
0x37: {  	[smem:$0x3F8B] =	sst s10  }
0x38: {  	s10 =	sld [smem:$0x3F8C]  }
0x39: {  	_ = 	snop;
	(pc) =	sbr.ind lr, $3  }
0x3a: {  	_ = 	snop  }
0x3b: {  	_ = 	snop  }
0x3c: {  	p2 =	seq.s32 s10, $0x1;
	s10 =	sld [smem:$0x3F8B]  }
0x3d: {  	_ =	shalt  }
0x3e: {  	_ =	shalt  }
0x3f: {  	_ =	shalt  }
0x40: {  	_ =	shalt  }
0x41: {  	_ =	shalt  }
0x42: {  	_ =	shalt  }
0x43: {  	_ =	shalt  }
0x44: {  	_ =	shalt  }
0x45: {  	_ =	shalt  }
0x46: {  	_ =	shalt  }
0x47: {  	_ =	shalt  }
0x48: {  	_ =	shalt  }
0x49: {  	_ =	shalt  }
0x4a: {  	_ =	shalt  }
0x4b: {  	_ =	shalt  }
0x4c: {  	_ =	shalt  }
0x4d: {  	_ =	shalt  }
0x4e: {  	_ =	shalt  }
0x4f: {  	_ =	shalt  }
0x50: {  	_ =	shalt  }
0x51: {  	_ =	shalt  }
0x52: {  	_ =	shalt  }
0x53: {  	_ =	shalt  }
0x54: {  	_ =	shalt  }
0x55: {  	_ =	shalt  }
0x56: {  	_ =	shalt  }
0x57: {  	_ =	shalt  }
0x58: {  	_ =	shalt  }
0x59: {  	_ =	shalt  }
0x5a: {  	_ =	shalt  }
0x5b: {  	_ =	shalt  }
0x5c: {  	_ =	shalt  }
0x5d: {  	_ =	shalt  }
0x5e: {  	_ =	shalt  }
0x5f: {  	_ =	shalt  }
0x60: {  	_ =	shalt  }
0x61: {  	_ =	shalt  }
0x62: {  	_ =	shalt  }
0x63: {  	_ =	shalt  }
0x64: {  	_ =	shalt  }
0x65: {  	_ =	shalt  }
0x66: {  	_ =	shalt  }
0x67: {  	_ =	shalt  }
0x68: {  	_ =	shalt  }
0x69: {  	_ =	shalt  }
0x6a: {  	_ =	shalt  }
0x6b: {  	_ =	shalt  }
0x6c: {  	_ =	shalt  }
0x6d: {  	_ =	shalt  }
0x6e: {  	_ =	shalt  }
0x6f: {  	_ =	shalt  }
0x70: {  	_ =	shalt  }
0x71: {  	_ =	shalt  }
0x72: {  	_ =	shalt  }
0x73: {  	_ =	shalt  }
0x74: {  	_ =	shalt  }
0x75: {  	_ =	shalt  }
0x76: {  	_ =	shalt  }
0x77: {  	_ =	shalt  }
0x78: {  	_ =	shalt  }
0x79: {  	_ =	shalt  }
0x7a: {  	_ =	shalt  }
0x7b: {  	_ =	shalt  }
0x7c: {  	_ =	shalt  }
0x7d: {  	_ =	shalt  }
0x7e: {  	_ =	shalt  }
0x7f: {  	_ =	shalt  }
0x80: {  	_ =	shalt  }
0x81: {  	_ =	shalt  }
0x82: {  	_ =	shalt  }
0x83: {  	_ =	shalt  }
0x84: {  	_ =	shalt  }
0x85: {  	_ =	shalt  }
0x86: {  	_ =	shalt  }
0x87: {  	_ =	shalt  }
.Lfunc_end0:
.L_simem_size_0:
called_computation_lowered:
.L_overlay_start_0:
0x88: {  	s2 =	sld [smem:$0x3FD9]  }
0x89: {  	s3 =	sld [smem:$0x3FFE];
	_ =	sdelay $0x1  }
0x8a: {  	s1 =	srdreg.scid  }
0x8b: {  	s0 =	sand.u32 $0x1, s1  }
0x8c: {  	s16 =	sshll.u32 s0, $0xA;
	s2 =	sadd.s32 s3, s2  }
0x8d: {  	s2 =	sadd.s32 s2, s16  }
0x8e: {  	[smem:$0x3F97] =	sst s2  }
0x8f: {  	_ = 	snop  }
0x90: {  	(tm) =	ssettm $0x1  }
0x91: {  	s17 =	sld [smem:$0x3FFB];
	_ =	sdelay $0x3  }
0x92: {  	_ =	strace s17  }
0x93: {  	s2 =	sld [smem:$0x3FFC];
	_ =	sdelay $0x3  }
0x94: {  	_ =	strace s2  }
0x95: {  	s2 =	sld [smem:$0x3FFD];
	_ =	sdelay $0x3  }
0x96: {  	_ =	strace s2  }
0x97: {  	_ =	strace $0x8FFFFFFF  }
0x98: {  	s18 =	sld [smem:$0x3FDB];
	_ =	sdelay $0x1  }
0x99: {  	s19 =	simm.s32 $_scs_section_size  }
0x9a: {  	s4 =	simm.s32 $_size__tile_overlayer_lowered;
	s5 =	simm.s32 $_tile_overlayer_lowered  }
0x9b: {  	s22 =	simm.s32 $0x1BFF;
	s21 =	sshll.u32 s5, $0x1;
	s2 =	sadd.s32 s19, s18  }
0x9c: {  	s6 =	simm.s32 $0x0;
	s20 =	sshll.u32 s4, $0x1;
	s4 =	sadd.s32 s21, s2  }
0x9d: {  	[timem:s6], [sflag:s22] =	dma.local [hbm:s4], s20  }
0x9e: {  	_ =	swait.ge [sflag:s22], s20  }
0x9f: {  	s3 =	ssub.s32 $0x0, s20;
	[sflag:s22] =	ssyncset.done $0x0  }
0xa0: {  	[sflag:s22] =	ssyncadd.s32 s3;
	_ =	sdelay $0x1  }
0xa1: {  	s23 =	simm.s32 $0x1B8B  }
0xa2: {  	_ =	swait.ge [sflag:s23], $0x1  }
0xa3: {  	[sflag:s23] =	ssyncset.done $0x0  }
0xa4: {  	s25 =	simm.s32 $0x1B8E;
	s24 =	sld [smem:$0x3FFE];
	[sflag:s23] =	ssyncadd.s32 $0xFFFFFFFF  }
0xa5: {  	s26 =	simm.s32 $execute0_lowered;
	[smem:$0x3FD2] =	sst s25  }
0xa6: {  	s4 =	sshll.u32 s26, $0x1;
	_ =	strace $0x80000046;
	[dreg:$0x1] =	wrdreg $0xFFFFFFFF  }
0xa7: {  	s28 =	simm.s32 $_size_execute0_lowered;
	s2 =	sadd.s32 s2, s4;
	[dreg:$0x0] =	wrdreg $0x0  }
0xa8: {  	s4 =	sshll.u32 s28, $0x1;
	[dreg:$0x2] =	wrdreg s2  }
0xa9: {  	[dreg:$0x3] =	wrdreg s4  }
0xaa: {  	[dreg:$0x4] =	wrdreg $0xC0  }
0xab: {  	_ =	task [dreg:s6], $0x5FFFF  }
0xac: {  	[dreg:$0x1] =	wrdreg $0xFFFFFFFF  }
0xad: {  	[dreg:$0x0] =	wrdreg $0x60  }
0xae: {  	[dreg:$0x2] =	wrdreg s24  }
0xaf: {  	[dreg:$0x3] =	wrdreg $0x9  }
0xb0: {  	_ =	task.clear_ibuf [dreg:s6], $0x4FFFF;
	_ =	strace $0x90000046  }
0xb1: {  	s29 =	simm.s32 $0x9;
	_ =	strace $0x80000048  }
0xb2: {  	_ =	swait.ge [sflag:s29], $0x1  }
0xb3: {  	[sflag:s29] =	ssyncadd.s32 $0xFFFFFFFF  }
0xb4: {  	_ =	strace $0x90000048  }
0xb5: {  	_ =	sfence  }
0xb6: {  	s30 =	sld [smem:$0x0];
	_ =	sdelay $0x2  }
0xb7: {  	s31 =	sshll.u32 s1, $0xD;
	s1 =	sshrl.u32 s1, $0x2  }
0xb8: {  	s3 =	sand.u32 $0x4000, s31;
	s1 =	sadd.s32 s1, s30  }
0xb9: {  	s0 =	sor.u32 s3, s0;
	s1 =	sshll.u32 s1, $0x11  }
0xba: {  	s0 =	sor.u32 s1, s0  }
0xbb: {  	s0 =	sadd.s32 $0x8F2B, s0  }
0xbc: {  	[sflag:s0] =	ssyncadd.remote.s32 $0x1  }
0xbd: {  	_ =	sfence.sel $0xFFFF  }
0xbe: {  	[dreg:$0x0] =	wrdreg $0xFFFFFFFF;
	(pc) =	sbr.abs _section_cstart, $3  }
0xbf: {  	[dreg:$0x1] =	wrdreg $0xFFFFFFFF  }
0xc0: {  	_ =	task.clear_ibuf [dreg:s6], $0x2FFFF;
	_ =	strace $0x9FFFFFFF  }
0xc1: {  	(tm) =	ssettm $0x7FFFFFFF  }
tec
execute0_lowered:
.L_overlay_start_1:
0x0: {  	(tag) =	ssettag $0x1  }
0x1: {  	s4 =	rddreg [dreg:$0x0]  }
0x2: {  	s0 =	rddreg [dreg:$0x1]  }
0x3: {  	s3 =	srdreg.scid;
	s2 =	simm.s32 $0x0;
	s1 =	stileid.u32  }
0x4: {  	s10 =	simm.s32 $0x1800;
	s11 =	simm.s32 $0x2000;
	s12 =	simm.s32 $0x2800  }
0x5: {  	s13 =	simm.s32 $0x1;
	s14 =	simm.s32 $0x0;
	s5 =	sand.u32 $0x1, s3  }
0x6: {  	[smem:$0x7FF] =	sst s2;
	s29 =	sshll.u32 s1, $0xD;
	s3 =	sadd.s32 $0x8B600, s4  }
0x7: {  	s8 =	sshll.u32 s1, $0xE;
	s6 =	sshll.u32 s5, $0xC;
	_ =	strace $0x80000047  }
0x8: {  	s7 =	ssub.s32 $0x2, s5;
	s8 =	sadd.s32 s8, s4;
	s30 =	sshll.u32 s5, $0xD  }
0x9: {  	s6 =	sor.u32 s6, s29;
	s9 =	sshrl.u32 s7, $0x1;
	s31 =	sadd.s32 s30, s8  }
0xa: {  	s8 =	simm.s32 $0x80;
	s6 =	sshrl.u32 s6, $0x3;
	s7 =	ssub.s32 s7, s9  }
0xb: {  	s9 =	simm.s32 $0x1000;
	s6 =	sadd.s32 s6, s4;
	s5 =	smax.u32 s7, $0x1  }
0xc: {  	s7 =	simm.s32 $0x2;
	s4 =	sadd.s32 $0x7600, s6;
	s6 =	sadd.s32 $0xB600, s31  }
.LBB2_1:
0xd: {  	[tilespmem:s2], [sflag:$0x2] =	stream.linear.gather [hbm4b:s4+s2], $0x1000, $0x38;
	[tilespmem:$0x3000] =	vst v63  }
0xe: {  	_ =	swait.ge [sflag:s7], $0x1000  }
0xf: {  	[sflag:s7] =	ssyncset.done $0x0  }
0x10: {  	s15 =	simm.s32 $0x0;
	[sflag:s7] =	ssyncadd.s32 $0xFFFFF000  }
0x11: {  	[tilespmem:s9], [sflag:$0x1] =	stream.indirect.gather [hbm4b:s3+s8], $0x10, s15, s8, $0xb8;
	[tilespmem:$0x3000] =	vst v63  }
0x12: {  	s26 =	simm.s32 $0x80  }
0x13: {  	[tilespmem:s10], [sflag:$0x1] =	stream.indirect.gather [hbm4b:s3+s8], $0x10, s26, s8, $0xb8;
	[tilespmem:$0x3000] =	vst v63  }
0x14: {  	s28 =	simm.s32 $0x100  }
0x15: {  	[tilespmem:s11], [sflag:$0x1] =	stream.indirect.gather [hbm4b:s3+s8], $0x10, s28, s8, $0xb8;
	[tilespmem:$0x3000] =	vst v63  }
0x16: {  	s29 =	simm.s32 $0x180  }
0x17: {  	[tilespmem:s12], [sflag:$0x1] =	stream.indirect.gather [hbm4b:s3+s8], $0x10, s29, s8, $0xb8;
	[tilespmem:$0x3000] =	vst v63  }
0x18: {  	_ =	swait.ge [sflag:s13], $0x800  }
0x19: {  	[sflag:s13] =	ssyncset.done $0x0  }
0x1a: {  	[sflag:s13] =	ssyncadd.s32 $0xFFFFF800  }
0x1b: {  	_ =	swait.ge [sflag:s13], $0x800  }
0x1c: {  	[sflag:s13] =	ssyncset.done $0x0  }
0x1d: {  	[sflag:s13] =	ssyncadd.s32 $0xFFFFF800  }
0x1e: {  	_ =	swait.ge [sflag:s13], $0x800  }
0x1f: {  	[sflag:s13] =	ssyncset.done $0x0  }
0x20: {  	[sflag:s13] =	ssyncadd.s32 $0xFFFFF800  }
0x21: {  	_ =	swait.ge [sflag:s13], $0x800  }
0x22: {  	[sflag:s13] =	ssyncset.done $0x0  }
0x23: {  	s30 =	sadd.s32 $0x0, s6;
	[sflag:s13] =	ssyncadd.s32 $0xFFFFF800  }
0x24: {  	[hbm4b:s30+s2] =	stream.linear.scatter [tilespmem:s9], [sflag:$0x2], $0x800, $0x38;
	[tilespmem:$0x3000] =	vst v63  }
0x25: {  	_ =	swait.ge [sflag:s7], $0x800  }
0x26: {  	[sflag:s7] =	ssyncset.done $0x0  }
0x27: {  	s16 =	sadd.s32 $0x100, s30;
	[sflag:s7] =	ssyncadd.s32 $0xFFFFF800  }
0x28: {  	[hbm4b:s16+s2] =	stream.linear.scatter [tilespmem:s10], [sflag:$0x2], $0x800, $0x38;
	[tilespmem:$0x3000] =	vst v63  }
0x29: {  	_ =	swait.ge [sflag:s7], $0x800  }
0x2a: {  	[sflag:s7] =	ssyncset.done $0x0  }
0x2b: {  	s31 =	sadd.s32 $0x200, s30;
	[sflag:s7] =	ssyncadd.s32 $0xFFFFF800  }
0x2c: {  	[hbm4b:s31+s2] =	stream.linear.scatter [tilespmem:s11], [sflag:$0x2], $0x800, $0x38;
	[tilespmem:$0x3000] =	vst v63  }
0x2d: {  	_ =	swait.ge [sflag:s7], $0x800  }
0x2e: {  	[sflag:s7] =	ssyncset.done $0x0  }
0x2f: {  	s15 =	sadd.s32 $0x300, s30;
	[sflag:s7] =	ssyncadd.s32 $0xFFFFF800  }
0x30: {  	[hbm4b:s15+s2] =	stream.linear.scatter [tilespmem:s12], [sflag:$0x2], $0x800, $0x38;
	[tilespmem:$0x3000] =	vst v63  }
0x31: {  	s17 =	simm.s32 $0x800;
	_ =	swait.ge [sflag:s7], $0x800  }
0x32: {  	s16 =	simm.s32 $0x300;
	s15 =	simm.s32 $0x400;
	[sflag:s7] =	ssyncset.done $0x0  }
.LBB2_2:
0x33: {  	p0 =	sne.s32 s17, $0x1C00;
	s18 =	sadd.s32 $0xFFFFFF00, s16;
	[sflag:s7] =	ssyncadd.s32 $0xFFFFF800  }
0x34: {  	[tilespmem:s9], [sflag:$0x1] =	stream.indirect.gather [hbm4b:s3+s8], $0x10, s18, s8, $0xb8;
	[tilespmem:$0x3000] =	vst v63  }
0x35: {  	s19 =	smov.u32 s17;
	s17 =	sadd.s32 $0x400, s17;
	s18 =	sadd.s32 $0xFFFFFF80, s16  }
0x36: {  	[tilespmem:s10], [sflag:$0x1] =	stream.indirect.gather [hbm4b:s3+s8], $0x10, s18, s8, $0xb8;
	[tilespmem:$0x3000] =	vst v63  }
0x37: {  	_ = 	snop  }
0x38: {  	[tilespmem:s11], [sflag:$0x1] =	stream.indirect.gather [hbm4b:s3+s8], $0x10, s16, s8, $0xb8;
	[tilespmem:$0x3000] =	vst v63  }
0x39: {  	s18 =	sadd.s32 $0x80, s16  }
0x3a: {  	[tilespmem:s12], [sflag:$0x1] =	stream.indirect.gather [hbm4b:s3+s8], $0x10, s18, s8, $0xb8;
	[tilespmem:$0x3000] =	vst v63  }
0x3b: {  	_ =	swait.ge [sflag:s13], $0x800  }
0x3c: {  	[sflag:s13] =	ssyncset.done $0x0  }
0x3d: {  	[sflag:s13] =	ssyncadd.s32 $0xFFFFF800  }
0x3e: {  	_ =	swait.ge [sflag:s13], $0x800  }
0x3f: {  	[sflag:s13] =	ssyncset.done $0x0  }
0x40: {  	[sflag:s13] =	ssyncadd.s32 $0xFFFFF800  }
0x41: {  	_ =	swait.ge [sflag:s13], $0x800  }
0x42: {  	[sflag:s13] =	ssyncset.done $0x0  }
0x43: {  	[sflag:s13] =	ssyncadd.s32 $0xFFFFF800  }
0x44: {  	_ =	swait.ge [sflag:s13], $0x800  }
0x45: {  	[sflag:s13] =	ssyncset.done $0x0  }
0x46: {  	s18 =	sadd.s32 s15, s6;
	s15 =	smov.u32 s19;
	[sflag:s13] =	ssyncadd.s32 $0xFFFFF800  }
0x47: {  	[hbm4b:s18+s2] =	stream.linear.scatter [tilespmem:s9], [sflag:$0x2], $0x800, $0x38;
	[tilespmem:$0x3000] =	vst v63  }
0x48: {  	_ =	swait.ge [sflag:s7], $0x800  }
0x49: {  	[sflag:s7] =	ssyncset.done $0x0  }
0x4a: {  	s19 =	sadd.s32 $0x100, s18;
	[sflag:s7] =	ssyncadd.s32 $0xFFFFF800  }
0x4b: {  	[hbm4b:s19+s2] =	stream.linear.scatter [tilespmem:s10], [sflag:$0x2], $0x800, $0x38;
	[tilespmem:$0x3000] =	vst v63  }
0x4c: {  	_ =	swait.ge [sflag:s7], $0x800  }
0x4d: {  	[sflag:s7] =	ssyncset.done $0x0  }
0x4e: {  	s19 =	sadd.s32 $0x200, s18;
	[sflag:s7] =	ssyncadd.s32 $0xFFFFF800  }
0x4f: {  	[hbm4b:s19+s2] =	stream.linear.scatter [tilespmem:s11], [sflag:$0x2], $0x800, $0x38;
	[tilespmem:$0x3000] =	vst v63  }
0x50: {  	_ =	swait.ge [sflag:s7], $0x800  }
.Ltmp0:
0x51: {  	[sflag:s7] =	ssyncset.done $0x0;
	(pc) =	sbr.rel @p0 .LBB2_2-.Ltmp0, $4  }
0x52: {  	s18 =	sadd.s32 $0x300, s18;
	[sflag:s7] =	ssyncadd.s32 $0xFFFFF800  }
0x53: {  	[hbm4b:s18+s2] =	stream.linear.scatter [tilespmem:s12], [sflag:$0x2], $0x800, $0x38;
	[tilespmem:$0x3000] =	vst v63  }
0x54: {  	_ =	swait.ge [sflag:s7], $0x800  }
0x55: {  	s16 =	sadd.s32 $0x200, s16;
	[sflag:s7] =	ssyncset.done $0x0  }
0x56: {  	s17 =	sadd.s32 $0xFFFFFF00, s16;
	[sflag:s7] =	ssyncadd.s32 $0xFFFFF800  }
0x57: {  	[tilespmem:s9], [sflag:$0x1] =	stream.indirect.gather [hbm4b:s3+s8], $0x10, s17, s8, $0xb8;
	[tilespmem:$0x3000] =	vst v63  }
0x58: {  	s28 =	sadd.s32 $0xFFFFFF80, s16  }
0x59: {  	[tilespmem:s10], [sflag:$0x1] =	stream.indirect.gather [hbm4b:s3+s8], $0x10, s28, s8, $0xb8;
	[tilespmem:$0x3000] =	vst v63  }
0x5a: {  	_ = 	snop  }
0x5b: {  	[tilespmem:s11], [sflag:$0x1] =	stream.indirect.gather [hbm4b:s3+s8], $0x10, s16, s8, $0xb8;
	[tilespmem:$0x3000] =	vst v63  }
0x5c: {  	s29 =	sadd.s32 $0x80, s16  }
0x5d: {  	[tilespmem:s12], [sflag:$0x1] =	stream.indirect.gather [hbm4b:s3+s8], $0x10, s29, s8, $0xb8;
	[tilespmem:$0x3000] =	vst v63  }
0x5e: {  	_ =	swait.ge [sflag:s13], $0x800  }
0x5f: {  	[sflag:s13] =	ssyncset.done $0x0  }
0x60: {  	[sflag:s13] =	ssyncadd.s32 $0xFFFFF800  }
0x61: {  	_ =	swait.ge [sflag:s13], $0x800  }
0x62: {  	[sflag:s13] =	ssyncset.done $0x0  }
0x63: {  	[sflag:s13] =	ssyncadd.s32 $0xFFFFF800  }
0x64: {  	_ =	swait.ge [sflag:s13], $0x800  }
0x65: {  	[sflag:s13] =	ssyncset.done $0x0  }
0x66: {  	[sflag:s13] =	ssyncadd.s32 $0xFFFFF800  }
0x67: {  	_ =	swait.ge [sflag:s13], $0x800  }
0x68: {  	[sflag:s13] =	ssyncset.done $0x0  }
0x69: {  	s15 =	sadd.s32 s15, s6;
	[sflag:s13] =	ssyncadd.s32 $0xFFFFF800  }
0x6a: {  	[hbm4b:s15+s2] =	stream.linear.scatter [tilespmem:s9], [sflag:$0x2], $0x800, $0x38;
	[tilespmem:$0x3000] =	vst v63  }
0x6b: {  	_ =	swait.ge [sflag:s7], $0x800  }
0x6c: {  	[sflag:s7] =	ssyncset.done $0x0  }
0x6d: {  	s30 =	sadd.s32 $0x100, s15;
	[sflag:s7] =	ssyncadd.s32 $0xFFFFF800  }
0x6e: {  	[hbm4b:s30+s2] =	stream.linear.scatter [tilespmem:s10], [sflag:$0x2], $0x800, $0x38;
	[tilespmem:$0x3000] =	vst v63  }
0x6f: {  	_ =	swait.ge [sflag:s7], $0x800  }
0x70: {  	[sflag:s7] =	ssyncset.done $0x0  }
0x71: {  	s31 =	sadd.s32 $0x200, s15;
	[sflag:s7] =	ssyncadd.s32 $0xFFFFF800  }
0x72: {  	[hbm4b:s31+s2] =	stream.linear.scatter [tilespmem:s11], [sflag:$0x2], $0x800, $0x38;
	[tilespmem:$0x3000] =	vst v63  }
0x73: {  	s14 =	sadd.s32 $0x1, s14;
	_ =	swait.ge [sflag:s7], $0x800  }
0x74: {  	p0 =	sne.s32 s14, s5;
	[sflag:s7] =	ssyncset.done $0x0  }
.Ltmp1:
0x75: {  	s15 =	sadd.s32 $0x300, s15;
	[sflag:s7] =	ssyncadd.s32 $0xFFFFF800;
	(pc) =	sbr.rel @p0 .LBB2_1-.Ltmp1, $4  }
0x76: {  	[hbm4b:s15+s2] =	stream.linear.scatter [tilespmem:s12], [sflag:$0x2], $0x800, $0x38;
	[tilespmem:$0x3000] =	vst v63  }
0x77: {  	_ =	swait.ge [sflag:s7], $0x800  }
0x78: {  	[sflag:s7] =	ssyncset.done $0x0  }
0x79: {  	[sflag:s7] =	ssyncadd.s32 $0xFFFFF800  }
0x7a: {  	_ =	sfence.sel $0x180000  }
0x7b: {  	[bflag:$0x0] =	sbarrier.arrive $0xFFFF  }
0x7c: {  	p0 =	sne.s32 s1, $0x0;
	_ =	strace $0x90000047  }
0x7d: {  	s0 =	sadd.s32 @!p0 $0x100000, s0;
	[bflag:$0x2] =	sbarrier.arrive $0xFFFF  }
0x7e: {  	[sflag:s0] =	ssyncadd.tile.s32 @!p0 $0x1;
	_ =	shalt  }
.Lfunc_end2:
_tile_overlayer_lowered:
.L_overlay_start_2:
0x7f: {  	(tag) =	ssettag $0x2  }
0x80: {  	s0 =	rddreg [dreg:$0x0];
	s2 =	stileid.u32  }
0x81: {  	s1 =	rddreg [dreg:$0x1];
	p0 =	sne.s32 s2, $0x0  }
0x82: {  	s3 =	rddreg [dreg:$0x2];
	[bflag:$0x3] =	sbarrier.arrive $0xFFFF;
	s2 =	simm.s32 @!p0 $0x1C02  }
0x83: {  	[timem:s3], [sflag:s2] =	dma.local @!p0 [hbm:s0], s1  }
0x84: {  	s0 =	simm.s32 @!p0 $0x2  }
0x85: {  	_ =	swait.ge @!p0 [sflag:s0], s1  }
0x86: {  	s1 =	ssub.s32 @!p0 $0x0, s1;
	[sflag:s0] =	ssyncset.done @!p0 $0x0  }
0x87: {  	[sflag:s0] =	ssyncadd.s32 @!p0 s1  }
0x88: {  	[bflag:$0x3] =	sbarrier.arrive $0xFFFF  }
0x89: {  	_ =	shalt  }

// kernel: kernel.14.cloned.1.call-start
scs
__scs_entry_jumppad:
0x0: {  	(pc) =	sbr.rel $0x88, $3  }
0x1: {  	(tag) =	ssettag $0x0;
	lr =	simm.s32 $0x1  }
0x2: {  	[smem:$0x3F70] =	sst lr;
	_ =	strace $0xD0000000  }
0x3: {  	_ = 	snop  }
0x4: {  	_ = 	snop  }
0x5: {  	_ = 	snop  }
0x6: {  	_ = 	snop  }
0x7: {  	_ = 	snop  }
__scs_overlays_trampoline_lowered:
0x8: {  	[smem:$0x3F7F] =	sst s0  }
0x9: {  	[smem:$0x3F80] =	sst s1  }
0xa: {  	[smem:$0x3F81] =	sst s2  }
0xb: {  	[smem:$0x3F82] =	sst s3  }
0xc: {  	[smem:$0x3F83] =	sst s4  }
0xd: {  	[smem:$0x3F84] =	sst s5  }
0xe: {  	[smem:$0x3F85] =	sst s6  }
0xf: {  	[smem:$0x3F86] =	sst s7  }
0x10: {  	[smem:$0x3F87] =	sst s8  }
0x11: {  	[smem:$0x3F88] =	sst s9;
	s0 =	simm.s32 @!p0 $0x0  }
0x12: {  	s1 =	sld [smem:$0x3F6E];
	s0 =	simm.s32 @p0 $0x1  }
0x13: {  	[smem:$0x3F89] =	sst s0;
	s0 =	simm.s32 @!p1 $0x0  }
0x14: {  	s2 =	sld [smem:$0x3F6D];
	s0 =	simm.s32 @p1 $0x1  }
0x15: {  	[smem:$0x3F8A] =	sst s0;
	s0 =	simm.s32 @!p2 $0x0  }
0x16: {  	s3 =	sld [smem:$0x3FDB];
	s0 =	simm.s32 @p2 $0x1  }
0x17: {  	s4 =	simm.s32 $0x1BF5;
	[smem:$0x3F8C] =	sst s0  }
0x18: {  	s0 =	sld [smem:$0x3F6F];
	_ =	swait.ge [sflag:s4], $0x0  }
0x19: {  	s7 =	sld [smem:$0x3F70]  }
0x1a: {  	s8 =	sadd.s32 $0xFFFFE003, lr  }
0x1b: {  	s9 =	sadd.s32 $0xFFFFFEF7, lr;
	s5 =	simm.s32 $0xFFFFFFFF;
	p2 =	slt.u32 s8, $0xFFFFF086  }
0x1c: {  	p1 =	slt.u32 s9, $0xF7A;
	s5 =	simm.s32 @!p2 $0x0  }
0x1d: {  	s5 =	simm.s32 @p1 $0x1;
	p0 =	seq.s32 s7, s2  }
0x1e: {  	s7 =	smul.u32 @!p0 $0xF7A, s2;
	p2 =	seq.s32 @!p0 s5, $0x0  }
0x1f: {  	s9 =	smul.u32 $0xF7A, s1;
	s8 =	simm.s32 @!p0 $0x1BF5;
	p2 =	por !p2, p0  }
0x20: {  	[sflag:s8] =	ssyncset.s32 @!p0 $0xFFFFF086;
	s6 =	sadd.s32 @!p0 s3, s7;
	s7 =	simm.s32 @!p0 $0x108  }
0x21: {  	s3 =	sadd.s32 s3, s9;
	s6 =	sadd.s32 @!p0 $0x88, s6;
	s7 =	simm.s32 @p2 $0x1082  }
0x22: {  	[simem:s7], [sflag:s8] =	dma.local @!p0 [hbm:s6], $0xF7A  }
0x23: {  	s9 =	sor.u32 $0xD0000000, s2;
	s6 =	simm.s32 $0x108;
	_ =	swait.ge @!p0 [sflag:s8], $0x0  }
0x24: {  	s3 =	sadd.s32 $0x88, s3;
	s6 =	simm.s32 @!p1 $0x1082;
	[sflag:s4] =	ssyncset.s32 $0xFFFFF086  }
0x25: {  	[simem:s6], [sflag:s4] =	dma.local [hbm:s3], $0xF7A  }
0x26: {  	[smem:$0x3F70] =	sst s1;
	(tag) =	ssettag s2;
	_ =	strace s9  }
0x27: {  	s1 =	sld [smem:$0x3F80]  }
0x28: {  	s2 =	sld [smem:$0x3F81]  }
0x29: {  	s4 =	sld [smem:$0x3F83]  }
0x2a: {  	p0 =	seq.s32 s5, $0x0;
	s5 =	sld [smem:$0x3F84]  }
0x2b: {  	s6 =	sld [smem:$0x3F85]  }
0x2c: {  	s7 =	sld [smem:$0x3F86]  }
0x2d: {  	s3 =	simm.s32 $0x108;
	s8 =	sld [smem:$0x3F87]  }
0x2e: {  	s3 =	simm.s32 @!p0 $0x1082;
	s9 =	sld [smem:$0x3F88]  }
0x2f: {  	lr =	sadd.s32 s0, s3;
	s0 =	sld [smem:$0x3F7F]  }
0x30: {  	s3 =	sld [smem:$0x3F82]  }
0x31: {  	[smem:$0x3F8B] =	sst s10  }
0x32: {  	s10 =	sld [smem:$0x3F89];
	_ =	sdelay $0x3  }
0x33: {  	p0 =	seq.s32 s10, $0x1;
	s10 =	sld [smem:$0x3F8B];
	_ =	sdelay $0x3  }
0x34: {  	[smem:$0x3F8B] =	sst s10  }
0x35: {  	s10 =	sld [smem:$0x3F8A];
	_ =	sdelay $0x3  }
0x36: {  	p1 =	seq.s32 s10, $0x1;
	s10 =	sld [smem:$0x3F8B];
	_ =	sdelay $0x3  }
0x37: {  	[smem:$0x3F8B] =	sst s10  }
0x38: {  	s10 =	sld [smem:$0x3F8C]  }
0x39: {  	_ = 	snop;
	(pc) =	sbr.ind lr, $3  }
0x3a: {  	_ = 	snop  }
0x3b: {  	_ = 	snop  }
0x3c: {  	p2 =	seq.s32 s10, $0x1;
	s10 =	sld [smem:$0x3F8B]  }
0x3d: {  	_ =	shalt  }
0x3e: {  	_ =	shalt  }
0x3f: {  	_ =	shalt  }
0x40: {  	_ =	shalt  }
0x41: {  	_ =	shalt  }
0x42: {  	_ =	shalt  }
0x43: {  	_ =	shalt  }
0x44: {  	_ =	shalt  }
0x45: {  	_ =	shalt  }
0x46: {  	_ =	shalt  }
0x47: {  	_ =	shalt  }
0x48: {  	_ =	shalt  }
0x49: {  	_ =	shalt  }
0x4a: {  	_ =	shalt  }
0x4b: {  	_ =	shalt  }
0x4c: {  	_ =	shalt  }
0x4d: {  	_ =	shalt  }
0x4e: {  	_ =	shalt  }
0x4f: {  	_ =	shalt  }
0x50: {  	_ =	shalt  }
0x51: {  	_ =	shalt  }
0x52: {  	_ =	shalt  }
0x53: {  	_ =	shalt  }
0x54: {  	_ =	shalt  }
0x55: {  	_ =	shalt  }
0x56: {  	_ =	shalt  }
0x57: {  	_ =	shalt  }
0x58: {  	_ =	shalt  }
0x59: {  	_ =	shalt  }
0x5a: {  	_ =	shalt  }
0x5b: {  	_ =	shalt  }
0x5c: {  	_ =	shalt  }
0x5d: {  	_ =	shalt  }
0x5e: {  	_ =	shalt  }
0x5f: {  	_ =	shalt  }
0x60: {  	_ =	shalt  }
0x61: {  	_ =	shalt  }
0x62: {  	_ =	shalt  }
0x63: {  	_ =	shalt  }
0x64: {  	_ =	shalt  }
0x65: {  	_ =	shalt  }
0x66: {  	_ =	shalt  }
0x67: {  	_ =	shalt  }
0x68: {  	_ =	shalt  }
0x69: {  	_ =	shalt  }
0x6a: {  	_ =	shalt  }
0x6b: {  	_ =	shalt  }
0x6c: {  	_ =	shalt  }
0x6d: {  	_ =	shalt  }
0x6e: {  	_ =	shalt  }
0x6f: {  	_ =	shalt  }
0x70: {  	_ =	shalt  }
0x71: {  	_ =	shalt  }
0x72: {  	_ =	shalt  }
0x73: {  	_ =	shalt  }
0x74: {  	_ =	shalt  }
0x75: {  	_ =	shalt  }
0x76: {  	_ =	shalt  }
0x77: {  	_ =	shalt  }
0x78: {  	_ =	shalt  }
0x79: {  	_ =	shalt  }
0x7a: {  	_ =	shalt  }
0x7b: {  	_ =	shalt  }
0x7c: {  	_ =	shalt  }
0x7d: {  	_ =	shalt  }
0x7e: {  	_ =	shalt  }
0x7f: {  	_ =	shalt  }
0x80: {  	_ =	shalt  }
0x81: {  	_ =	shalt  }
0x82: {  	_ =	shalt  }
0x83: {  	_ =	shalt  }
0x84: {  	_ =	shalt  }
0x85: {  	_ =	shalt  }
0x86: {  	_ =	shalt  }
0x87: {  	_ =	shalt  }
.Lfunc_end0:
.L_simem_size_0:
called_computation.1_lowered:
.L_overlay_start_0:
0x88: {  	s2 =	sld [smem:$0x3FD9]  }
0x89: {  	s3 =	sld [smem:$0x3FFE];
	_ =	sdelay $0x1  }
0x8a: {  	s1 =	srdreg.scid  }
0x8b: {  	s0 =	sand.u32 $0x1, s1  }
0x8c: {  	s16 =	sshll.u32 s0, $0xA;
	s2 =	sadd.s32 s3, s2  }
0x8d: {  	s2 =	sadd.s32 s2, s16  }
0x8e: {  	[smem:$0x3F97] =	sst s2  }
0x8f: {  	_ = 	snop  }
0x90: {  	(tm) =	ssettm $0x1  }
0x91: {  	s17 =	sld [smem:$0x3FFB];
	_ =	sdelay $0x3  }
0x92: {  	_ =	strace s17  }
0x93: {  	s2 =	sld [smem:$0x3FFC];
	_ =	sdelay $0x3  }
0x94: {  	_ =	strace s2  }
0x95: {  	s2 =	sld [smem:$0x3FFD];
	_ =	sdelay $0x3  }
0x96: {  	_ =	strace s2  }
0x97: {  	_ =	strace $0x8FFFFFFF  }
0x98: {  	s18 =	sld [smem:$0x3FDB];
	_ =	sdelay $0x1  }
0x99: {  	s19 =	simm.s32 $_scs_section_size  }
0x9a: {  	s4 =	simm.s32 $_size__tile_overlayer_lowered;
	s5 =	simm.s32 $_tile_overlayer_lowered  }
0x9b: {  	s22 =	simm.s32 $0x1BFF;
	s21 =	sshll.u32 s5, $0x1;
	s2 =	sadd.s32 s19, s18  }
0x9c: {  	s6 =	simm.s32 $0x0;
	s20 =	sshll.u32 s4, $0x1;
	s4 =	sadd.s32 s21, s2  }
0x9d: {  	[timem:s6], [sflag:s22] =	dma.local [hbm:s4], s20  }
0x9e: {  	_ =	swait.ge [sflag:s22], s20  }
0x9f: {  	s3 =	ssub.s32 $0x0, s20;
	[sflag:s22] =	ssyncset.done $0x0  }
0xa0: {  	[sflag:s22] =	ssyncadd.s32 s3;
	_ =	sdelay $0x1  }
0xa1: {  	s23 =	simm.s32 $0x1B8B  }
0xa2: {  	_ =	swait.ge [sflag:s23], $0x1  }
0xa3: {  	[sflag:s23] =	ssyncset.done $0x0  }
0xa4: {  	s25 =	simm.s32 $0x1B8E;
	s24 =	sld [smem:$0x3FFE];
	[sflag:s23] =	ssyncadd.s32 $0xFFFFFFFF  }
0xa5: {  	s26 =	simm.s32 $execute0_lowered;
	[smem:$0x3FD2] =	sst s25  }
0xa6: {  	s4 =	sshll.u32 s26, $0x1;
	_ =	strace $0x80000049;
	[dreg:$0x1] =	wrdreg $0xFFFFFFFF  }
0xa7: {  	s28 =	simm.s32 $_size_execute0_lowered;
	s2 =	sadd.s32 s2, s4;
	[dreg:$0x0] =	wrdreg $0x0  }
0xa8: {  	s4 =	sshll.u32 s28, $0x1;
	[dreg:$0x2] =	wrdreg s2  }
0xa9: {  	[dreg:$0x3] =	wrdreg s4  }
0xaa: {  	[dreg:$0x4] =	wrdreg $0xC0  }
0xab: {  	_ =	task [dreg:s6], $0x5FFFF  }
0xac: {  	[dreg:$0x1] =	wrdreg $0xFFFFFFFF  }
0xad: {  	[dreg:$0x0] =	wrdreg $0x60  }
0xae: {  	[dreg:$0x2] =	wrdreg s24  }
0xaf: {  	[dreg:$0x3] =	wrdreg $0x9  }
0xb0: {  	_ =	task.clear_ibuf [dreg:s6], $0x4FFFF;
	_ =	strace $0x90000049  }
0xb1: {  	s29 =	simm.s32 $0x9;
	_ =	strace $0x8000004B  }
0xb2: {  	_ =	swait.ge [sflag:s29], $0x1  }
0xb3: {  	[sflag:s29] =	ssyncadd.s32 $0xFFFFFFFF  }
0xb4: {  	_ =	strace $0x9000004B  }
0xb5: {  	_ =	sfence  }
0xb6: {  	s30 =	sld [smem:$0x0];
	_ =	sdelay $0x2  }
0xb7: {  	s31 =	sshll.u32 s1, $0xD;
	s1 =	sshrl.u32 s1, $0x2  }
0xb8: {  	s3 =	sand.u32 $0x4000, s31;
	s1 =	sadd.s32 s1, s30  }
0xb9: {  	s0 =	sor.u32 s3, s0;
	s1 =	sshll.u32 s1, $0x11  }
0xba: {  	s0 =	sor.u32 s1, s0  }
0xbb: {  	s0 =	sadd.s32 $0x8F2B, s0  }
0xbc: {  	[sflag:s0] =	ssyncadd.remote.s32 $0x1  }
0xbd: {  	_ =	sfence.sel $0xFFFF  }
0xbe: {  	[dreg:$0x0] =	wrdreg $0xFFFFFFFF;
	(pc) =	sbr.abs _section_cstart, $3  }
0xbf: {  	[dreg:$0x1] =	wrdreg $0xFFFFFFFF  }
0xc0: {  	_ =	task.clear_ibuf [dreg:s6], $0x2FFFF;
	_ =	strace $0x9FFFFFFF  }
0xc1: {  	(tm) =	ssettm $0x7FFFFFFF  }
tec
execute0_lowered:
.L_overlay_start_1:
0x0: {  	(tag) =	ssettag $0x1  }
0x1: {  	s5 =	rddreg [dreg:$0x0]  }
0x2: {  	s0 =	rddreg [dreg:$0x1]  }
0x3: {  	s3 =	srdreg.scid;
	s2 =	simm.s32 $0x0;
	s1 =	stileid.u32  }
0x4: {  	s12 =	simm.s32 $0x1000;
	s13 =	simm.s32 $0x1800;
	s14 =	simm.s32 $0x5800  }
0x5: {  	s15 =	simm.s32 $0x1;
	s16 =	simm.s32 $0x0;
	s6 =	sand.u32 $0x1, s3  }
0x6: {  	[smem:$0x7FF] =	sst s2;
	s28 =	sshll.u32 s1, $0xC;
	s3 =	sadd.s32 $0x4D600, s5  }
0x7: {  	s8 =	sshll.u32 s1, $0xD;
	s10 =	sshll.u32 s1, $0x10;
	s4 =	sshll.u32 s6, $0xB  }
0x8: {  	_ =	strace $0x8000004A;
	s9 =	ssub.s32 $0x2, s6;
	s8 =	sadd.s32 s8, s5  }
0x9: {  	s10 =	sadd.s32 s10, s5;
	s29 =	sshll.u32 s6, $0xF;
	s31 =	sshll.u32 s6, $0xC  }
0xa: {  	s7 =	sor.u32 s4, s28;
	s4 =	sadd.s32 $0x7600, s5;
	s11 =	sshrl.u32 s9, $0x1  }
0xb: {  	s30 =	sadd.s32 s29, s10;
	s8 =	sadd.s32 s31, s8;
	s10 =	simm.s32 $0x80  }
0xc: {  	s7 =	sshrl.u32 s7, $0x3;
	s9 =	ssub.s32 s9, s11;
	s8 =	sadd.s32 $0x17700, s8  }
0xd: {  	s11 =	simm.s32 $0x800;
	s7 =	sadd.s32 s7, s5;
	s6 =	smax.u32 s9, $0x1  }
0xe: {  	s9 =	simm.s32 $0x2;
	s5 =	sadd.s32 $0x4B600, s7;
	s7 =	sadd.s32 $0x4F600, s30  }
.LBB2_1:
0xf: {  	[tilespmem:s2], [sflag:$0x2] =	stream.linear.gather [hbm4b:s5+s2], $0x800, $0x38;
	[tilespmem:$0x9800] =	vst v63  }
0x10: {  	_ =	swait.ge [sflag:s9], $0x800  }
0x11: {  	[sflag:s9] =	ssyncset.done $0x0  }
0x12: {  	s17 =	simm.s32 $0x0;
	[sflag:s9] =	ssyncadd.s32 $0xFFFFF800  }
0x13: {  	[tilespmem:s11], [sflag:$0x1] =	stream.indirect.gather [hbm4b:s3+s10], $0x10, s17, s10, $0xb8;
	[tilespmem:$0x9800] =	vst v63  }
0x14: {  	_ = 	snop  }
0x15: {  	[tilespmem:s12], [sflag:$0x1] =	stream.indirect.gather [hbm4b:s3+s10], $0x10, s10, s10, $0xb8;
	[tilespmem:$0x9800] =	vst v63  }
0x16: {  	_ = 	snop  }
0x17: {  	[tilespmem:s13], [sflag:$0x1] =	stream.indirect.gather [hbm4b:s4+s10], $0x80, s17, s10, $0xb8;
	[tilespmem:$0x9800] =	vst v63  }
0x18: {  	_ = 	snop  }
0x19: {  	[tilespmem:s14], [sflag:$0x1] =	stream.indirect.gather [hbm4b:s4+s10], $0x80, s10, s10, $0xb8;
	[tilespmem:$0x9800] =	vst v63  }
0x1a: {  	_ =	swait.ge [sflag:s15], $0x800  }
0x1b: {  	[sflag:s15] =	ssyncset.done $0x0  }
0x1c: {  	[sflag:s15] =	ssyncadd.s32 $0xFFFFF800  }
0x1d: {  	_ =	swait.ge [sflag:s15], $0x800  }
0x1e: {  	[sflag:s15] =	ssyncset.done $0x0  }
0x1f: {  	[sflag:s15] =	ssyncadd.s32 $0xFFFFF800  }
0x20: {  	_ =	swait.ge [sflag:s15], $0x4000  }
0x21: {  	[sflag:s15] =	ssyncset.done $0x0  }
0x22: {  	[sflag:s15] =	ssyncadd.s32 $0xFFFFC000  }
0x23: {  	_ =	swait.ge [sflag:s15], $0x4000  }
0x24: {  	[sflag:s15] =	ssyncset.done $0x0  }
0x25: {  	s30 =	sadd.s32 $0xFFFFFF00, s8;
	[sflag:s15] =	ssyncadd.s32 $0xFFFFC000  }
0x26: {  	[hbm4b:s30+s2] =	stream.linear.scatter [tilespmem:s11], [sflag:$0x2], $0x800, $0x38;
	[tilespmem:$0x9800] =	vst v63  }
0x27: {  	_ =	swait.ge [sflag:s9], $0x800  }
0x28: {  	[sflag:s9] =	ssyncset.done $0x0  }
0x29: {  	[sflag:s9] =	ssyncadd.s32 $0xFFFFF800  }
0x2a: {  	[hbm4b:s8+s2] =	stream.linear.scatter [tilespmem:s12], [sflag:$0x2], $0x800, $0x38;
	[tilespmem:$0x9800] =	vst v63  }
0x2b: {  	_ =	swait.ge [sflag:s9], $0x800  }
0x2c: {  	[sflag:s9] =	ssyncset.done $0x0  }
0x2d: {  	s31 =	sadd.s32 $0x0, s7;
	[sflag:s9] =	ssyncadd.s32 $0xFFFFF800  }
0x2e: {  	[hbm4b:s31+s2] =	stream.linear.scatter [tilespmem:s13], [sflag:$0x2], $0x4000, $0x38;
	[tilespmem:$0x9800] =	vst v63  }
0x2f: {  	_ =	swait.ge [sflag:s9], $0x4000  }
0x30: {  	[sflag:s9] =	ssyncset.done $0x0  }
0x31: {  	s17 =	sadd.s32 $0x800, s31;
	[sflag:s9] =	ssyncadd.s32 $0xFFFFC000  }
0x32: {  	[hbm4b:s17+s2] =	stream.linear.scatter [tilespmem:s14], [sflag:$0x2], $0x4000, $0x38;
	[tilespmem:$0x9800] =	vst v63  }
0x33: {  	s20 =	simm.s32 $0x2000;
	s19 =	simm.s32 $0x180;
	_ =	swait.ge [sflag:s9], $0x4000  }
0x34: {  	s18 =	smov.u32 s8;
	s17 =	simm.s32 $0x1000;
	[sflag:s9] =	ssyncset.done $0x0  }
.LBB2_2:
0x35: {  	s21 =	sadd.s32 $0xFFFFFF80, s19;
	[sflag:s9] =	ssyncadd.s32 $0xFFFFC000;
	s18 =	sadd.s32 $0x200, s18  }
0x36: {  	[tilespmem:s11], [sflag:$0x1] =	stream.indirect.gather [hbm4b:s3+s10], $0x10, s21, s10, $0xb8;
	[tilespmem:$0x9800] =	vst v63  }
0x37: {  	p0 =	sne.s32 s20, $0x7000;
	s22 =	smov.u32 s20;
	s20 =	sadd.s32 $0x1000, s20  }
0x38: {  	[tilespmem:s12], [sflag:$0x1] =	stream.indirect.gather [hbm4b:s3+s10], $0x10, s19, s10, $0xb8;
	[tilespmem:$0x9800] =	vst v63  }
0x39: {  	_ = 	snop  }
0x3a: {  	[tilespmem:s13], [sflag:$0x1] =	stream.indirect.gather [hbm4b:s4+s10], $0x80, s21, s10, $0xb8;
	[tilespmem:$0x9800] =	vst v63  }
0x3b: {  	_ = 	snop  }
0x3c: {  	[tilespmem:s14], [sflag:$0x1] =	stream.indirect.gather [hbm4b:s4+s10], $0x80, s19, s10, $0xb8;
	[tilespmem:$0x9800] =	vst v63  }
0x3d: {  	_ =	swait.ge [sflag:s15], $0x800  }
0x3e: {  	[sflag:s15] =	ssyncset.done $0x0  }
0x3f: {  	[sflag:s15] =	ssyncadd.s32 $0xFFFFF800  }
0x40: {  	_ =	swait.ge [sflag:s15], $0x800  }
0x41: {  	[sflag:s15] =	ssyncset.done $0x0  }
0x42: {  	[sflag:s15] =	ssyncadd.s32 $0xFFFFF800  }
0x43: {  	_ =	swait.ge [sflag:s15], $0x4000  }
0x44: {  	[sflag:s15] =	ssyncset.done $0x0  }
0x45: {  	[sflag:s15] =	ssyncadd.s32 $0xFFFFC000  }
0x46: {  	_ =	swait.ge [sflag:s15], $0x4000  }
0x47: {  	[sflag:s15] =	ssyncset.done $0x0  }
0x48: {  	s21 =	sadd.s32 $0xFFFFFF00, s18;
	[sflag:s15] =	ssyncadd.s32 $0xFFFFC000  }
0x49: {  	[hbm4b:s21+s2] =	stream.linear.scatter [tilespmem:s11], [sflag:$0x2], $0x800, $0x38;
	[tilespmem:$0x9800] =	vst v63  }
0x4a: {  	_ =	swait.ge [sflag:s9], $0x800  }
0x4b: {  	[sflag:s9] =	ssyncset.done $0x0  }
0x4c: {  	[sflag:s9] =	ssyncadd.s32 $0xFFFFF800  }
0x4d: {  	[hbm4b:s18+s2] =	stream.linear.scatter [tilespmem:s12], [sflag:$0x2], $0x800, $0x38;
	[tilespmem:$0x9800] =	vst v63  }
0x4e: {  	_ =	swait.ge [sflag:s9], $0x800  }
0x4f: {  	[sflag:s9] =	ssyncset.done $0x0  }
0x50: {  	s21 =	sadd.s32 s17, s7;
	s17 =	smov.u32 s22;
	[sflag:s9] =	ssyncadd.s32 $0xFFFFF800  }
0x51: {  	[hbm4b:s21+s2] =	stream.linear.scatter [tilespmem:s13], [sflag:$0x2], $0x4000, $0x38;
	[tilespmem:$0x9800] =	vst v63  }
0x52: {  	_ =	swait.ge [sflag:s9], $0x4000  }
.Ltmp0:
0x53: {  	[sflag:s9] =	ssyncset.done $0x0;
	(pc) =	sbr.rel @p0 .LBB2_2-.Ltmp0, $4  }
0x54: {  	s21 =	sadd.s32 $0x800, s21;
	[sflag:s9] =	ssyncadd.s32 $0xFFFFC000  }
0x55: {  	[hbm4b:s21+s2] =	stream.linear.scatter [tilespmem:s14], [sflag:$0x2], $0x4000, $0x38;
	[tilespmem:$0x9800] =	vst v63  }
0x56: {  	_ =	swait.ge [sflag:s9], $0x4000  }
0x57: {  	s19 =	sadd.s32 $0x100, s19;
	[sflag:s9] =	ssyncset.done $0x0  }
0x58: {  	s20 =	sadd.s32 $0xFFFFFF80, s19;
	[sflag:s9] =	ssyncadd.s32 $0xFFFFC000  }
0x59: {  	[tilespmem:s11], [sflag:$0x1] =	stream.indirect.gather [hbm4b:s3+s10], $0x10, s20, s10, $0xb8;
	[tilespmem:$0x9800] =	vst v63  }
0x5a: {  	_ = 	snop  }
0x5b: {  	[tilespmem:s12], [sflag:$0x1] =	stream.indirect.gather [hbm4b:s3+s10], $0x10, s19, s10, $0xb8;
	[tilespmem:$0x9800] =	vst v63  }
0x5c: {  	_ = 	snop  }
0x5d: {  	[tilespmem:s13], [sflag:$0x1] =	stream.indirect.gather [hbm4b:s4+s10], $0x80, s20, s10, $0xb8;
	[tilespmem:$0x9800] =	vst v63  }
0x5e: {  	_ = 	snop  }
0x5f: {  	[tilespmem:s14], [sflag:$0x1] =	stream.indirect.gather [hbm4b:s4+s10], $0x80, s19, s10, $0xb8;
	[tilespmem:$0x9800] =	vst v63  }
0x60: {  	_ =	swait.ge [sflag:s15], $0x800  }
0x61: {  	[sflag:s15] =	ssyncset.done $0x0  }
0x62: {  	[sflag:s15] =	ssyncadd.s32 $0xFFFFF800  }
0x63: {  	_ =	swait.ge [sflag:s15], $0x800  }
0x64: {  	[sflag:s15] =	ssyncset.done $0x0  }
0x65: {  	[sflag:s15] =	ssyncadd.s32 $0xFFFFF800  }
0x66: {  	_ =	swait.ge [sflag:s15], $0x4000  }
0x67: {  	[sflag:s15] =	ssyncset.done $0x0  }
0x68: {  	[sflag:s15] =	ssyncadd.s32 $0xFFFFC000  }
0x69: {  	_ =	swait.ge [sflag:s15], $0x4000  }
0x6a: {  	s18 =	sadd.s32 $0x200, s18;
	[sflag:s15] =	ssyncset.done $0x0  }
0x6b: {  	s31 =	sadd.s32 $0xFFFFFF00, s18;
	[sflag:s15] =	ssyncadd.s32 $0xFFFFC000  }
0x6c: {  	[hbm4b:s31+s2] =	stream.linear.scatter [tilespmem:s11], [sflag:$0x2], $0x800, $0x38;
	[tilespmem:$0x9800] =	vst v63  }
0x6d: {  	_ =	swait.ge [sflag:s9], $0x800  }
0x6e: {  	[sflag:s9] =	ssyncset.done $0x0  }
0x6f: {  	[sflag:s9] =	ssyncadd.s32 $0xFFFFF800  }
0x70: {  	[hbm4b:s18+s2] =	stream.linear.scatter [tilespmem:s12], [sflag:$0x2], $0x800, $0x38;
	[tilespmem:$0x9800] =	vst v63  }
0x71: {  	_ =	swait.ge [sflag:s9], $0x800  }
0x72: {  	[sflag:s9] =	ssyncset.done $0x0  }
0x73: {  	s17 =	sadd.s32 s17, s7;
	[sflag:s9] =	ssyncadd.s32 $0xFFFFF800  }
0x74: {  	[hbm4b:s17+s2] =	stream.linear.scatter [tilespmem:s13], [sflag:$0x2], $0x4000, $0x38;
	[tilespmem:$0x9800] =	vst v63  }
0x75: {  	s16 =	sadd.s32 $0x1, s16;
	_ =	swait.ge [sflag:s9], $0x4000  }
0x76: {  	p0 =	sne.s32 s16, s6;
	[sflag:s9] =	ssyncset.done $0x0  }
.Ltmp1:
0x77: {  	s17 =	sadd.s32 $0x800, s17;
	[sflag:s9] =	ssyncadd.s32 $0xFFFFC000;
	(pc) =	sbr.rel @p0 .LBB2_1-.Ltmp1, $4  }
0x78: {  	[hbm4b:s17+s2] =	stream.linear.scatter [tilespmem:s14], [sflag:$0x2], $0x4000, $0x38;
	[tilespmem:$0x9800] =	vst v63  }
0x79: {  	_ =	swait.ge [sflag:s9], $0x4000  }
0x7a: {  	[sflag:s9] =	ssyncset.done $0x0  }
0x7b: {  	[sflag:s9] =	ssyncadd.s32 $0xFFFFC000  }
0x7c: {  	_ =	sfence.sel $0x180000  }
0x7d: {  	[bflag:$0x0] =	sbarrier.arrive $0xFFFF  }
0x7e: {  	p0 =	sne.s32 s1, $0x0;
	_ =	strace $0x9000004A  }
0x7f: {  	s0 =	sadd.s32 @!p0 $0x100000, s0;
	[bflag:$0x2] =	sbarrier.arrive $0xFFFF  }
0x80: {  	[sflag:s0] =	ssyncadd.tile.s32 @!p0 $0x1;
	_ =	shalt  }
.Lfunc_end2:
_tile_overlayer_lowered:
.L_overlay_start_2:
0x81: {  	(tag) =	ssettag $0x2  }
0x82: {  	s0 =	rddreg [dreg:$0x0];
	s2 =	stileid.u32  }
0x83: {  	s1 =	rddreg [dreg:$0x1];
	p0 =	sne.s32 s2, $0x0  }
0x84: {  	s3 =	rddreg [dreg:$0x2];
	[bflag:$0x3] =	sbarrier.arrive $0xFFFF;
	s2 =	simm.s32 @!p0 $0x1C02  }
0x85: {  	[timem:s3], [sflag:s2] =	dma.local @!p0 [hbm:s0], s1  }
0x86: {  	s0 =	simm.s32 @!p0 $0x2  }
0x87: {  	_ =	swait.ge @!p0 [sflag:s0], s1  }
0x88: {  	s1 =	ssub.s32 @!p0 $0x0, s1;
	[sflag:s0] =	ssyncset.done @!p0 $0x0  }
0x89: {  	[sflag:s0] =	ssyncadd.s32 @!p0 s1  }
0x8a: {  	[bflag:$0x3] =	sbarrier.arrive $0xFFFF  }
0x8b: {  	_ =	shalt  }

</sc_bundles>
